<compile_context>
chip_gen: v7x
topology: tpu7x:2x2x1
jax: 0.10.2.dev20260603
libtpu: 0.0.44.dev20260713+nightly
codegen_flags: <defaults>
</compile_context>

<pallas_src>
import functools

import numpy as np
import jax
import jax.numpy as jnp
from jax import lax
from jax.experimental import pallas as pl
from jax.experimental.pallas import tpu as pltpu
from jax.experimental.pallas import tpu_sc as plsc

_B, _S = 4096, 200
_VOCAB = 100000
_ROT_A = (13, 15, 26, 6)
_ROT_B = (17, 29, 16, 24)
_TINY = np.float32(1.1754943508222875e-38)
_COLS = 3200
_BLOCK_ROWS = 32


def _np_threefry2x32(k0, k1, c0, c1):
    k0 = np.uint32(k0)
    k1 = np.uint32(k1)
    x0 = (np.asarray(c0, np.uint32) + k0).astype(np.uint32)
    x1 = (np.asarray(c1, np.uint32) + k1).astype(np.uint32)
    ks = (k0, k1, np.uint32(k0 ^ k1 ^ np.uint32(0x1BD11BDA)))
    for d in range(5):
        for r in (_ROT_A if d % 2 == 0 else _ROT_B):
            x0 = (x0 + x1).astype(np.uint32)
            x1 = (((x1 << np.uint32(r)) | (x1 >> np.uint32(32 - r))) ^ x0).astype(np.uint32)
        x0 = (x0 + ks[(d + 1) % 3]).astype(np.uint32)
        x1 = (x1 + ks[(d + 2) % 3] + np.uint32(d + 1)).astype(np.uint32)
    return x0, x1


def _derive_keys(seed):
    o0, o1 = _np_threefry2x32(0, seed, np.uint32([0, 0]), np.uint32([0, 1]))
    k_mask = (int(o0[0]), int(o1[0]))
    k2 = (int(o0[1]), int(o1[1]))
    p0, p1 = _np_threefry2x32(k2[0], k2[1], np.uint32([0, 0]), np.uint32([0, 1]))
    k_samp = (int(p0[1]), int(p1[1]))
    return k_mask, k_samp


_K_MASK, _K_SAMP = _derive_keys(42)


def _tf_bits(key, ctr):
    k0 = np.uint32(key[0])
    k1 = np.uint32(key[1])
    ks2 = np.uint32(k0 ^ k1 ^ np.uint32(0x1BD11BDA))
    ks = (k0, k1, ks2)
    x0 = jnp.full_like(ctr, k0)
    x1 = ctr + k1
    for d in range(5):
        for r in (_ROT_A if d % 2 == 0 else _ROT_B):
            x0 = x0 + x1
            x1 = ((x1 << np.uint32(r)) | (x1 >> np.uint32(32 - r))) ^ x0
        x0 = x0 + ks[(d + 1) % 3]
        x1 = x1 + ks[(d + 2) % 3] + np.uint32(d + 1)
    return x0 ^ x1


def _uniform(bits):
    return jax.lax.bitcast_convert_type(
        (bits >> np.uint32(9)) | np.uint32(0x3F800000), jnp.float32) - 1.0


def _body(off_ref, x_ref, o_ref):
    i = pl.program_id(0)
    row_off = off_ref[0, 0].astype(jnp.uint32)

    r = (jax.lax.broadcasted_iota(jnp.uint32, (_BLOCK_ROWS, _COLS), 0)
         + np.uint32(_BLOCK_ROWS) * i.astype(jnp.uint32))
    c = jax.lax.broadcasted_iota(jnp.uint32, (_BLOCK_ROWS, _COLS), 1)
    cdiv = (c.astype(jnp.float32) * np.float32(1.0 / _S)).astype(jnp.int32
                                                                 ).astype(jnp.uint32)
    b = row_off + r * np.uint32(_COLS // _S) + cdiv
    s = c - cdiv * np.uint32(_S)

    f0 = s * np.uint32(2 * _B) + b * np.uint32(2)
    u0 = _uniform(_tf_bits(_K_MASK, f0))
    u1 = _uniform(_tf_bits(_K_MASK, f0 + np.uint32(1)))
    u2 = u0 * u0
    u4 = u2 * u2
    p9 = u4 * u4 * u0
    drop = u1 <= p9

    v = _tf_bits(_K_SAMP, b * np.uint32(_S) + s)
    vi = jax.lax.bitcast_convert_type(v, jnp.int32)
    q = (v.astype(jnp.float32) * np.float32(1.0 / _VOCAB)).astype(jnp.int32)
    rr = vi - q * np.int32(_VOCAB)
    rr = jnp.where(rr < 0, rr + np.int32(_VOCAB), rr)
    rr = jnp.where(rr >= _VOCAB, rr - np.int32(_VOCAB), rr)

    o_ref[...] = jnp.where(drop, rr.astype(jnp.float32), x_ref[...])


def _shard_rows(x, row_off):
    rows, cols = x.shape
    dense_rows = rows * cols // _COLS
    xd = x.reshape(dense_rows, _COLS)
    off_arr = jnp.reshape(row_off.astype(jnp.int32), (1, 1))
    out = pl.pallas_call(
        _body,
        grid=(dense_rows // _BLOCK_ROWS,),
        in_specs=[
            pl.BlockSpec(memory_space=pltpu.SMEM),
            pl.BlockSpec((_BLOCK_ROWS, _COLS), lambda i: (i, 0)),
        ],
        out_specs=pl.BlockSpec((_BLOCK_ROWS, _COLS), lambda i: (i, 0)),
        out_shape=jax.ShapeDtypeStruct((dense_rows, _COLS), jnp.float32),
    )(off_arr, xd)
    return out.reshape(rows, cols)


_SC_ROWS = 512
_NC, _NS, _LANES = 2, 16, 16
_NW = _NC * _NS


def _sc_tail(x_flat, row0):
    elems = _SC_ROWS * _S
    per_w = elems // _NW
    mesh = plsc.VectorSubcoreMesh(core_axis_name="c", subcore_axis_name="s")

    @functools.partial(
        pl.kernel, mesh=mesh,
        out_type=jax.ShapeDtypeStruct((elems,), jnp.float32),
        scratch_types=[
            pltpu.VMEM((per_w,), jnp.float32),
            pltpu.VMEM((per_w,), jnp.float32),
        ],
    )
    def k(x_hbm, out_hbm, xin_v, xout_v):
        wid = lax.axis_index("s") * _NC + lax.axis_index("c")
        base = wid * per_w
        pltpu.sync_copy(x_hbm.at[pl.ds(base, per_w)], xin_v)
        gbase = np.int32(row0 * _S) + base

        def body(j, carry):
            off = j * np.int32(_LANES)
            gidx = gbase + off + lax.iota(jnp.int32, _LANES)
            gu = gidx.astype(jnp.uint32)
            bq = (gidx.astype(jnp.float32) * np.float32(1.0 / _S)
                  ).astype(jnp.int32).astype(jnp.uint32)
            s = gu - bq * np.uint32(_S)
            f0 = s * np.uint32(2 * _B) + bq * np.uint32(2)
            u0 = _uniform(_tf_bits(_K_MASK, f0))
            u1 = _uniform(_tf_bits(_K_MASK, f0 + np.uint32(1)))
            u2 = u0 * u0
            u4 = u2 * u2
            drop = u1 <= u4 * u4 * u0
            v = _tf_bits(_K_SAMP, gu)
            vi = jax.lax.bitcast_convert_type(v, jnp.int32)
            q = (v.astype(jnp.float32) * np.float32(1.0 / _VOCAB)).astype(jnp.int32)
            rr = vi - q * np.int32(_VOCAB)
            rr = jnp.where(rr < 0, rr + np.int32(_VOCAB), rr)
            rr = jnp.where(rr >= _VOCAB, rr - np.int32(_VOCAB), rr)
            xv = xin_v[pl.ds(off, _LANES)]
            xout_v[pl.ds(off, _LANES)] = jnp.where(drop, rr.astype(jnp.float32), xv)
            return carry

        lax.fori_loop(0, per_w // _LANES, body, jnp.int32(0))
        pltpu.sync_copy(xout_v, out_hbm.at[pl.ds(base, per_w)])

    return k(x_flat)


def kernel(inputs):
    tc_rows = _B - _SC_ROWS
    half = 2048
    out_a = _shard_rows(inputs[:half], jnp.int32(0))
    out_sc = _sc_tail(inputs[tc_rows:].reshape(-1), tc_rows)
    out_b = _shard_rows(inputs[half:tc_rows], jnp.int32(half))
    return jnp.concatenate([out_a, out_b, out_sc.reshape(_SC_ROWS, _S)], axis=0)

# --- scband reference (transcript-rebuilt; emitter-appended) ---
"""Pipeline reference for scband-drop-word-62766652064257 (READ-ONLY COPY).

The authoritative reference and input builder live on the scoring server;
editing this copy changes nothing except your own understanding.
"""

import jax, jax.numpy as jnp
import numpy as np

DROPWORD_PROB = 0.1
VOCAB_SIZE = 100000


def setup_inputs(seed: int = 0) -> dict:
    key = jax.random.key(seed)
    inputs = jax.random.randint(key, (4096, 200), 0, VOCAB_SIZE).astype(jnp.float32)
    return {"inputs": inputs}


def reference(inputs):
    B, S = inputs.shape
    key = jax.random.key(42)
    k1, k2 = jax.random.split(key)
    # mask: tf.random.categorical over log([p, 1-p]) gives 0 with prob p;
    # mask = 1 - sample  => mask == 1 with probability dropword_prob
    logits = jnp.log(jnp.tile(jnp.array([[DROPWORD_PROB, 1.0 - DROPWORD_PROB]], dtype=jnp.float32), (B, 1)))
    cat = jax.random.categorical(k1, logits, shape=(S, B)).T  # (B, S) in {0,1}
    mask = (1 - cat).astype(jnp.float32)
    # samples: categorical over uniform logits across vocab == uniform randint over vocab
    samples = jax.random.randint(k2, (B, S), 0, VOCAB_SIZE).astype(jnp.float32)
    dropped_words = inputs * (1.0 - mask) + mask * samples
    return dropped_words

if __name__ == "__main__":
    import jax
    _d = setup_inputs()
    print(jax.jit(kernel)(*tuple(_d.values())))

</pallas_src>

<mosaic_0001>
#map = affine_map<(d0, d1) -> (0)>
module attributes {stable_mosaic.version = 14 : i64} {
  func.func @k(%arg0: i32, %arg1: i32, %arg2: memref<102400xf32, #tpu.memory_space<hbm>>, %arg3: memref<102400xf32, #tpu.memory_space<hbm>>, %arg4: memref<3200xf32, #tpu.memory_space<vmem>>, %arg5: memref<3200xf32, #tpu.memory_space<vmem>>) attributes {dimension_semantics = [#tpu.dimension_semantics<core_parallel>, #tpu.dimension_semantics<subcore_parallel>], iteration_bounds = array<i64: 2, 16>, scalar_prefetch = 0 : i64, scratch_operands = 2 : i64, tpu.core_type = #tpu.core_type<sc_vector_subcore>, window_params = [{transform_indices = #map}, {transform_indices = #map}]} {
    %mul3A = arith.constant 2 : i32
    %mul3A_0 = arith.muli %arg1, %mul3A : i32
    %add3A = arith.addi %mul3A_0, %arg0 : i32
    %mul3A_1 = arith.constant 3200 : i32
    %mul3A_2 = arith.muli %add3A, %mul3A_1 : i32
    "tpu.region"() ({
      %run_scoped3A = tpu.sem_alloc : memref<!tpu.dma_semaphore, #tpu.memory_space<semaphore_mem>>
      %dma_start3A = tpu.memref_slice %arg2[%mul3A_2] : memref<102400xf32, #tpu.memory_space<hbm>> -> memref<3200xf32, #tpu.memory_space<hbm>>
      %dma_start3A_10 = tpu.memref_slice %arg2[%mul3A_2] : memref<102400xf32, #tpu.memory_space<hbm>> -> memref<3200xf32, #tpu.memory_space<hbm>>
      tpu.enqueue_dma source(%dma_start3A_10 : memref<3200xf32, #tpu.memory_space<hbm>>) target(%arg4 : memref<3200xf32, #tpu.memory_space<vmem>>) target_semaphore(%run_scoped3A : memref<!tpu.dma_semaphore, #tpu.memory_space<semaphore_mem>>)
      %dma_wait3A = tpu.memref_slice %arg2[%mul3A_2] : memref<102400xf32, #tpu.memory_space<hbm>> -> memref<3200xf32, #tpu.memory_space<hbm>>
      %dma_wait3A_11 = tpu.memref_slice %arg2[%mul3A_2] : memref<102400xf32, #tpu.memory_space<hbm>> -> memref<3200xf32, #tpu.memory_space<hbm>>
      tpu.wait_dma2 semaphore(%run_scoped3A : memref<!tpu.dma_semaphore, #tpu.memory_space<semaphore_mem>>) src(%dma_wait3A_11 : memref<3200xf32, #tpu.memory_space<hbm>>) dst(%arg4 : memref<3200xf32, #tpu.memory_space<vmem>>)
      tpu.yield
    }) : () -> ()
    %add3A_3 = arith.constant 716800 : i32
    %add3A_4 = arith.addi %add3A_3, %mul3A_2 : i32
    %scan3A = arith.constant 0 : i32
    %scan3A_5 = arith.constant 0 : i32
    %scan3A_6 = arith.constant 200 : i32
    %scan3A_7 = arith.addi %scan3A_5, %scan3A_6 : i32
    %scan3A_8 = arith.constant 1 : i32
    scf.for %scan3A_10 = %scan3A_5 to %scan3A_7 step %scan3A_8  : i32 {
      %mul3A_11 = arith.constant 16 : i32
      %mul3A_12 = arith.muli %scan3A_10, %mul3A_11 : i32
      %add3A_13 = arith.addi %add3A_4, %mul3A_12 : i32
      %iota3A = tpu.iota {dimensions = array<i32: 0>} : vector<16xi32>
      %add3A_14 = vector.broadcast %add3A_13 : i32 to vector<16xi32>
      %add3A_15 = arith.addi %add3A_14, %iota3A : vector<16xi32>
      %convert_element_type3A = arith.sitofp %add3A_15 : vector<16xi32> to vector<16xf32>
      %mul3A_16 = arith.constant 5.000000e-03 : f32
      %mul3A_17 = vector.broadcast %mul3A_16 : f32 to vector<16xf32>
      %mul3A_18 = arith.mulf %convert_element_type3A, %mul3A_17 : vector<16xf32>
      %convert_element_type3A_19 = arith.fptosi %mul3A_18 : vector<16xf32> to vector<16xi32>
      %mul3A_20 = arith.constant 200 : i32
      %mul3A_21 = vector.broadcast %mul3A_20 : i32 to vector<16xi32>
      %mul3A_22 = arith.muli %convert_element_type3A_19, %mul3A_21 : vector<16xi32>
      %sub3A = arith.subi %add3A_15, %mul3A_22 : vector<16xi32>
      %mul3A_23 = arith.constant 8192 : i32
      %mul3A_24 = vector.broadcast %mul3A_23 : i32 to vector<16xi32>
      %mul3A_25 = arith.muli %sub3A, %mul3A_24 : vector<16xi32>
      %mul3A_26 = arith.constant 2 : i32
      %mul3A_27 = vector.broadcast %mul3A_26 : i32 to vector<16xi32>
      %mul3A_28 = arith.muli %convert_element_type3A_19, %mul3A_27 : vector<16xi32>
      %add3A_29 = arith.addi %mul3A_25, %mul3A_28 : vector<16xi32>
      %broadcast_in_dim3A = arith.constant 1832780943 : i32
      %broadcast_in_dim3A_30 = vector.broadcast %broadcast_in_dim3A : i32 to vector<16xi32>
      %add3A_31 = arith.constant 270669613 : i32
      %add3A_32 = vector.broadcast %add3A_31 : i32 to vector<16xi32>
      %add3A_33 = arith.addi %add3A_29, %add3A_32 : vector<16xi32>
      %add3A_34 = arith.addi %broadcast_in_dim3A_30, %add3A_33 : vector<16xi32>
      %shift_left3A = arith.constant 13 : i32
      %shift_left3A_35 = vector.broadcast %shift_left3A : i32 to vector<16xi32>
      %shift_left3A_36 = arith.shli %add3A_33, %shift_left3A_35 : vector<16xi32>
      %shift_right_logical3A = arith.constant 19 : i32
      %shift_right_logical3A_37 = vector.broadcast %shift_right_logical3A : i32 to vector<16xi32>
      %shift_right_logical3A_38 = arith.shrui %add3A_33, %shift_right_logical3A_37 : vector<16xi32>
      %or3A = arith.ori %shift_left3A_36, %shift_right_logical3A_38 : vector<16xi32>
      %xor3A = arith.xori %or3A, %add3A_34 : vector<16xi32>
      %add3A_39 = arith.addi %add3A_34, %xor3A : vector<16xi32>
      %shift_left3A_40 = arith.constant 15 : i32
      %shift_left3A_41 = vector.broadcast %shift_left3A_40 : i32 to vector<16xi32>
      %shift_left3A_42 = arith.shli %xor3A, %shift_left3A_41 : vector<16xi32>
      %shift_right_logical3A_43 = arith.constant 17 : i32
      %shift_right_logical3A_44 = vector.broadcast %shift_right_logical3A_43 : i32 to vector<16xi32>
      %shift_right_logical3A_45 = arith.shrui %xor3A, %shift_right_logical3A_44 : vector<16xi32>
      %or3A_46 = arith.ori %shift_left3A_42, %shift_right_logical3A_45 : vector<16xi32>
      %xor3A_47 = arith.xori %or3A_46, %add3A_39 : vector<16xi32>
      %add3A_48 = arith.addi %add3A_39, %xor3A_47 : vector<16xi32>
      %shift_left3A_49 = arith.constant 26 : i32
      %shift_left3A_50 = vector.broadcast %shift_left3A_49 : i32 to vector<16xi32>
      %shift_left3A_51 = arith.shli %xor3A_47, %shift_left3A_50 : vector<16xi32>
      %shift_right_logical3A_52 = arith.constant 6 : i32
      %shift_right_logical3A_53 = vector.broadcast %shift_right_logical3A_52 : i32 to vector<16xi32>
      %shift_right_logical3A_54 = arith.shrui %xor3A_47, %shift_right_logical3A_53 : vector<16xi32>
      %or3A_55 = arith.ori %shift_left3A_51, %shift_right_logical3A_54 : vector<16xi32>
      %xor3A_56 = arith.xori %or3A_55, %add3A_48 : vector<16xi32>
      %add3A_57 = arith.addi %add3A_48, %xor3A_56 : vector<16xi32>
      %shift_left3A_58 = arith.constant 6 : i32
      %shift_left3A_59 = vector.broadcast %shift_left3A_58 : i32 to vector<16xi32>
      %shift_left3A_60 = arith.shli %xor3A_56, %shift_left3A_59 : vector<16xi32>
      %shift_right_logical3A_61 = arith.constant 26 : i32
      %shift_right_logical3A_62 = vector.broadcast %shift_right_logical3A_61 : i32 to vector<16xi32>
      %shift_right_logical3A_63 = arith.shrui %xor3A_56, %shift_right_logical3A_62 : vector<16xi32>
      %or3A_64 = arith.ori %shift_left3A_60, %shift_right_logical3A_63 : vector<16xi32>
      %xor3A_65 = arith.xori %or3A_64, %add3A_57 : vector<16xi32>
      %add3A_66 = arith.constant 270669613 : i32
      %add3A_67 = vector.broadcast %add3A_66 : i32 to vector<16xi32>
      %add3A_68 = arith.addi %add3A_57, %add3A_67 : vector<16xi32>
      %add3A_69 = arith.constant 1724713080 : i32
      %add3A_70 = vector.broadcast %add3A_69 : i32 to vector<16xi32>
      %add3A_71 = arith.addi %xor3A_65, %add3A_70 : vector<16xi32>
      %add3A_72 = arith.constant 1 : i32
      %add3A_73 = vector.broadcast %add3A_72 : i32 to vector<16xi32>
      %add3A_74 = arith.addi %add3A_71, %add3A_73 : vector<16xi32>
      %add3A_75 = arith.addi %add3A_68, %add3A_74 : vector<16xi32>
      %shift_left3A_76 = arith.constant 17 : i32
      %shift_left3A_77 = vector.broadcast %shift_left3A_76 : i32 to vector<16xi32>
      %shift_left3A_78 = arith.shli %add3A_74, %shift_left3A_77 : vector<16xi32>
      %shift_right_logical3A_79 = arith.constant 15 : i32
      %shift_right_logical3A_80 = vector.broadcast %shift_right_logical3A_79 : i32 to vector<16xi32>
      %shift_right_logical3A_81 = arith.shrui %add3A_74, %shift_right_logical3A_80 : vector<16xi32>
      %or3A_82 = arith.ori %shift_left3A_78, %shift_right_logical3A_81 : vector<16xi32>
      %xor3A_83 = arith.xori %or3A_82, %add3A_75 : vector<16xi32>
      %add3A_84 = arith.addi %add3A_75, %xor3A_83 : vector<16xi32>
      %shift_left3A_85 = arith.constant 29 : i32
      %shift_left3A_86 = vector.broadcast %shift_left3A_85 : i32 to vector<16xi32>
      %shift_left3A_87 = arith.shli %xor3A_83, %shift_left3A_86 : vector<16xi32>
      %shift_right_logical3A_88 = arith.constant 3 : i32
      %shift_right_logical3A_89 = vector.broadcast %shift_right_logical3A_88 : i32 to vector<16xi32>
      %shift_right_logical3A_90 = arith.shrui %xor3A_83, %shift_right_logical3A_89 : vector<16xi32>
      %or3A_91 = arith.ori %shift_left3A_87, %shift_right_logical3A_90 : vector<16xi32>
      %xor3A_92 = arith.xori %or3A_91, %add3A_84 : vector<16xi32>
      %add3A_93 = arith.addi %add3A_84, %xor3A_92 : vector<16xi32>
      %shift_left3A_94 = arith.constant 16 : i32
      %shift_left3A_95 = vector.broadcast %shift_left3A_94 : i32 to vector<16xi32>
      %shift_left3A_96 = arith.shli %xor3A_92, %shift_left3A_95 : vector<16xi32>
      %shift_right_logical3A_97 = arith.constant 16 : i32
      %shift_right_logical3A_98 = vector.broadcast %shift_right_logical3A_97 : i32 to vector<16xi32>
      %shift_right_logical3A_99 = arith.shrui %xor3A_92, %shift_right_logical3A_98 : vector<16xi32>
      %or3A_100 = arith.ori %shift_left3A_96, %shift_right_logical3A_99 : vector<16xi32>
      %xor3A_101 = arith.xori %or3A_100, %add3A_93 : vector<16xi32>
      %add3A_102 = arith.addi %add3A_93, %xor3A_101 : vector<16xi32>
      %shift_left3A_103 = arith.constant 24 : i32
      %shift_left3A_104 = vector.broadcast %shift_left3A_103 : i32 to vector<16xi32>
      %shift_left3A_105 = arith.shli %xor3A_101, %shift_left3A_104 : vector<16xi32>
      %shift_right_logical3A_106 = arith.constant 8 : i32
      %shift_right_logical3A_107 = vector.broadcast %shift_right_logical3A_106 : i32 to vector<16xi32>
      %shift_right_logical3A_108 = arith.shrui %xor3A_101, %shift_right_logical3A_107 : vector<16xi32>
      %or3A_109 = arith.ori %shift_left3A_105, %shift_right_logical3A_108 : vector<16xi32>
      %xor3A_110 = arith.xori %or3A_109, %add3A_102 : vector<16xi32>
      %add3A_111 = arith.constant 1724713080 : i32
      %add3A_112 = vector.broadcast %add3A_111 : i32 to vector<16xi32>
      %add3A_113 = arith.addi %add3A_102, %add3A_112 : vector<16xi32>
      %add3A_114 = arith.constant 1832780943 : i32
      %add3A_115 = vector.broadcast %add3A_114 : i32 to vector<16xi32>
      %add3A_116 = arith.addi %xor3A_110, %add3A_115 : vector<16xi32>
      %add3A_117 = arith.constant 2 : i32
      %add3A_118 = vector.broadcast %add3A_117 : i32 to vector<16xi32>
      %add3A_119 = arith.addi %add3A_116, %add3A_118 : vector<16xi32>
      %add3A_120 = arith.addi %add3A_113, %add3A_119 : vector<16xi32>
      %shift_left3A_121 = arith.constant 13 : i32
      %shift_left3A_122 = vector.broadcast %shift_left3A_121 : i32 to vector<16xi32>
      %shift_left3A_123 = arith.shli %add3A_119, %shift_left3A_122 : vector<16xi32>
      %shift_right_logical3A_124 = arith.constant 19 : i32
      %shift_right_logical3A_125 = vector.broadcast %shift_right_logical3A_124 : i32 to vector<16xi32>
      %shift_right_logical3A_126 = arith.shrui %add3A_119, %shift_right_logical3A_125 : vector<16xi32>
      %or3A_127 = arith.ori %shift_left3A_123, %shift_right_logical3A_126 : vector<16xi32>
      %xor3A_128 = arith.xori %or3A_127, %add3A_120 : vector<16xi32>
      %add3A_129 = arith.addi %add3A_120, %xor3A_128 : vector<16xi32>
      %shift_left3A_130 = arith.constant 15 : i32
      %shift_left3A_131 = vector.broadcast %shift_left3A_130 : i32 to vector<16xi32>
      %shift_left3A_132 = arith.shli %xor3A_128, %shift_left3A_131 : vector<16xi32>
      %shift_right_logical3A_133 = arith.constant 17 : i32
      %shift_right_logical3A_134 = vector.broadcast %shift_right_logical3A_133 : i32 to vector<16xi32>
      %shift_right_logical3A_135 = arith.shrui %xor3A_128, %shift_right_logical3A_134 : vector<16xi32>
      %or3A_136 = arith.ori %shift_left3A_132, %shift_right_logical3A_135 : vector<16xi32>
      %xor3A_137 = arith.xori %or3A_136, %add3A_129 : vector<16xi32>
      %add3A_138 = arith.addi %add3A_129, %xor3A_137 : vector<16xi32>
      %shift_left3A_139 = arith.constant 26 : i32
      %shift_left3A_140 = vector.broadcast %shift_left3A_139 : i32 to vector<16xi32>
      %shift_left3A_141 = arith.shli %xor3A_137, %shift_left3A_140 : vector<16xi32>
      %shift_right_logical3A_142 = arith.constant 6 : i32
      %shift_right_logical3A_143 = vector.broadcast %shift_right_logical3A_142 : i32 to vector<16xi32>
      %shift_right_logical3A_144 = arith.shrui %xor3A_137, %shift_right_logical3A_143 : vector<16xi32>
      %or3A_145 = arith.ori %shift_left3A_141, %shift_right_logical3A_144 : vector<16xi32>
      %xor3A_146 = arith.xori %or3A_145, %add3A_138 : vector<16xi32>
      %add3A_147 = arith.addi %add3A_138, %xor3A_146 : vector<16xi32>
      %shift_left3A_148 = arith.constant 6 : i32
      %shift_left3A_149 = vector.broadcast %shift_left3A_148 : i32 to vector<16xi32>
      %shift_left3A_150 = arith.shli %xor3A_146, %shift_left3A_149 : vector<16xi32>
      %shift_right_logical3A_151 = arith.constant 26 : i32
      %shift_right_logical3A_152 = vector.broadcast %shift_right_logical3A_151 : i32 to vector<16xi32>
      %shift_right_logical3A_153 = arith.shrui %xor3A_146, %shift_right_logical3A_152 : vector<16xi32>
      %or3A_154 = arith.ori %shift_left3A_150, %shift_right_logical3A_153 : vector<16xi32>
      %xor3A_155 = arith.xori %or3A_154, %add3A_147 : vector<16xi32>
      %add3A_156 = arith.constant 1832780943 : i32
      %add3A_157 = vector.broadcast %add3A_156 : i32 to vector<16xi32>
      %add3A_158 = arith.addi %add3A_147, %add3A_157 : vector<16xi32>
      %add3A_159 = arith.constant 270669613 : i32
      %add3A_160 = vector.broadcast %add3A_159 : i32 to vector<16xi32>
      %add3A_161 = arith.addi %xor3A_155, %add3A_160 : vector<16xi32>
      %add3A_162 = arith.constant 3 : i32
      %add3A_163 = vector.broadcast %add3A_162 : i32 to vector<16xi32>
      %add3A_164 = arith.addi %add3A_161, %add3A_163 : vector<16xi32>
      %add3A_165 = arith.addi %add3A_158, %add3A_164 : vector<16xi32>
      %shift_left3A_166 = arith.constant 17 : i32
      %shift_left3A_167 = vector.broadcast %shift_left3A_166 : i32 to vector<16xi32>
      %shift_left3A_168 = arith.shli %add3A_164, %shift_left3A_167 : vector<16xi32>
      %shift_right_logical3A_169 = arith.constant 15 : i32
      %shift_right_logical3A_170 = vector.broadcast %shift_right_logical3A_169 : i32 to vector<16xi32>
      %shift_right_logical3A_171 = arith.shrui %add3A_164, %shift_right_logical3A_170 : vector<16xi32>
      %or3A_172 = arith.ori %shift_left3A_168, %shift_right_logical3A_171 : vector<16xi32>
      %xor3A_173 = arith.xori %or3A_172, %add3A_165 : vector<16xi32>
      %add3A_174 = arith.addi %add3A_165, %xor3A_173 : vector<16xi32>
      %shift_left3A_175 = arith.constant 29 : i32
      %shift_left3A_176 = vector.broadcast %shift_left3A_175 : i32 to vector<16xi32>
      %shift_left3A_177 = arith.shli %xor3A_173, %shift_left3A_176 : vector<16xi32>
      %shift_right_logical3A_178 = arith.constant 3 : i32
      %shift_right_logical3A_179 = vector.broadcast %shift_right_logical3A_178 : i32 to vector<16xi32>
      %shift_right_logical3A_180 = arith.shrui %xor3A_173, %shift_right_logical3A_179 : vector<16xi32>
      %or3A_181 = arith.ori %shift_left3A_177, %shift_right_logical3A_180 : vector<16xi32>
      %xor3A_182 = arith.xori %or3A_181, %add3A_174 : vector<16xi32>
      %add3A_183 = arith.addi %add3A_174, %xor3A_182 : vector<16xi32>
      %shift_left3A_184 = arith.constant 16 : i32
      %shift_left3A_185 = vector.broadcast %shift_left3A_184 : i32 to vector<16xi32>
      %shift_left3A_186 = arith.shli %xor3A_182, %shift_left3A_185 : vector<16xi32>
      %shift_right_logical3A_187 = arith.constant 16 : i32
      %shift_right_logical3A_188 = vector.broadcast %shift_right_logical3A_187 : i32 to vector<16xi32>
      %shift_right_logical3A_189 = arith.shrui %xor3A_182, %shift_right_logical3A_188 : vector<16xi32>
      %or3A_190 = arith.ori %shift_left3A_186, %shift_right_logical3A_189 : vector<16xi32>
      %xor3A_191 = arith.xori %or3A_190, %add3A_183 : vector<16xi32>
      %add3A_192 = arith.addi %add3A_183, %xor3A_191 : vector<16xi32>
      %shift_left3A_193 = arith.constant 24 : i32
      %shift_left3A_194 = vector.broadcast %shift_left3A_193 : i32 to vector<16xi32>
      %shift_left3A_195 = arith.shli %xor3A_191, %shift_left3A_194 : vector<16xi32>
      %shift_right_logical3A_196 = arith.constant 8 : i32
      %shift_right_logical3A_197 = vector.broadcast %shift_right_logical3A_196 : i32 to vector<16xi32>
      %shift_right_logical3A_198 = arith.shrui %xor3A_191, %shift_right_logical3A_197 : vector<16xi32>
      %or3A_199 = arith.ori %shift_left3A_195, %shift_right_logical3A_198 : vector<16xi32>
      %xor3A_200 = arith.xori %or3A_199, %add3A_192 : vector<16xi32>
      %add3A_201 = arith.constant 270669613 : i32
      %add3A_202 = vector.broadcast %add3A_201 : i32 to vector<16xi32>
      %add3A_203 = arith.addi %add3A_192, %add3A_202 : vector<16xi32>
      %add3A_204 = arith.constant 1724713080 : i32
      %add3A_205 = vector.broadcast %add3A_204 : i32 to vector<16xi32>
      %add3A_206 = arith.addi %xor3A_200, %add3A_205 : vector<16xi32>
      %add3A_207 = arith.constant 4 : i32
      %add3A_208 = vector.broadcast %add3A_207 : i32 to vector<16xi32>
      %add3A_209 = arith.addi %add3A_206, %add3A_208 : vector<16xi32>
      %add3A_210 = arith.addi %add3A_203, %add3A_209 : vector<16xi32>
      %shift_left3A_211 = arith.constant 13 : i32
      %shift_left3A_212 = vector.broadcast %shift_left3A_211 : i32 to vector<16xi32>
      %shift_left3A_213 = arith.shli %add3A_209, %shift_left3A_212 : vector<16xi32>
      %shift_right_logical3A_214 = arith.constant 19 : i32
      %shift_right_logical3A_215 = vector.broadcast %shift_right_logical3A_214 : i32 to vector<16xi32>
      %shift_right_logical3A_216 = arith.shrui %add3A_209, %shift_right_logical3A_215 : vector<16xi32>
      %or3A_217 = arith.ori %shift_left3A_213, %shift_right_logical3A_216 : vector<16xi32>
      %xor3A_218 = arith.xori %or3A_217, %add3A_210 : vector<16xi32>
      %add3A_219 = arith.addi %add3A_210, %xor3A_218 : vector<16xi32>
      %shift_left3A_220 = arith.constant 15 : i32
      %shift_left3A_221 = vector.broadcast %shift_left3A_220 : i32 to vector<16xi32>
      %shift_left3A_222 = arith.shli %xor3A_218, %shift_left3A_221 : vector<16xi32>
      %shift_right_logical3A_223 = arith.constant 17 : i32
      %shift_right_logical3A_224 = vector.broadcast %shift_right_logical3A_223 : i32 to vector<16xi32>
      %shift_right_logical3A_225 = arith.shrui %xor3A_218, %shift_right_logical3A_224 : vector<16xi32>
      %or3A_226 = arith.ori %shift_left3A_222, %shift_right_logical3A_225 : vector<16xi32>
      %xor3A_227 = arith.xori %or3A_226, %add3A_219 : vector<16xi32>
      %add3A_228 = arith.addi %add3A_219, %xor3A_227 : vector<16xi32>
      %shift_left3A_229 = arith.constant 26 : i32
      %shift_left3A_230 = vector.broadcast %shift_left3A_229 : i32 to vector<16xi32>
      %shift_left3A_231 = arith.shli %xor3A_227, %shift_left3A_230 : vector<16xi32>
      %shift_right_logical3A_232 = arith.constant 6 : i32
      %shift_right_logical3A_233 = vector.broadcast %shift_right_logical3A_232 : i32 to vector<16xi32>
      %shift_right_logical3A_234 = arith.shrui %xor3A_227, %shift_right_logical3A_233 : vector<16xi32>
      %or3A_235 = arith.ori %shift_left3A_231, %shift_right_logical3A_234 : vector<16xi32>
      %xor3A_236 = arith.xori %or3A_235, %add3A_228 : vector<16xi32>
      %add3A_237 = arith.addi %add3A_228, %xor3A_236 : vector<16xi32>
      %shift_left3A_238 = arith.constant 6 : i32
      %shift_left3A_239 = vector.broadcast %shift_left3A_238 : i32 to vector<16xi32>
      %shift_left3A_240 = arith.shli %xor3A_236, %shift_left3A_239 : vector<16xi32>
      %shift_right_logical3A_241 = arith.constant 26 : i32
      %shift_right_logical3A_242 = vector.broadcast %shift_right_logical3A_241 : i32 to vector<16xi32>
      %shift_right_logical3A_243 = arith.shrui %xor3A_236, %shift_right_logical3A_242 : vector<16xi32>
      %or3A_244 = arith.ori %shift_left3A_240, %shift_right_logical3A_243 : vector<16xi32>
      %xor3A_245 = arith.xori %or3A_244, %add3A_237 : vector<16xi32>
      %add3A_246 = arith.constant 1724713080 : i32
      %add3A_247 = vector.broadcast %add3A_246 : i32 to vector<16xi32>
      %add3A_248 = arith.addi %add3A_237, %add3A_247 : vector<16xi32>
      %add3A_249 = arith.constant 1832780943 : i32
      %add3A_250 = vector.broadcast %add3A_249 : i32 to vector<16xi32>
      %add3A_251 = arith.addi %xor3A_245, %add3A_250 : vector<16xi32>
      %add3A_252 = arith.constant 5 : i32
      %add3A_253 = vector.broadcast %add3A_252 : i32 to vector<16xi32>
      %add3A_254 = arith.addi %add3A_251, %add3A_253 : vector<16xi32>
      %xor3A_255 = arith.xori %add3A_248, %add3A_254 : vector<16xi32>
      %shift_right_logical3A_256 = arith.constant 9 : i32
      %shift_right_logical3A_257 = vector.broadcast %shift_right_logical3A_256 : i32 to vector<16xi32>
      %shift_right_logical3A_258 = arith.shrui %xor3A_255, %shift_right_logical3A_257 : vector<16xi32>
      %or3A_259 = arith.constant 1065353216 : i32
      %or3A_260 = vector.broadcast %or3A_259 : i32 to vector<16xi32>
      %or3A_261 = arith.ori %shift_right_logical3A_258, %or3A_260 : vector<16xi32>
      %bitcast_convert_type3A = tpu.bitcast %or3A_261 : vector<16xi32> -> vector<16xf32>
      %sub3A_262 = arith.constant 1.000000e+00 : f32
      %sub3A_263 = vector.broadcast %sub3A_262 : f32 to vector<16xf32>
      %sub3A_264 = arith.subf %bitcast_convert_type3A, %sub3A_263 : vector<16xf32>
      %add3A_265 = arith.constant 1 : i32
      %add3A_266 = vector.broadcast %add3A_265 : i32 to vector<16xi32>
      %add3A_267 = arith.addi %add3A_29, %add3A_266 : vector<16xi32>
      %broadcast_in_dim3A_268 = arith.constant 1832780943 : i32
      %broadcast_in_dim3A_269 = vector.broadcast %broadcast_in_dim3A_268 : i32 to vector<16xi32>
      %add3A_270 = arith.constant 270669613 : i32
      %add3A_271 = vector.broadcast %add3A_270 : i32 to vector<16xi32>
      %add3A_272 = arith.addi %add3A_267, %add3A_271 : vector<16xi32>
      %add3A_273 = arith.addi %broadcast_in_dim3A_269, %add3A_272 : vector<16xi32>
      %shift_left3A_274 = arith.constant 13 : i32
      %shift_left3A_275 = vector.broadcast %shift_left3A_274 : i32 to vector<16xi32>
      %shift_left3A_276 = arith.shli %add3A_272, %shift_left3A_275 : vector<16xi32>
      %shift_right_logical3A_277 = arith.constant 19 : i32
      %shift_right_logical3A_278 = vector.broadcast %shift_right_logical3A_277 : i32 to vector<16xi32>
      %shift_right_logical3A_279 = arith.shrui %add3A_272, %shift_right_logical3A_278 : vector<16xi32>
      %or3A_280 = arith.ori %shift_left3A_276, %shift_right_logical3A_279 : vector<16xi32>
      %xor3A_281 = arith.xori %or3A_280, %add3A_273 : vector<16xi32>
      %add3A_282 = arith.addi %add3A_273, %xor3A_281 : vector<16xi32>
      %shift_left3A_283 = arith.constant 15 : i32
      %shift_left3A_284 = vector.broadcast %shift_left3A_283 : i32 to vector<16xi32>
      %shift_left3A_285 = arith.shli %xor3A_281, %shift_left3A_284 : vector<16xi32>
      %shift_right_logical3A_286 = arith.constant 17 : i32
      %shift_right_logical3A_287 = vector.broadcast %shift_right_logical3A_286 : i32 to vector<16xi32>
      %shift_right_logical3A_288 = arith.shrui %xor3A_281, %shift_right_logical3A_287 : vector<16xi32>
      %or3A_289 = arith.ori %shift_left3A_285, %shift_right_logical3A_288 : vector<16xi32>
      %xor3A_290 = arith.xori %or3A_289, %add3A_282 : vector<16xi32>
      %add3A_291 = arith.addi %add3A_282, %xor3A_290 : vector<16xi32>
      %shift_left3A_292 = arith.constant 26 : i32
      %shift_left3A_293 = vector.broadcast %shift_left3A_292 : i32 to vector<16xi32>
      %shift_left3A_294 = arith.shli %xor3A_290, %shift_left3A_293 : vector<16xi32>
      %shift_right_logical3A_295 = arith.constant 6 : i32
      %shift_right_logical3A_296 = vector.broadcast %shift_right_logical3A_295 : i32 to vector<16xi32>
      %shift_right_logical3A_297 = arith.shrui %xor3A_290, %shift_right_logical3A_296 : vector<16xi32>
      %or3A_298 = arith.ori %shift_left3A_294, %shift_right_logical3A_297 : vector<16xi32>
      %xor3A_299 = arith.xori %or3A_298, %add3A_291 : vector<16xi32>
      %add3A_300 = arith.addi %add3A_291, %xor3A_299 : vector<16xi32>
      %shift_left3A_301 = arith.constant 6 : i32
      %shift_left3A_302 = vector.broadcast %shift_left3A_301 : i32 to vector<16xi32>
      %shift_left3A_303 = arith.shli %xor3A_299, %shift_left3A_302 : vector<16xi32>
      %shift_right_logical3A_304 = arith.constant 26 : i32
      %shift_right_logical3A_305 = vector.broadcast %shift_right_logical3A_304 : i32 to vector<16xi32>
      %shift_right_logical3A_306 = arith.shrui %xor3A_299, %shift_right_logical3A_305 : vector<16xi32>
      %or3A_307 = arith.ori %shift_left3A_303, %shift_right_logical3A_306 : vector<16xi32>
      %xor3A_308 = arith.xori %or3A_307, %add3A_300 : vector<16xi32>
      %add3A_309 = arith.constant 270669613 : i32
      %add3A_310 = vector.broadcast %add3A_309 : i32 to vector<16xi32>
      %add3A_311 = arith.addi %add3A_300, %add3A_310 : vector<16xi32>
      %add3A_312 = arith.constant 1724713080 : i32
      %add3A_313 = vector.broadcast %add3A_312 : i32 to vector<16xi32>
      %add3A_314 = arith.addi %xor3A_308, %add3A_313 : vector<16xi32>
      %add3A_315 = arith.constant 1 : i32
      %add3A_316 = vector.broadcast %add3A_315 : i32 to vector<16xi32>
      %add3A_317 = arith.addi %add3A_314, %add3A_316 : vector<16xi32>
      %add3A_318 = arith.addi %add3A_311, %add3A_317 : vector<16xi32>
      %shift_left3A_319 = arith.constant 17 : i32
      %shift_left3A_320 = vector.broadcast %shift_left3A_319 : i32 to vector<16xi32>
      %shift_left3A_321 = arith.shli %add3A_317, %shift_left3A_320 : vector<16xi32>
      %shift_right_logical3A_322 = arith.constant 15 : i32
      %shift_right_logical3A_323 = vector.broadcast %shift_right_logical3A_322 : i32 to vector<16xi32>
      %shift_right_logical3A_324 = arith.shrui %add3A_317, %shift_right_logical3A_323 : vector<16xi32>
      %or3A_325 = arith.ori %shift_left3A_321, %shift_right_logical3A_324 : vector<16xi32>
      %xor3A_326 = arith.xori %or3A_325, %add3A_318 : vector<16xi32>
      %add3A_327 = arith.addi %add3A_318, %xor3A_326 : vector<16xi32>
      %shift_left3A_328 = arith.constant 29 : i32
      %shift_left3A_329 = vector.broadcast %shift_left3A_328 : i32 to vector<16xi32>
      %shift_left3A_330 = arith.shli %xor3A_326, %shift_left3A_329 : vector<16xi32>
      %shift_right_logical3A_331 = arith.constant 3 : i32
      %shift_right_logical3A_332 = vector.broadcast %shift_right_logical3A_331 : i32 to vector<16xi32>
      %shift_right_logical3A_333 = arith.shrui %xor3A_326, %shift_right_logical3A_332 : vector<16xi32>
      %or3A_334 = arith.ori %shift_left3A_330, %shift_right_logical3A_333 : vector<16xi32>
      %xor3A_335 = arith.xori %or3A_334, %add3A_327 : vector<16xi32>
      %add3A_336 = arith.addi %add3A_327, %xor3A_335 : vector<16xi32>
      %shift_left3A_337 = arith.constant 16 : i32
      %shift_left3A_338 = vector.broadcast %shift_left3A_337 : i32 to vector<16xi32>
      %shift_left3A_339 = arith.shli %xor3A_335, %shift_left3A_338 : vector<16xi32>
      %shift_right_logical3A_340 = arith.constant 16 : i32
      %shift_right_logical3A_341 = vector.broadcast %shift_right_logical3A_340 : i32 to vector<16xi32>
      %shift_right_logical3A_342 = arith.shrui %xor3A_335, %shift_right_logical3A_341 : vector<16xi32>
      %or3A_343 = arith.ori %shift_left3A_339, %shift_right_logical3A_342 : vector<16xi32>
      %xor3A_344 = arith.xori %or3A_343, %add3A_336 : vector<16xi32>
      %add3A_345 = arith.addi %add3A_336, %xor3A_344 : vector<16xi32>
      %shift_left3A_346 = arith.constant 24 : i32
      %shift_left3A_347 = vector.broadcast %shift_left3A_346 : i32 to vector<16xi32>
      %shift_left3A_348 = arith.shli %xor3A_344, %shift_left3A_347 : vector<16xi32>
      %shift_right_logical3A_349 = arith.constant 8 : i32
      %shift_right_logical3A_350 = vector.broadcast %shift_right_logical3A_349 : i32 to vector<16xi32>
      %shift_right_logical3A_351 = arith.shrui %xor3A_344, %shift_right_logical3A_350 : vector<16xi32>
      %or3A_352 = arith.ori %shift_left3A_348, %shift_right_logical3A_351 : vector<16xi32>
      %xor3A_353 = arith.xori %or3A_352, %add3A_345 : vector<16xi32>
      %add3A_354 = arith.constant 1724713080 : i32
      %add3A_355 = vector.broadcast %add3A_354 : i32 to vector<16xi32>
      %add3A_356 = arith.addi %add3A_345, %add3A_355 : vector<16xi32>
      %add3A_357 = arith.constant 1832780943 : i32
      %add3A_358 = vector.broadcast %add3A_357 : i32 to vector<16xi32>
      %add3A_359 = arith.addi %xor3A_353, %add3A_358 : vector<16xi32>
      %add3A_360 = arith.constant 2 : i32
      %add3A_361 = vector.broadcast %add3A_360 : i32 to vector<16xi32>
      %add3A_362 = arith.addi %add3A_359, %add3A_361 : vector<16xi32>
      %add3A_363 = arith.addi %add3A_356, %add3A_362 : vector<16xi32>
      %shift_left3A_364 = arith.constant 13 : i32
      %shift_left3A_365 = vector.broadcast %shift_left3A_364 : i32 to vector<16xi32>
      %shift_left3A_366 = arith.shli %add3A_362, %shift_left3A_365 : vector<16xi32>
      %shift_right_logical3A_367 = arith.constant 19 : i32
      %shift_right_logical3A_368 = vector.broadcast %shift_right_logical3A_367 : i32 to vector<16xi32>
      %shift_right_logical3A_369 = arith.shrui %add3A_362, %shift_right_logical3A_368 : vector<16xi32>
      %or3A_370 = arith.ori %shift_left3A_366, %shift_right_logical3A_369 : vector<16xi32>
      %xor3A_371 = arith.xori %or3A_370, %add3A_363 : vector<16xi32>
      %add3A_372 = arith.addi %add3A_363, %xor3A_371 : vector<16xi32>
      %shift_left3A_373 = arith.constant 15 : i32
      %shift_left3A_374 = vector.broadcast %shift_left3A_373 : i32 to vector<16xi32>
      %shift_left3A_375 = arith.shli %xor3A_371, %shift_left3A_374 : vector<16xi32>
      %shift_right_logical3A_376 = arith.constant 17 : i32
      %shift_right_logical3A_377 = vector.broadcast %shift_right_logical3A_376 : i32 to vector<16xi32>
      %shift_right_logical3A_378 = arith.shrui %xor3A_371, %shift_right_logical3A_377 : vector<16xi32>
      %or3A_379 = arith.ori %shift_left3A_375, %shift_right_logical3A_378 : vector<16xi32>
      %xor3A_380 = arith.xori %or3A_379, %add3A_372 : vector<16xi32>
      %add3A_381 = arith.addi %add3A_372, %xor3A_380 : vector<16xi32>
      %shift_left3A_382 = arith.constant 26 : i32
      %shift_left3A_383 = vector.broadcast %shift_left3A_382 : i32 to vector<16xi32>
      %shift_left3A_384 = arith.shli %xor3A_380, %shift_left3A_383 : vector<16xi32>
      %shift_right_logical3A_385 = arith.constant 6 : i32
      %shift_right_logical3A_386 = vector.broadcast %shift_right_logical3A_385 : i32 to vector<16xi32>
      %shift_right_logical3A_387 = arith.shrui %xor3A_380, %shift_right_logical3A_386 : vector<16xi32>
      %or3A_388 = arith.ori %shift_left3A_384, %shift_right_logical3A_387 : vector<16xi32>
      %xor3A_389 = arith.xori %or3A_388, %add3A_381 : vector<16xi32>
      %add3A_390 = arith.addi %add3A_381, %xor3A_389 : vector<16xi32>
      %shift_left3A_391 = arith.constant 6 : i32
      %shift_left3A_392 = vector.broadcast %shift_left3A_391 : i32 to vector<16xi32>
      %shift_left3A_393 = arith.shli %xor3A_389, %shift_left3A_392 : vector<16xi32>
      %shift_right_logical3A_394 = arith.constant 26 : i32
      %shift_right_logical3A_395 = vector.broadcast %shift_right_logical3A_394 : i32 to vector<16xi32>
      %shift_right_logical3A_396 = arith.shrui %xor3A_389, %shift_right_logical3A_395 : vector<16xi32>
      %or3A_397 = arith.ori %shift_left3A_393, %shift_right_logical3A_396 : vector<16xi32>
      %xor3A_398 = arith.xori %or3A_397, %add3A_390 : vector<16xi32>
      %add3A_399 = arith.constant 1832780943 : i32
      %add3A_400 = vector.broadcast %add3A_399 : i32 to vector<16xi32>
      %add3A_401 = arith.addi %add3A_390, %add3A_400 : vector<16xi32>
      %add3A_402 = arith.constant 270669613 : i32
      %add3A_403 = vector.broadcast %add3A_402 : i32 to vector<16xi32>
      %add3A_404 = arith.addi %xor3A_398, %add3A_403 : vector<16xi32>
      %add3A_405 = arith.constant 3 : i32
      %add3A_406 = vector.broadcast %add3A_405 : i32 to vector<16xi32>
      %add3A_407 = arith.addi %add3A_404, %add3A_406 : vector<16xi32>
      %add3A_408 = arith.addi %add3A_401, %add3A_407 : vector<16xi32>
      %shift_left3A_409 = arith.constant 17 : i32
      %shift_left3A_410 = vector.broadcast %shift_left3A_409 : i32 to vector<16xi32>
      %shift_left3A_411 = arith.shli %add3A_407, %shift_left3A_410 : vector<16xi32>
      %shift_right_logical3A_412 = arith.constant 15 : i32
      %shift_right_logical3A_413 = vector.broadcast %shift_right_logical3A_412 : i32 to vector<16xi32>
      %shift_right_logical3A_414 = arith.shrui %add3A_407, %shift_right_logical3A_413 : vector<16xi32>
      %or3A_415 = arith.ori %shift_left3A_411, %shift_right_logical3A_414 : vector<16xi32>
      %xor3A_416 = arith.xori %or3A_415, %add3A_408 : vector<16xi32>
      %add3A_417 = arith.addi %add3A_408, %xor3A_416 : vector<16xi32>
      %shift_left3A_418 = arith.constant 29 : i32
      %shift_left3A_419 = vector.broadcast %shift_left3A_418 : i32 to vector<16xi32>
      %shift_left3A_420 = arith.shli %xor3A_416, %shift_left3A_419 : vector<16xi32>
      %shift_right_logical3A_421 = arith.constant 3 : i32
      %shift_right_logical3A_422 = vector.broadcast %shift_right_logical3A_421 : i32 to vector<16xi32>
      %shift_right_logical3A_423 = arith.shrui %xor3A_416, %shift_right_logical3A_422 : vector<16xi32>
      %or3A_424 = arith.ori %shift_left3A_420, %shift_right_logical3A_423 : vector<16xi32>
      %xor3A_425 = arith.xori %or3A_424, %add3A_417 : vector<16xi32>
      %add3A_426 = arith.addi %add3A_417, %xor3A_425 : vector<16xi32>
      %shift_left3A_427 = arith.constant 16 : i32
      %shift_left3A_428 = vector.broadcast %shift_left3A_427 : i32 to vector<16xi32>
      %shift_left3A_429 = arith.shli %xor3A_425, %shift_left3A_428 : vector<16xi32>
      %shift_right_logical3A_430 = arith.constant 16 : i32
      %shift_right_logical3A_431 = vector.broadcast %shift_right_logical3A_430 : i32 to vector<16xi32>
      %shift_right_logical3A_432 = arith.shrui %xor3A_425, %shift_right_logical3A_431 : vector<16xi32>
      %or3A_433 = arith.ori %shift_left3A_429, %shift_right_logical3A_432 : vector<16xi32>
      %xor3A_434 = arith.xori %or3A_433, %add3A_426 : vector<16xi32>
      %add3A_435 = arith.addi %add3A_426, %xor3A_434 : vector<16xi32>
      %shift_left3A_436 = arith.constant 24 : i32
      %shift_left3A_437 = vector.broadcast %shift_left3A_436 : i32 to vector<16xi32>
      %shift_left3A_438 = arith.shli %xor3A_434, %shift_left3A_437 : vector<16xi32>
      %shift_right_logical3A_439 = arith.constant 8 : i32
      %shift_right_logical3A_440 = vector.broadcast %shift_right_logical3A_439 : i32 to vector<16xi32>
      %shift_right_logical3A_441 = arith.shrui %xor3A_434, %shift_right_logical3A_440 : vector<16xi32>
      %or3A_442 = arith.ori %shift_left3A_438, %shift_right_logical3A_441 : vector<16xi32>
      %xor3A_443 = arith.xori %or3A_442, %add3A_435 : vector<16xi32>
      %add3A_444 = arith.constant 270669613 : i32
      %add3A_445 = vector.broadcast %add3A_444 : i32 to vector<16xi32>
      %add3A_446 = arith.addi %add3A_435, %add3A_445 : vector<16xi32>
      %add3A_447 = arith.constant 1724713080 : i32
      %add3A_448 = vector.broadcast %add3A_447 : i32 to vector<16xi32>
      %add3A_449 = arith.addi %xor3A_443, %add3A_448 : vector<16xi32>
      %add3A_450 = arith.constant 4 : i32
      %add3A_451 = vector.broadcast %add3A_450 : i32 to vector<16xi32>
      %add3A_452 = arith.addi %add3A_449, %add3A_451 : vector<16xi32>
      %add3A_453 = arith.addi %add3A_446, %add3A_452 : vector<16xi32>
      %shift_left3A_454 = arith.constant 13 : i32
      %shift_left3A_455 = vector.broadcast %shift_left3A_454 : i32 to vector<16xi32>
      %shift_left3A_456 = arith.shli %add3A_452, %shift_left3A_455 : vector<16xi32>
      %shift_right_logical3A_457 = arith.constant 19 : i32
      %shift_right_logical3A_458 = vector.broadcast %shift_right_logical3A_457 : i32 to vector<16xi32>
      %shift_right_logical3A_459 = arith.shrui %add3A_452, %shift_right_logical3A_458 : vector<16xi32>
      %or3A_460 = arith.ori %shift_left3A_456, %shift_right_logical3A_459 : vector<16xi32>
      %xor3A_461 = arith.xori %or3A_460, %add3A_453 : vector<16xi32>
      %add3A_462 = arith.addi %add3A_453, %xor3A_461 : vector<16xi32>
      %shift_left3A_463 = arith.constant 15 : i32
      %shift_left3A_464 = vector.broadcast %shift_left3A_463 : i32 to vector<16xi32>
      %shift_left3A_465 = arith.shli %xor3A_461, %shift_left3A_464 : vector<16xi32>
      %shift_right_logical3A_466 = arith.constant 17 : i32
      %shift_right_logical3A_467 = vector.broadcast %shift_right_logical3A_466 : i32 to vector<16xi32>
      %shift_right_logical3A_468 = arith.shrui %xor3A_461, %shift_right_logical3A_467 : vector<16xi32>
      %or3A_469 = arith.ori %shift_left3A_465, %shift_right_logical3A_468 : vector<16xi32>
      %xor3A_470 = arith.xori %or3A_469, %add3A_462 : vector<16xi32>
      %add3A_471 = arith.addi %add3A_462, %xor3A_470 : vector<16xi32>
      %shift_left3A_472 = arith.constant 26 : i32
      %shift_left3A_473 = vector.broadcast %shift_left3A_472 : i32 to vector<16xi32>
      %shift_left3A_474 = arith.shli %xor3A_470, %shift_left3A_473 : vector<16xi32>
      %shift_right_logical3A_475 = arith.constant 6 : i32
      %shift_right_logical3A_476 = vector.broadcast %shift_right_logical3A_475 : i32 to vector<16xi32>
      %shift_right_logical3A_477 = arith.shrui %xor3A_470, %shift_right_logical3A_476 : vector<16xi32>
      %or3A_478 = arith.ori %shift_left3A_474, %shift_right_logical3A_477 : vector<16xi32>
      %xor3A_479 = arith.xori %or3A_478, %add3A_471 : vector<16xi32>
      %add3A_480 = arith.addi %add3A_471, %xor3A_479 : vector<16xi32>
      %shift_left3A_481 = arith.constant 6 : i32
      %shift_left3A_482 = vector.broadcast %shift_left3A_481 : i32 to vector<16xi32>
      %shift_left3A_483 = arith.shli %xor3A_479, %shift_left3A_482 : vector<16xi32>
      %shift_right_logical3A_484 = arith.constant 26 : i32
      %shift_right_logical3A_485 = vector.broadcast %shift_right_logical3A_484 : i32 to vector<16xi32>
      %shift_right_logical3A_486 = arith.shrui %xor3A_479, %shift_right_logical3A_485 : vector<16xi32>
      %or3A_487 = arith.ori %shift_left3A_483, %shift_right_logical3A_486 : vector<16xi32>
      %xor3A_488 = arith.xori %or3A_487, %add3A_480 : vector<16xi32>
      %add3A_489 = arith.constant 1724713080 : i32
      %add3A_490 = vector.broadcast %add3A_489 : i32 to vector<16xi32>
      %add3A_491 = arith.addi %add3A_480, %add3A_490 : vector<16xi32>
      %add3A_492 = arith.constant 1832780943 : i32
      %add3A_493 = vector.broadcast %add3A_492 : i32 to vector<16xi32>
      %add3A_494 = arith.addi %xor3A_488, %add3A_493 : vector<16xi32>
      %add3A_495 = arith.constant 5 : i32
      %add3A_496 = vector.broadcast %add3A_495 : i32 to vector<16xi32>
      %add3A_497 = arith.addi %add3A_494, %add3A_496 : vector<16xi32>
      %xor3A_498 = arith.xori %add3A_491, %add3A_497 : vector<16xi32>
      %shift_right_logical3A_499 = arith.constant 9 : i32
      %shift_right_logical3A_500 = vector.broadcast %shift_right_logical3A_499 : i32 to vector<16xi32>
      %shift_right_logical3A_501 = arith.shrui %xor3A_498, %shift_right_logical3A_500 : vector<16xi32>
      %or3A_502 = arith.constant 1065353216 : i32
      %or3A_503 = vector.broadcast %or3A_502 : i32 to vector<16xi32>
      %or3A_504 = arith.ori %shift_right_logical3A_501, %or3A_503 : vector<16xi32>
      %bitcast_convert_type3A_505 = tpu.bitcast %or3A_504 : vector<16xi32> -> vector<16xf32>
      %sub3A_506 = arith.constant 1.000000e+00 : f32
      %sub3A_507 = vector.broadcast %sub3A_506 : f32 to vector<16xf32>
      %sub3A_508 = arith.subf %bitcast_convert_type3A_505, %sub3A_507 : vector<16xf32>
      %mul3A_509 = arith.mulf %sub3A_264, %sub3A_264 : vector<16xf32>
      %mul3A_510 = arith.mulf %mul3A_509, %mul3A_509 : vector<16xf32>
      %mul3A_511 = arith.mulf %mul3A_510, %mul3A_510 : vector<16xf32>
      %mul3A_512 = arith.mulf %mul3A_511, %sub3A_264 : vector<16xf32>
      %le3A = arith.cmpf ole, %sub3A_508, %mul3A_512 : vector<16xf32>
      %broadcast_in_dim3A_513 = arith.constant -1944951124 : i32
      %broadcast_in_dim3A_514 = vector.broadcast %broadcast_in_dim3A_513 : i32 to vector<16xi32>
      %add3A_515 = arith.constant 1168365246 : i32
      %add3A_516 = vector.broadcast %add3A_515 : i32 to vector<16xi32>
      %add3A_517 = arith.addi %add3A_15, %add3A_516 : vector<16xi32>
      %add3A_518 = arith.addi %broadcast_in_dim3A_514, %add3A_517 : vector<16xi32>
      %shift_left3A_519 = arith.constant 13 : i32
      %shift_left3A_520 = vector.broadcast %shift_left3A_519 : i32 to vector<16xi32>
      %shift_left3A_521 = arith.shli %add3A_517, %shift_left3A_520 : vector<16xi32>
      %shift_right_logical3A_522 = arith.constant 19 : i32
      %shift_right_logical3A_523 = vector.broadcast %shift_right_logical3A_522 : i32 to vector<16xi32>
      %shift_right_logical3A_524 = arith.shrui %add3A_517, %shift_right_logical3A_523 : vector<16xi32>
      %or3A_525 = arith.ori %shift_left3A_521, %shift_right_logical3A_524 : vector<16xi32>
      %xor3A_526 = arith.xori %or3A_525, %add3A_518 : vector<16xi32>
      %add3A_527 = arith.addi %add3A_518, %xor3A_526 : vector<16xi32>
      %shift_left3A_528 = arith.constant 15 : i32
      %shift_left3A_529 = vector.broadcast %shift_left3A_528 : i32 to vector<16xi32>
      %shift_left3A_530 = arith.shli %xor3A_526, %shift_left3A_529 : vector<16xi32>
      %shift_right_logical3A_531 = arith.constant 17 : i32
      %shift_right_logical3A_532 = vector.broadcast %shift_right_logical3A_531 : i32 to vector<16xi32>
      %shift_right_logical3A_533 = arith.shrui %xor3A_526, %shift_right_logical3A_532 : vector<16xi32>
      %or3A_534 = arith.ori %shift_left3A_530, %shift_right_logical3A_533 : vector<16xi32>
      %xor3A_535 = arith.xori %or3A_534, %add3A_527 : vector<16xi32>
      %add3A_536 = arith.addi %add3A_527, %xor3A_535 : vector<16xi32>
      %shift_left3A_537 = arith.constant 26 : i32
      %shift_left3A_538 = vector.broadcast %shift_left3A_537 : i32 to vector<16xi32>
      %shift_left3A_539 = arith.shli %xor3A_535, %shift_left3A_538 : vector<16xi32>
      %shift_right_logical3A_540 = arith.constant 6 : i32
      %shift_right_logical3A_541 = vector.broadcast %shift_right_logical3A_540 : i32 to vector<16xi32>
      %shift_right_logical3A_542 = arith.shrui %xor3A_535, %shift_right_logical3A_541 : vector<16xi32>
      %or3A_543 = arith.ori %shift_left3A_539, %shift_right_logical3A_542 : vector<16xi32>
      %xor3A_544 = arith.xori %or3A_543, %add3A_536 : vector<16xi32>
      %add3A_545 = arith.addi %add3A_536, %xor3A_544 : vector<16xi32>
      %shift_left3A_546 = arith.constant 6 : i32
      %shift_left3A_547 = vector.broadcast %shift_left3A_546 : i32 to vector<16xi32>
      %shift_left3A_548 = arith.shli %xor3A_544, %shift_left3A_547 : vector<16xi32>
      %shift_right_logical3A_549 = arith.constant 26 : i32
      %shift_right_logical3A_550 = vector.broadcast %shift_right_logical3A_549 : i32 to vector<16xi32>
      %shift_right_logical3A_551 = arith.shrui %xor3A_544, %shift_right_logical3A_550 : vector<16xi32>
      %or3A_552 = arith.ori %shift_left3A_548, %shift_right_logical3A_551 : vector<16xi32>
      %xor3A_553 = arith.xori %or3A_552, %add3A_545 : vector<16xi32>
      %add3A_554 = arith.constant 1168365246 : i32
      %add3A_555 = vector.broadcast %add3A_554 : i32 to vector<16xi32>
      %add3A_556 = arith.addi %add3A_545, %add3A_555 : vector<16xi32>
      %add3A_557 = arith.constant -765416504 : i32
      %add3A_558 = vector.broadcast %add3A_557 : i32 to vector<16xi32>
      %add3A_559 = arith.addi %xor3A_553, %add3A_558 : vector<16xi32>
      %add3A_560 = arith.constant 1 : i32
      %add3A_561 = vector.broadcast %add3A_560 : i32 to vector<16xi32>
      %add3A_562 = arith.addi %add3A_559, %add3A_561 : vector<16xi32>
      %add3A_563 = arith.addi %add3A_556, %add3A_562 : vector<16xi32>
      %shift_left3A_564 = arith.constant 17 : i32
      %shift_left3A_565 = vector.broadcast %shift_left3A_564 : i32 to vector<16xi32>
      %shift_left3A_566 = arith.shli %add3A_562, %shift_left3A_565 : vector<16xi32>
      %shift_right_logical3A_567 = arith.constant 15 : i32
      %shift_right_logical3A_568 = vector.broadcast %shift_right_logical3A_567 : i32 to vector<16xi32>
      %shift_right_logical3A_569 = arith.shrui %add3A_562, %shift_right_logical3A_568 : vector<16xi32>
      %or3A_570 = arith.ori %shift_left3A_566, %shift_right_logical3A_569 : vector<16xi32>
      %xor3A_571 = arith.xori %or3A_570, %add3A_563 : vector<16xi32>
      %add3A_572 = arith.addi %add3A_563, %xor3A_571 : vector<16xi32>
      %shift_left3A_573 = arith.constant 29 : i32
      %shift_left3A_574 = vector.broadcast %shift_left3A_573 : i32 to vector<16xi32>
      %shift_left3A_575 = arith.shli %xor3A_571, %shift_left3A_574 : vector<16xi32>
      %shift_right_logical3A_576 = arith.constant 3 : i32
      %shift_right_logical3A_577 = vector.broadcast %shift_right_logical3A_576 : i32 to vector<16xi32>
      %shift_right_logical3A_578 = arith.shrui %xor3A_571, %shift_right_logical3A_577 : vector<16xi32>
      %or3A_579 = arith.ori %shift_left3A_575, %shift_right_logical3A_578 : vector<16xi32>
      %xor3A_580 = arith.xori %or3A_579, %add3A_572 : vector<16xi32>
      %add3A_581 = arith.addi %add3A_572, %xor3A_580 : vector<16xi32>
      %shift_left3A_582 = arith.constant 16 : i32
      %shift_left3A_583 = vector.broadcast %shift_left3A_582 : i32 to vector<16xi32>
      %shift_left3A_584 = arith.shli %xor3A_580, %shift_left3A_583 : vector<16xi32>
      %shift_right_logical3A_585 = arith.constant 16 : i32
      %shift_right_logical3A_586 = vector.broadcast %shift_right_logical3A_585 : i32 to vector<16xi32>
      %shift_right_logical3A_587 = arith.shrui %xor3A_580, %shift_right_logical3A_586 : vector<16xi32>
      %or3A_588 = arith.ori %shift_left3A_584, %shift_right_logical3A_587 : vector<16xi32>
      %xor3A_589 = arith.xori %or3A_588, %add3A_581 : vector<16xi32>
      %add3A_590 = arith.addi %add3A_581, %xor3A_589 : vector<16xi32>
      %shift_left3A_591 = arith.constant 24 : i32
      %shift_left3A_592 = vector.broadcast %shift_left3A_591 : i32 to vector<16xi32>
      %shift_left3A_593 = arith.shli %xor3A_589, %shift_left3A_592 : vector<16xi32>
      %shift_right_logical3A_594 = arith.constant 8 : i32
      %shift_right_logical3A_595 = vector.broadcast %shift_right_logical3A_594 : i32 to vector<16xi32>
      %shift_right_logical3A_596 = arith.shrui %xor3A_589, %shift_right_logical3A_595 : vector<16xi32>
      %or3A_597 = arith.ori %shift_left3A_593, %shift_right_logical3A_596 : vector<16xi32>
      %xor3A_598 = arith.xori %or3A_597, %add3A_590 : vector<16xi32>
      %add3A_599 = arith.constant -765416504 : i32
      %add3A_600 = vector.broadcast %add3A_599 : i32 to vector<16xi32>
      %add3A_601 = arith.addi %add3A_590, %add3A_600 : vector<16xi32>
      %add3A_602 = arith.constant -1944951124 : i32
      %add3A_603 = vector.broadcast %add3A_602 : i32 to vector<16xi32>
      %add3A_604 = arith.addi %xor3A_598, %add3A_603 : vector<16xi32>
      %add3A_605 = arith.constant 2 : i32
      %add3A_606 = vector.broadcast %add3A_605 : i32 to vector<16xi32>
      %add3A_607 = arith.addi %add3A_604, %add3A_606 : vector<16xi32>
      %add3A_608 = arith.addi %add3A_601, %add3A_607 : vector<16xi32>
      %shift_left3A_609 = arith.constant 13 : i32
      %shift_left3A_610 = vector.broadcast %shift_left3A_609 : i32 to vector<16xi32>
      %shift_left3A_611 = arith.shli %add3A_607, %shift_left3A_610 : vector<16xi32>
      %shift_right_logical3A_612 = arith.constant 19 : i32
      %shift_right_logical3A_613 = vector.broadcast %shift_right_logical3A_612 : i32 to vector<16xi32>
      %shift_right_logical3A_614 = arith.shrui %add3A_607, %shift_right_logical3A_613 : vector<16xi32>
      %or3A_615 = arith.ori %shift_left3A_611, %shift_right_logical3A_614 : vector<16xi32>
      %xor3A_616 = arith.xori %or3A_615, %add3A_608 : vector<16xi32>
      %add3A_617 = arith.addi %add3A_608, %xor3A_616 : vector<16xi32>
      %shift_left3A_618 = arith.constant 15 : i32
      %shift_left3A_619 = vector.broadcast %shift_left3A_618 : i32 to vector<16xi32>
      %shift_left3A_620 = arith.shli %xor3A_616, %shift_left3A_619 : vector<16xi32>
      %shift_right_logical3A_621 = arith.constant 17 : i32
      %shift_right_logical3A_622 = vector.broadcast %shift_right_logical3A_621 : i32 to vector<16xi32>
      %shift_right_logical3A_623 = arith.shrui %xor3A_616, %shift_right_logical3A_622 : vector<16xi32>
      %or3A_624 = arith.ori %shift_left3A_620, %shift_right_logical3A_623 : vector<16xi32>
      %xor3A_625 = arith.xori %or3A_624, %add3A_617 : vector<16xi32>
      %add3A_626 = arith.addi %add3A_617, %xor3A_625 : vector<16xi32>
      %shift_left3A_627 = arith.constant 26 : i32
      %shift_left3A_628 = vector.broadcast %shift_left3A_627 : i32 to vector<16xi32>
      %shift_left3A_629 = arith.shli %xor3A_625, %shift_left3A_628 : vector<16xi32>
      %shift_right_logical3A_630 = arith.constant 6 : i32
      %shift_right_logical3A_631 = vector.broadcast %shift_right_logical3A_630 : i32 to vector<16xi32>
      %shift_right_logical3A_632 = arith.shrui %xor3A_625, %shift_right_logical3A_631 : vector<16xi32>
      %or3A_633 = arith.ori %shift_left3A_629, %shift_right_logical3A_632 : vector<16xi32>
      %xor3A_634 = arith.xori %or3A_633, %add3A_626 : vector<16xi32>
      %add3A_635 = arith.addi %add3A_626, %xor3A_634 : vector<16xi32>
      %shift_left3A_636 = arith.constant 6 : i32
      %shift_left3A_637 = vector.broadcast %shift_left3A_636 : i32 to vector<16xi32>
      %shift_left3A_638 = arith.shli %xor3A_634, %shift_left3A_637 : vector<16xi32>
      %shift_right_logical3A_639 = arith.constant 26 : i32
      %shift_right_logical3A_640 = vector.broadcast %shift_right_logical3A_639 : i32 to vector<16xi32>
      %shift_right_logical3A_641 = arith.shrui %xor3A_634, %shift_right_logical3A_640 : vector<16xi32>
      %or3A_642 = arith.ori %shift_left3A_638, %shift_right_logical3A_641 : vector<16xi32>
      %xor3A_643 = arith.xori %or3A_642, %add3A_635 : vector<16xi32>
      %add3A_644 = arith.constant -1944951124 : i32
      %add3A_645 = vector.broadcast %add3A_644 : i32 to vector<16xi32>
      %add3A_646 = arith.addi %add3A_635, %add3A_645 : vector<16xi32>
      %add3A_647 = arith.constant 1168365246 : i32
      %add3A_648 = vector.broadcast %add3A_647 : i32 to vector<16xi32>
      %add3A_649 = arith.addi %xor3A_643, %add3A_648 : vector<16xi32>
      %add3A_650 = arith.constant 3 : i32
      %add3A_651 = vector.broadcast %add3A_650 : i32 to vector<16xi32>
      %add3A_652 = arith.addi %add3A_649, %add3A_651 : vector<16xi32>
      %add3A_653 = arith.addi %add3A_646, %add3A_652 : vector<16xi32>
      %shift_left3A_654 = arith.constant 17 : i32
      %shift_left3A_655 = vector.broadcast %shift_left3A_654 : i32 to vector<16xi32>
      %shift_left3A_656 = arith.shli %add3A_652, %shift_left3A_655 : vector<16xi32>
      %shift_right_logical3A_657 = arith.constant 15 : i32
      %shift_right_logical3A_658 = vector.broadcast %shift_right_logical3A_657 : i32 to vector<16xi32>
      %shift_right_logical3A_659 = arith.shrui %add3A_652, %shift_right_logical3A_658 : vector<16xi32>
      %or3A_660 = arith.ori %shift_left3A_656, %shift_right_logical3A_659 : vector<16xi32>
      %xor3A_661 = arith.xori %or3A_660, %add3A_653 : vector<16xi32>
      %add3A_662 = arith.addi %add3A_653, %xor3A_661 : vector<16xi32>
      %shift_left3A_663 = arith.constant 29 : i32
      %shift_left3A_664 = vector.broadcast %shift_left3A_663 : i32 to vector<16xi32>
      %shift_left3A_665 = arith.shli %xor3A_661, %shift_left3A_664 : vector<16xi32>
      %shift_right_logical3A_666 = arith.constant 3 : i32
      %shift_right_logical3A_667 = vector.broadcast %shift_right_logical3A_666 : i32 to vector<16xi32>
      %shift_right_logical3A_668 = arith.shrui %xor3A_661, %shift_right_logical3A_667 : vector<16xi32>
      %or3A_669 = arith.ori %shift_left3A_665, %shift_right_logical3A_668 : vector<16xi32>
      %xor3A_670 = arith.xori %or3A_669, %add3A_662 : vector<16xi32>
      %add3A_671 = arith.addi %add3A_662, %xor3A_670 : vector<16xi32>
      %shift_left3A_672 = arith.constant 16 : i32
      %shift_left3A_673 = vector.broadcast %shift_left3A_672 : i32 to vector<16xi32>
      %shift_left3A_674 = arith.shli %xor3A_670, %shift_left3A_673 : vector<16xi32>
      %shift_right_logical3A_675 = arith.constant 16 : i32
      %shift_right_logical3A_676 = vector.broadcast %shift_right_logical3A_675 : i32 to vector<16xi32>
      %shift_right_logical3A_677 = arith.shrui %xor3A_670, %shift_right_logical3A_676 : vector<16xi32>
      %or3A_678 = arith.ori %shift_left3A_674, %shift_right_logical3A_677 : vector<16xi32>
      %xor3A_679 = arith.xori %or3A_678, %add3A_671 : vector<16xi32>
      %add3A_680 = arith.addi %add3A_671, %xor3A_679 : vector<16xi32>
      %shift_left3A_681 = arith.constant 24 : i32
      %shift_left3A_682 = vector.broadcast %shift_left3A_681 : i32 to vector<16xi32>
      %shift_left3A_683 = arith.shli %xor3A_679, %shift_left3A_682 : vector<16xi32>
      %shift_right_logical3A_684 = arith.constant 8 : i32
      %shift_right_logical3A_685 = vector.broadcast %shift_right_logical3A_684 : i32 to vector<16xi32>
      %shift_right_logical3A_686 = arith.shrui %xor3A_679, %shift_right_logical3A_685 : vector<16xi32>
      %or3A_687 = arith.ori %shift_left3A_683, %shift_right_logical3A_686 : vector<16xi32>
      %xor3A_688 = arith.xori %or3A_687, %add3A_680 : vector<16xi32>
      %add3A_689 = arith.constant 1168365246 : i32
      %add3A_690 = vector.broadcast %add3A_689 : i32 to vector<16xi32>
      %add3A_691 = arith.addi %add3A_680, %add3A_690 : vector<16xi32>
      %add3A_692 = arith.constant -765416504 : i32
      %add3A_693 = vector.broadcast %add3A_692 : i32 to vector<16xi32>
      %add3A_694 = arith.addi %xor3A_688, %add3A_693 : vector<16xi32>
      %add3A_695 = arith.constant 4 : i32
      %add3A_696 = vector.broadcast %add3A_695 : i32 to vector<16xi32>
      %add3A_697 = arith.addi %add3A_694, %add3A_696 : vector<16xi32>
      %add3A_698 = arith.addi %add3A_691, %add3A_697 : vector<16xi32>
      %shift_left3A_699 = arith.constant 13 : i32
      %shift_left3A_700 = vector.broadcast %shift_left3A_699 : i32 to vector<16xi32>
      %shift_left3A_701 = arith.shli %add3A_697, %shift_left3A_700 : vector<16xi32>
      %shift_right_logical3A_702 = arith.constant 19 : i32
      %shift_right_logical3A_703 = vector.broadcast %shift_right_logical3A_702 : i32 to vector<16xi32>
      %shift_right_logical3A_704 = arith.shrui %add3A_697, %shift_right_logical3A_703 : vector<16xi32>
      %or3A_705 = arith.ori %shift_left3A_701, %shift_right_logical3A_704 : vector<16xi32>
      %xor3A_706 = arith.xori %or3A_705, %add3A_698 : vector<16xi32>
      %add3A_707 = arith.addi %add3A_698, %xor3A_706 : vector<16xi32>
      %shift_left3A_708 = arith.constant 15 : i32
      %shift_left3A_709 = vector.broadcast %shift_left3A_708 : i32 to vector<16xi32>
      %shift_left3A_710 = arith.shli %xor3A_706, %shift_left3A_709 : vector<16xi32>
      %shift_right_logical3A_711 = arith.constant 17 : i32
      %shift_right_logical3A_712 = vector.broadcast %shift_right_logical3A_711 : i32 to vector<16xi32>
      %shift_right_logical3A_713 = arith.shrui %xor3A_706, %shift_right_logical3A_712 : vector<16xi32>
      %or3A_714 = arith.ori %shift_left3A_710, %shift_right_logical3A_713 : vector<16xi32>
      %xor3A_715 = arith.xori %or3A_714, %add3A_707 : vector<16xi32>
      %add3A_716 = arith.addi %add3A_707, %xor3A_715 : vector<16xi32>
      %shift_left3A_717 = arith.constant 26 : i32
      %shift_left3A_718 = vector.broadcast %shift_left3A_717 : i32 to vector<16xi32>
      %shift_left3A_719 = arith.shli %xor3A_715, %shift_left3A_718 : vector<16xi32>
      %shift_right_logical3A_720 = arith.constant 6 : i32
      %shift_right_logical3A_721 = vector.broadcast %shift_right_logical3A_720 : i32 to vector<16xi32>
      %shift_right_logical3A_722 = arith.shrui %xor3A_715, %shift_right_logical3A_721 : vector<16xi32>
      %or3A_723 = arith.ori %shift_left3A_719, %shift_right_logical3A_722 : vector<16xi32>
      %xor3A_724 = arith.xori %or3A_723, %add3A_716 : vector<16xi32>
      %add3A_725 = arith.addi %add3A_716, %xor3A_724 : vector<16xi32>
      %shift_left3A_726 = arith.constant 6 : i32
      %shift_left3A_727 = vector.broadcast %shift_left3A_726 : i32 to vector<16xi32>
      %shift_left3A_728 = arith.shli %xor3A_724, %shift_left3A_727 : vector<16xi32>
      %shift_right_logical3A_729 = arith.constant 26 : i32
      %shift_right_logical3A_730 = vector.broadcast %shift_right_logical3A_729 : i32 to vector<16xi32>
      %shift_right_logical3A_731 = arith.shrui %xor3A_724, %shift_right_logical3A_730 : vector<16xi32>
      %or3A_732 = arith.ori %shift_left3A_728, %shift_right_logical3A_731 : vector<16xi32>
      %xor3A_733 = arith.xori %or3A_732, %add3A_725 : vector<16xi32>
      %add3A_734 = arith.constant -765416504 : i32
      %add3A_735 = vector.broadcast %add3A_734 : i32 to vector<16xi32>
      %add3A_736 = arith.addi %add3A_725, %add3A_735 : vector<16xi32>
      %add3A_737 = arith.constant -1944951124 : i32
      %add3A_738 = vector.broadcast %add3A_737 : i32 to vector<16xi32>
      %add3A_739 = arith.addi %xor3A_733, %add3A_738 : vector<16xi32>
      %add3A_740 = arith.constant 5 : i32
      %add3A_741 = vector.broadcast %add3A_740 : i32 to vector<16xi32>
      %add3A_742 = arith.addi %add3A_739, %add3A_741 : vector<16xi32>
      %xor3A_743 = arith.xori %add3A_736, %add3A_742 : vector<16xi32>
      %bitcast_convert_type3A_744 = tpu.bitcast %xor3A_743 : vector<16xi32> -> vector<16xi32>
      %convert_element_type3A_745 = arith.uitofp %xor3A_743 : vector<16xi32> to vector<16xf32>
      %mul3A_746 = arith.constant 9.99999974E-6 : f32
      %mul3A_747 = vector.broadcast %mul3A_746 : f32 to vector<16xf32>
      %mul3A_748 = arith.mulf %convert_element_type3A_745, %mul3A_747 : vector<16xf32>
      %convert_element_type3A_749 = arith.fptosi %mul3A_748 : vector<16xf32> to vector<16xi32>
      %mul3A_750 = arith.constant 100000 : i32
      %mul3A_751 = vector.broadcast %mul3A_750 : i32 to vector<16xi32>
      %mul3A_752 = arith.muli %convert_element_type3A_749, %mul3A_751 : vector<16xi32>
      %sub3A_753 = arith.subi %bitcast_convert_type3A_744, %mul3A_752 : vector<16xi32>
      %lt3A = arith.constant 0 : i32
      %lt3A_754 = vector.broadcast %lt3A : i32 to vector<16xi32>
      %lt3A_755 = arith.cmpi slt, %sub3A_753, %lt3A_754 : vector<16xi32>
      %add3A_756 = arith.constant 100000 : i32
      %add3A_757 = vector.broadcast %add3A_756 : i32 to vector<16xi32>
      %add3A_758 = arith.addi %sub3A_753, %add3A_757 : vector<16xi32>
      %select_n3A = arith.select %lt3A_755, %add3A_758, %sub3A_753 : vector<16xi1>, vector<16xi32>
      %ge3A = arith.constant 100000 : i32
      %ge3A_759 = vector.broadcast %ge3A : i32 to vector<16xi32>
      %ge3A_760 = arith.cmpi sge, %select_n3A, %ge3A_759 : vector<16xi32>
      %sub3A_761 = arith.constant 100000 : i32
      %sub3A_762 = vector.broadcast %sub3A_761 : i32 to vector<16xi32>
      %sub3A_763 = arith.subi %select_n3A, %sub3A_762 : vector<16xi32>
      %select_n3A_764 = arith.select %ge3A_760, %sub3A_763, %select_n3A : vector<16xi1>, vector<16xi32>
      %get3A = arith.index_cast %mul3A_12 : i32 to index
      %get3A_765 = tpu.vector_load %arg4[%get3A] {strides = array<i32>} : memref<3200xf32, #tpu.memory_space<vmem>>, vector<16xf32>,
      %get3A_766 = vector.shape_cast %get3A_765 : vector<16xf32> to vector<16xf32>
      %convert_element_type3A_767 = arith.sitofp %select_n3A_764 : vector<16xi32> to vector<16xf32>
      %select_n3A_768 = arith.select %le3A, %convert_element_type3A_767, %get3A_766 : vector<16xi1>, vector<16xf32>
      %swap3A = arith.index_cast %mul3A_12 : i32 to index
      %swap3A_769 = tpu.vector_load %arg5[%swap3A] {strides = array<i32>} : memref<3200xf32, #tpu.memory_space<vmem>>, vector<16xf32>,
      %swap3A_770 = vector.shape_cast %swap3A_769 : vector<16xf32> to vector<16xf32>
      %swap3A_771 = vector.shape_cast %select_n3A_768 : vector<16xf32> to vector<16xf32>
      tpu.vector_store %arg5[%swap3A], %swap3A_771 {strides = array<i32>} : memref<3200xf32, #tpu.memory_space<vmem>>, vector<16xf32>,
    }
    %scan3A_9 = arith.constant 200 : i32
    "tpu.region"() ({
      %run_scoped3A = tpu.sem_alloc : memref<!tpu.dma_semaphore, #tpu.memory_space<semaphore_mem>>
      %dma_start3A = tpu.memref_slice %arg3[%mul3A_2] : memref<102400xf32, #tpu.memory_space<hbm>> -> memref<3200xf32, #tpu.memory_space<hbm>>
      %dma_start3A_10 = tpu.memref_slice %arg3[%mul3A_2] : memref<102400xf32, #tpu.memory_space<hbm>> -> memref<3200xf32, #tpu.memory_space<hbm>>
      tpu.enqueue_dma source(%arg5 : memref<3200xf32, #tpu.memory_space<vmem>>) target(%dma_start3A_10 : memref<3200xf32, #tpu.memory_space<hbm>>) target_semaphore(%run_scoped3A : memref<!tpu.dma_semaphore, #tpu.memory_space<semaphore_mem>>)
      %dma_wait3A = tpu.memref_slice %arg3[%mul3A_2] : memref<102400xf32, #tpu.memory_space<hbm>> -> memref<3200xf32, #tpu.memory_space<hbm>>
      %dma_wait3A_11 = tpu.memref_slice %arg3[%mul3A_2] : memref<102400xf32, #tpu.memory_space<hbm>> -> memref<3200xf32, #tpu.memory_space<hbm>>
      tpu.wait_dma2 semaphore(%run_scoped3A : memref<!tpu.dma_semaphore, #tpu.memory_space<semaphore_mem>>) src(%arg5 : memref<3200xf32, #tpu.memory_space<vmem>>) dst(%dma_wait3A_11 : memref<3200xf32, #tpu.memory_space<hbm>>)
      tpu.yield
    }) : () -> ()
    return
  }
}

module attributes {stable_mosaic.version = 14 : i64} {
  func.func @_body(%arg0: i32, %arg1: memref<1x1xi32, #tpu.memory_space<smem>>, %arg2: memref<32x3200xf32, #tpu.memory_space<vmem>>, %arg3: memref<32x3200xf32, #tpu.memory_space<vmem>>) attributes {dimension_semantics = [#tpu.dimension_semantics<arbitrary>], iteration_bounds = array<i64: 3>, scalar_prefetch = 0 : i64, scratch_operands = 0 : i64, tpu.core_type = #tpu.core_type<tc>, window_params = [{transform_indices = @transform_0, window_bounds = array<i64: 1, 1>}, {transform_indices = @transform_1, window_bounds = array<i64: 32, 3200>}, {transform_indices = @transform_2, window_bounds = array<i64: 32, 3200>}]} {
    %get3A = arith.constant 0 : index
    %get3A_0 = arith.constant 0 : index
    %get3A_1 = memref.load %arg1[%get3A, %get3A_0] : memref<1x1xi32, #tpu.memory_space<smem>>
    %iota3A = tpu.iota {dimensions = array<i32: 0>} : vector<32x3200xi32>
    %mul3A = arith.constant 32 : i32
    %mul3A_2 = arith.muli %mul3A, %arg0 : i32
    %add3A = vector.broadcast %mul3A_2 : i32 to vector<32x3200xi32>
    %add3A_3 = arith.addi %iota3A, %add3A : vector<32x3200xi32>
    %iota3A_4 = tpu.iota {dimensions = array<i32: 1>} : vector<32x3200xi32>
    %convert_element_type3A = arith.uitofp %iota3A_4 : vector<32x3200xi32> to vector<32x3200xf32>
    %mul3A_5 = arith.constant 5.000000e-03 : f32
    %mul3A_6 = vector.broadcast %mul3A_5 : f32 to vector<32x3200xf32>
    %mul3A_7 = arith.mulf %convert_element_type3A, %mul3A_6 : vector<32x3200xf32>
    %convert_element_type3A_8 = arith.fptosi %mul3A_7 : vector<32x3200xf32> to vector<32x3200xi32>
    %mul3A_9 = arith.constant 16 : i32
    %mul3A_10 = vector.broadcast %mul3A_9 : i32 to vector<32x3200xi32>
    %mul3A_11 = arith.muli %add3A_3, %mul3A_10 : vector<32x3200xi32>
    %add3A_12 = vector.broadcast %get3A_1 : i32 to vector<32x3200xi32>
    %add3A_13 = arith.addi %add3A_12, %mul3A_11 : vector<32x3200xi32>
    %add3A_14 = arith.addi %add3A_13, %convert_element_type3A_8 : vector<32x3200xi32>
    %mul3A_15 = arith.constant 200 : i32
    %mul3A_16 = vector.broadcast %mul3A_15 : i32 to vector<32x3200xi32>
    %mul3A_17 = arith.muli %convert_element_type3A_8, %mul3A_16 : vector<32x3200xi32>
    %sub3A = arith.subi %iota3A_4, %mul3A_17 : vector<32x3200xi32>
    %mul3A_18 = arith.constant 8192 : i32
    %mul3A_19 = vector.broadcast %mul3A_18 : i32 to vector<32x3200xi32>
    %mul3A_20 = arith.muli %sub3A, %mul3A_19 : vector<32x3200xi32>
    %mul3A_21 = arith.constant 2 : i32
    %mul3A_22 = vector.broadcast %mul3A_21 : i32 to vector<32x3200xi32>
    %mul3A_23 = arith.muli %add3A_14, %mul3A_22 : vector<32x3200xi32>
    %add3A_24 = arith.addi %mul3A_20, %mul3A_23 : vector<32x3200xi32>
    %broadcast_in_dim3A = arith.constant 1832780943 : i32
    %broadcast_in_dim3A_25 = vector.broadcast %broadcast_in_dim3A : i32 to vector<32x3200xi32>
    %add3A_26 = arith.constant 270669613 : i32
    %add3A_27 = vector.broadcast %add3A_26 : i32 to vector<32x3200xi32>
    %add3A_28 = arith.addi %add3A_24, %add3A_27 : vector<32x3200xi32>
    %add3A_29 = arith.addi %broadcast_in_dim3A_25, %add3A_28 : vector<32x3200xi32>
    %shift_left3A = arith.constant 13 : i32
    %shift_left3A_30 = vector.broadcast %shift_left3A : i32 to vector<32x3200xi32>
    %shift_left3A_31 = arith.shli %add3A_28, %shift_left3A_30 : vector<32x3200xi32>
    %shift_right_logical3A = arith.constant 19 : i32
    %shift_right_logical3A_32 = vector.broadcast %shift_right_logical3A : i32 to vector<32x3200xi32>
    %shift_right_logical3A_33 = arith.shrui %add3A_28, %shift_right_logical3A_32 : vector<32x3200xi32>
    %or3A = arith.ori %shift_left3A_31, %shift_right_logical3A_33 : vector<32x3200xi32>
    %xor3A = arith.xori %or3A, %add3A_29 : vector<32x3200xi32>
    %add3A_34 = arith.addi %add3A_29, %xor3A : vector<32x3200xi32>
    %shift_left3A_35 = arith.constant 15 : i32
    %shift_left3A_36 = vector.broadcast %shift_left3A_35 : i32 to vector<32x3200xi32>
    %shift_left3A_37 = arith.shli %xor3A, %shift_left3A_36 : vector<32x3200xi32>
    %shift_right_logical3A_38 = arith.constant 17 : i32
    %shift_right_logical3A_39 = vector.broadcast %shift_right_logical3A_38 : i32 to vector<32x3200xi32>
    %shift_right_logical3A_40 = arith.shrui %xor3A, %shift_right_logical3A_39 : vector<32x3200xi32>
    %or3A_41 = arith.ori %shift_left3A_37, %shift_right_logical3A_40 : vector<32x3200xi32>
    %xor3A_42 = arith.xori %or3A_41, %add3A_34 : vector<32x3200xi32>
    %add3A_43 = arith.addi %add3A_34, %xor3A_42 : vector<32x3200xi32>
    %shift_left3A_44 = arith.constant 26 : i32
    %shift_left3A_45 = vector.broadcast %shift_left3A_44 : i32 to vector<32x3200xi32>
    %shift_left3A_46 = arith.shli %xor3A_42, %shift_left3A_45 : vector<32x3200xi32>
    %shift_right_logical3A_47 = arith.constant 6 : i32
    %shift_right_logical3A_48 = vector.broadcast %shift_right_logical3A_47 : i32 to vector<32x3200xi32>
    %shift_right_logical3A_49 = arith.shrui %xor3A_42, %shift_right_logical3A_48 : vector<32x3200xi32>
    %or3A_50 = arith.ori %shift_left3A_46, %shift_right_logical3A_49 : vector<32x3200xi32>
    %xor3A_51 = arith.xori %or3A_50, %add3A_43 : vector<32x3200xi32>
    %add3A_52 = arith.addi %add3A_43, %xor3A_51 : vector<32x3200xi32>
    %shift_left3A_53 = arith.constant 6 : i32
    %shift_left3A_54 = vector.broadcast %shift_left3A_53 : i32 to vector<32x3200xi32>
    %shift_left3A_55 = arith.shli %xor3A_51, %shift_left3A_54 : vector<32x3200xi32>
    %shift_right_logical3A_56 = arith.constant 26 : i32
    %shift_right_logical3A_57 = vector.broadcast %shift_right_logical3A_56 : i32 to vector<32x3200xi32>
    %shift_right_logical3A_58 = arith.shrui %xor3A_51, %shift_right_logical3A_57 : vector<32x3200xi32>
    %or3A_59 = arith.ori %shift_left3A_55, %shift_right_logical3A_58 : vector<32x3200xi32>
    %xor3A_60 = arith.xori %or3A_59, %add3A_52 : vector<32x3200xi32>
    %add3A_61 = arith.constant 270669613 : i32
    %add3A_62 = vector.broadcast %add3A_61 : i32 to vector<32x3200xi32>
    %add3A_63 = arith.addi %add3A_52, %add3A_62 : vector<32x3200xi32>
    %add3A_64 = arith.constant 1724713080 : i32
    %add3A_65 = vector.broadcast %add3A_64 : i32 to vector<32x3200xi32>
    %add3A_66 = arith.addi %xor3A_60, %add3A_65 : vector<32x3200xi32>
    %add3A_67 = arith.constant 1 : i32
    %add3A_68 = vector.broadcast %add3A_67 : i32 to vector<32x3200xi32>
    %add3A_69 = arith.addi %add3A_66, %add3A_68 : vector<32x3200xi32>
    %add3A_70 = arith.addi %add3A_63, %add3A_69 : vector<32x3200xi32>
    %shift_left3A_71 = arith.constant 17 : i32
    %shift_left3A_72 = vector.broadcast %shift_left3A_71 : i32 to vector<32x3200xi32>
    %shift_left3A_73 = arith.shli %add3A_69, %shift_left3A_72 : vector<32x3200xi32>
    %shift_right_logical3A_74 = arith.constant 15 : i32
    %shift_right_logical3A_75 = vector.broadcast %shift_right_logical3A_74 : i32 to vector<32x3200xi32>
    %shift_right_logical3A_76 = arith.shrui %add3A_69, %shift_right_logical3A_75 : vector<32x3200xi32>
    %or3A_77 = arith.ori %shift_left3A_73, %shift_right_logical3A_76 : vector<32x3200xi32>
    %xor3A_78 = arith.xori %or3A_77, %add3A_70 : vector<32x3200xi32>
    %add3A_79 = arith.addi %add3A_70, %xor3A_78 : vector<32x3200xi32>
    %shift_left3A_80 = arith.constant 29 : i32
    %shift_left3A_81 = vector.broadcast %shift_left3A_80 : i32 to vector<32x3200xi32>
    %shift_left3A_82 = arith.shli %xor3A_78, %shift_left3A_81 : vector<32x3200xi32>
    %shift_right_logical3A_83 = arith.constant 3 : i32
    %shift_right_logical3A_84 = vector.broadcast %shift_right_logical3A_83 : i32 to vector<32x3200xi32>
    %shift_right_logical3A_85 = arith.shrui %xor3A_78, %shift_right_logical3A_84 : vector<32x3200xi32>
    %or3A_86 = arith.ori %shift_left3A_82, %shift_right_logical3A_85 : vector<32x3200xi32>
    %xor3A_87 = arith.xori %or3A_86, %add3A_79 : vector<32x3200xi32>
    %add3A_88 = arith.addi %add3A_79, %xor3A_87 : vector<32x3200xi32>
    %shift_left3A_89 = arith.constant 16 : i32
    %shift_left3A_90 = vector.broadcast %shift_left3A_89 : i32 to vector<32x3200xi32>
    %shift_left3A_91 = arith.shli %xor3A_87, %shift_left3A_90 : vector<32x3200xi32>
    %shift_right_logical3A_92 = arith.constant 16 : i32
    %shift_right_logical3A_93 = vector.broadcast %shift_right_logical3A_92 : i32 to vector<32x3200xi32>
    %shift_right_logical3A_94 = arith.shrui %xor3A_87, %shift_right_logical3A_93 : vector<32x3200xi32>
    %or3A_95 = arith.ori %shift_left3A_91, %shift_right_logical3A_94 : vector<32x3200xi32>
    %xor3A_96 = arith.xori %or3A_95, %add3A_88 : vector<32x3200xi32>
    %add3A_97 = arith.addi %add3A_88, %xor3A_96 : vector<32x3200xi32>
    %shift_left3A_98 = arith.constant 24 : i32
    %shift_left3A_99 = vector.broadcast %shift_left3A_98 : i32 to vector<32x3200xi32>
    %shift_left3A_100 = arith.shli %xor3A_96, %shift_left3A_99 : vector<32x3200xi32>
    %shift_right_logical3A_101 = arith.constant 8 : i32
    %shift_right_logical3A_102 = vector.broadcast %shift_right_logical3A_101 : i32 to vector<32x3200xi32>
    %shift_right_logical3A_103 = arith.shrui %xor3A_96, %shift_right_logical3A_102 : vector<32x3200xi32>
    %or3A_104 = arith.ori %shift_left3A_100, %shift_right_logical3A_103 : vector<32x3200xi32>
    %xor3A_105 = arith.xori %or3A_104, %add3A_97 : vector<32x3200xi32>
    %add3A_106 = arith.constant 1724713080 : i32
    %add3A_107 = vector.broadcast %add3A_106 : i32 to vector<32x3200xi32>
    %add3A_108 = arith.addi %add3A_97, %add3A_107 : vector<32x3200xi32>
    %add3A_109 = arith.constant 1832780943 : i32
    %add3A_110 = vector.broadcast %add3A_109 : i32 to vector<32x3200xi32>
    %add3A_111 = arith.addi %xor3A_105, %add3A_110 : vector<32x3200xi32>
    %add3A_112 = arith.constant 2 : i32
    %add3A_113 = vector.broadcast %add3A_112 : i32 to vector<32x3200xi32>
    %add3A_114 = arith.addi %add3A_111, %add3A_113 : vector<32x3200xi32>
    %add3A_115 = arith.addi %add3A_108, %add3A_114 : vector<32x3200xi32>
    %shift_left3A_116 = arith.constant 13 : i32
    %shift_left3A_117 = vector.broadcast %shift_left3A_116 : i32 to vector<32x3200xi32>
    %shift_left3A_118 = arith.shli %add3A_114, %shift_left3A_117 : vector<32x3200xi32>
    %shift_right_logical3A_119 = arith.constant 19 : i32
    %shift_right_logical3A_120 = vector.broadcast %shift_right_logical3A_119 : i32 to vector<32x3200xi32>
    %shift_right_logical3A_121 = arith.shrui %add3A_114, %shift_right_logical3A_120 : vector<32x3200xi32>
    %or3A_122 = arith.ori %shift_left3A_118, %shift_right_logical3A_121 : vector<32x3200xi32>
    %xor3A_123 = arith.xori %or3A_122, %add3A_115 : vector<32x3200xi32>
    %add3A_124 = arith.addi %add3A_115, %xor3A_123 : vector<32x3200xi32>
    %shift_left3A_125 = arith.constant 15 : i32
    %shift_left3A_126 = vector.broadcast %shift_left3A_125 : i32 to vector<32x3200xi32>
    %shift_left3A_127 = arith.shli %xor3A_123, %shift_left3A_126 : vector<32x3200xi32>
    %shift_right_logical3A_128 = arith.constant 17 : i32
    %shift_right_logical3A_129 = vector.broadcast %shift_right_logical3A_128 : i32 to vector<32x3200xi32>
    %shift_right_logical3A_130 = arith.shrui %xor3A_123, %shift_right_logical3A_129 : vector<32x3200xi32>
    %or3A_131 = arith.ori %shift_left3A_127, %shift_right_logical3A_130 : vector<32x3200xi32>
    %xor3A_132 = arith.xori %or3A_131, %add3A_124 : vector<32x3200xi32>
    %add3A_133 = arith.addi %add3A_124, %xor3A_132 : vector<32x3200xi32>
    %shift_left3A_134 = arith.constant 26 : i32
    %shift_left3A_135 = vector.broadcast %shift_left3A_134 : i32 to vector<32x3200xi32>
    %shift_left3A_136 = arith.shli %xor3A_132, %shift_left3A_135 : vector<32x3200xi32>
    %shift_right_logical3A_137 = arith.constant 6 : i32
    %shift_right_logical3A_138 = vector.broadcast %shift_right_logical3A_137 : i32 to vector<32x3200xi32>
    %shift_right_logical3A_139 = arith.shrui %xor3A_132, %shift_right_logical3A_138 : vector<32x3200xi32>
    %or3A_140 = arith.ori %shift_left3A_136, %shift_right_logical3A_139 : vector<32x3200xi32>
    %xor3A_141 = arith.xori %or3A_140, %add3A_133 : vector<32x3200xi32>
    %add3A_142 = arith.addi %add3A_133, %xor3A_141 : vector<32x3200xi32>
    %shift_left3A_143 = arith.constant 6 : i32
    %shift_left3A_144 = vector.broadcast %shift_left3A_143 : i32 to vector<32x3200xi32>
    %shift_left3A_145 = arith.shli %xor3A_141, %shift_left3A_144 : vector<32x3200xi32>
    %shift_right_logical3A_146 = arith.constant 26 : i32
    %shift_right_logical3A_147 = vector.broadcast %shift_right_logical3A_146 : i32 to vector<32x3200xi32>
    %shift_right_logical3A_148 = arith.shrui %xor3A_141, %shift_right_logical3A_147 : vector<32x3200xi32>
    %or3A_149 = arith.ori %shift_left3A_145, %shift_right_logical3A_148 : vector<32x3200xi32>
    %xor3A_150 = arith.xori %or3A_149, %add3A_142 : vector<32x3200xi32>
    %add3A_151 = arith.constant 1832780943 : i32
    %add3A_152 = vector.broadcast %add3A_151 : i32 to vector<32x3200xi32>
    %add3A_153 = arith.addi %add3A_142, %add3A_152 : vector<32x3200xi32>
    %add3A_154 = arith.constant 270669613 : i32
    %add3A_155 = vector.broadcast %add3A_154 : i32 to vector<32x3200xi32>
    %add3A_156 = arith.addi %xor3A_150, %add3A_155 : vector<32x3200xi32>
    %add3A_157 = arith.constant 3 : i32
    %add3A_158 = vector.broadcast %add3A_157 : i32 to vector<32x3200xi32>
    %add3A_159 = arith.addi %add3A_156, %add3A_158 : vector<32x3200xi32>
    %add3A_160 = arith.addi %add3A_153, %add3A_159 : vector<32x3200xi32>
    %shift_left3A_161 = arith.constant 17 : i32
    %shift_left3A_162 = vector.broadcast %shift_left3A_161 : i32 to vector<32x3200xi32>
    %shift_left3A_163 = arith.shli %add3A_159, %shift_left3A_162 : vector<32x3200xi32>
    %shift_right_logical3A_164 = arith.constant 15 : i32
    %shift_right_logical3A_165 = vector.broadcast %shift_right_logical3A_164 : i32 to vector<32x3200xi32>
    %shift_right_logical3A_166 = arith.shrui %add3A_159, %shift_right_logical3A_165 : vector<32x3200xi32>
    %or3A_167 = arith.ori %shift_left3A_163, %shift_right_logical3A_166 : vector<32x3200xi32>
    %xor3A_168 = arith.xori %or3A_167, %add3A_160 : vector<32x3200xi32>
    %add3A_169 = arith.addi %add3A_160, %xor3A_168 : vector<32x3200xi32>
    %shift_left3A_170 = arith.constant 29 : i32
    %shift_left3A_171 = vector.broadcast %shift_left3A_170 : i32 to vector<32x3200xi32>
    %shift_left3A_172 = arith.shli %xor3A_168, %shift_left3A_171 : vector<32x3200xi32>
    %shift_right_logical3A_173 = arith.constant 3 : i32
    %shift_right_logical3A_174 = vector.broadcast %shift_right_logical3A_173 : i32 to vector<32x3200xi32>
    %shift_right_logical3A_175 = arith.shrui %xor3A_168, %shift_right_logical3A_174 : vector<32x3200xi32>
    %or3A_176 = arith.ori %shift_left3A_172, %shift_right_logical3A_175 : vector<32x3200xi32>
    %xor3A_177 = arith.xori %or3A_176, %add3A_169 : vector<32x3200xi32>
    %add3A_178 = arith.addi %add3A_169, %xor3A_177 : vector<32x3200xi32>
    %shift_left3A_179 = arith.constant 16 : i32
    %shift_left3A_180 = vector.broadcast %shift_left3A_179 : i32 to vector<32x3200xi32>
    %shift_left3A_181 = arith.shli %xor3A_177, %shift_left3A_180 : vector<32x3200xi32>
    %shift_right_logical3A_182 = arith.constant 16 : i32
    %shift_right_logical3A_183 = vector.broadcast %shift_right_logical3A_182 : i32 to vector<32x3200xi32>
    %shift_right_logical3A_184 = arith.shrui %xor3A_177, %shift_right_logical3A_183 : vector<32x3200xi32>
    %or3A_185 = arith.ori %shift_left3A_181, %shift_right_logical3A_184 : vector<32x3200xi32>
    %xor3A_186 = arith.xori %or3A_185, %add3A_178 : vector<32x3200xi32>
    %add3A_187 = arith.addi %add3A_178, %xor3A_186 : vector<32x3200xi32>
    %shift_left3A_188 = arith.constant 24 : i32
    %shift_left3A_189 = vector.broadcast %shift_left3A_188 : i32 to vector<32x3200xi32>
    %shift_left3A_190 = arith.shli %xor3A_186, %shift_left3A_189 : vector<32x3200xi32>
    %shift_right_logical3A_191 = arith.constant 8 : i32
    %shift_right_logical3A_192 = vector.broadcast %shift_right_logical3A_191 : i32 to vector<32x3200xi32>
    %shift_right_logical3A_193 = arith.shrui %xor3A_186, %shift_right_logical3A_192 : vector<32x3200xi32>
    %or3A_194 = arith.ori %shift_left3A_190, %shift_right_logical3A_193 : vector<32x3200xi32>
    %xor3A_195 = arith.xori %or3A_194, %add3A_187 : vector<32x3200xi32>
    %add3A_196 = arith.constant 270669613 : i32
    %add3A_197 = vector.broadcast %add3A_196 : i32 to vector<32x3200xi32>
    %add3A_198 = arith.addi %add3A_187, %add3A_197 : vector<32x3200xi32>
    %add3A_199 = arith.constant 1724713080 : i32
    %add3A_200 = vector.broadcast %add3A_199 : i32 to vector<32x3200xi32>
    %add3A_201 = arith.addi %xor3A_195, %add3A_200 : vector<32x3200xi32>
    %add3A_202 = arith.constant 4 : i32
    %add3A_203 = vector.broadcast %add3A_202 : i32 to vector<32x3200xi32>
    %add3A_204 = arith.addi %add3A_201, %add3A_203 : vector<32x3200xi32>
    %add3A_205 = arith.addi %add3A_198, %add3A_204 : vector<32x3200xi32>
    %shift_left3A_206 = arith.constant 13 : i32
    %shift_left3A_207 = vector.broadcast %shift_left3A_206 : i32 to vector<32x3200xi32>
    %shift_left3A_208 = arith.shli %add3A_204, %shift_left3A_207 : vector<32x3200xi32>
    %shift_right_logical3A_209 = arith.constant 19 : i32
    %shift_right_logical3A_210 = vector.broadcast %shift_right_logical3A_209 : i32 to vector<32x3200xi32>
    %shift_right_logical3A_211 = arith.shrui %add3A_204, %shift_right_logical3A_210 : vector<32x3200xi32>
    %or3A_212 = arith.ori %shift_left3A_208, %shift_right_logical3A_211 : vector<32x3200xi32>
    %xor3A_213 = arith.xori %or3A_212, %add3A_205 : vector<32x3200xi32>
    %add3A_214 = arith.addi %add3A_205, %xor3A_213 : vector<32x3200xi32>
    %shift_left3A_215 = arith.constant 15 : i32
    %shift_left3A_216 = vector.broadcast %shift_left3A_215 : i32 to vector<32x3200xi32>
    %shift_left3A_217 = arith.shli %xor3A_213, %shift_left3A_216 : vector<32x3200xi32>
    %shift_right_logical3A_218 = arith.constant 17 : i32
    %shift_right_logical3A_219 = vector.broadcast %shift_right_logical3A_218 : i32 to vector<32x3200xi32>
    %shift_right_logical3A_220 = arith.shrui %xor3A_213, %shift_right_logical3A_219 : vector<32x3200xi32>
    %or3A_221 = arith.ori %shift_left3A_217, %shift_right_logical3A_220 : vector<32x3200xi32>
    %xor3A_222 = arith.xori %or3A_221, %add3A_214 : vector<32x3200xi32>
    %add3A_223 = arith.addi %add3A_214, %xor3A_222 : vector<32x3200xi32>
    %shift_left3A_224 = arith.constant 26 : i32
    %shift_left3A_225 = vector.broadcast %shift_left3A_224 : i32 to vector<32x3200xi32>
    %shift_left3A_226 = arith.shli %xor3A_222, %shift_left3A_225 : vector<32x3200xi32>
    %shift_right_logical3A_227 = arith.constant 6 : i32
    %shift_right_logical3A_228 = vector.broadcast %shift_right_logical3A_227 : i32 to vector<32x3200xi32>
    %shift_right_logical3A_229 = arith.shrui %xor3A_222, %shift_right_logical3A_228 : vector<32x3200xi32>
    %or3A_230 = arith.ori %shift_left3A_226, %shift_right_logical3A_229 : vector<32x3200xi32>
    %xor3A_231 = arith.xori %or3A_230, %add3A_223 : vector<32x3200xi32>
    %add3A_232 = arith.addi %add3A_223, %xor3A_231 : vector<32x3200xi32>
    %shift_left3A_233 = arith.constant 6 : i32
    %shift_left3A_234 = vector.broadcast %shift_left3A_233 : i32 to vector<32x3200xi32>
    %shift_left3A_235 = arith.shli %xor3A_231, %shift_left3A_234 : vector<32x3200xi32>
    %shift_right_logical3A_236 = arith.constant 26 : i32
    %shift_right_logical3A_237 = vector.broadcast %shift_right_logical3A_236 : i32 to vector<32x3200xi32>
    %shift_right_logical3A_238 = arith.shrui %xor3A_231, %shift_right_logical3A_237 : vector<32x3200xi32>
    %or3A_239 = arith.ori %shift_left3A_235, %shift_right_logical3A_238 : vector<32x3200xi32>
    %xor3A_240 = arith.xori %or3A_239, %add3A_232 : vector<32x3200xi32>
    %add3A_241 = arith.constant 1724713080 : i32
    %add3A_242 = vector.broadcast %add3A_241 : i32 to vector<32x3200xi32>
    %add3A_243 = arith.addi %add3A_232, %add3A_242 : vector<32x3200xi32>
    %add3A_244 = arith.constant 1832780943 : i32
    %add3A_245 = vector.broadcast %add3A_244 : i32 to vector<32x3200xi32>
    %add3A_246 = arith.addi %xor3A_240, %add3A_245 : vector<32x3200xi32>
    %add3A_247 = arith.constant 5 : i32
    %add3A_248 = vector.broadcast %add3A_247 : i32 to vector<32x3200xi32>
    %add3A_249 = arith.addi %add3A_246, %add3A_248 : vector<32x3200xi32>
    %xor3A_250 = arith.xori %add3A_243, %add3A_249 : vector<32x3200xi32>
    %shift_right_logical3A_251 = arith.constant 9 : i32
    %shift_right_logical3A_252 = vector.broadcast %shift_right_logical3A_251 : i32 to vector<32x3200xi32>
    %shift_right_logical3A_253 = arith.shrui %xor3A_250, %shift_right_logical3A_252 : vector<32x3200xi32>
    %or3A_254 = arith.constant 1065353216 : i32
    %or3A_255 = vector.broadcast %or3A_254 : i32 to vector<32x3200xi32>
    %or3A_256 = arith.ori %shift_right_logical3A_253, %or3A_255 : vector<32x3200xi32>
    %bitcast_convert_type3A = tpu.bitcast %or3A_256 : vector<32x3200xi32> -> vector<32x3200xf32>
    %sub3A_257 = arith.constant 1.000000e+00 : f32
    %sub3A_258 = vector.broadcast %sub3A_257 : f32 to vector<32x3200xf32>
    %sub3A_259 = arith.subf %bitcast_convert_type3A, %sub3A_258 : vector<32x3200xf32>
    %add3A_260 = arith.constant 1 : i32
    %add3A_261 = vector.broadcast %add3A_260 : i32 to vector<32x3200xi32>
    %add3A_262 = arith.addi %add3A_24, %add3A_261 : vector<32x3200xi32>
    %broadcast_in_dim3A_263 = arith.constant 1832780943 : i32
    %broadcast_in_dim3A_264 = vector.broadcast %broadcast_in_dim3A_263 : i32 to vector<32x3200xi32>
    %add3A_265 = arith.constant 270669613 : i32
    %add3A_266 = vector.broadcast %add3A_265 : i32 to vector<32x3200xi32>
    %add3A_267 = arith.addi %add3A_262, %add3A_266 : vector<32x3200xi32>
    %add3A_268 = arith.addi %broadcast_in_dim3A_264, %add3A_267 : vector<32x3200xi32>
    %shift_left3A_269 = arith.constant 13 : i32
    %shift_left3A_270 = vector.broadcast %shift_left3A_269 : i32 to vector<32x3200xi32>
    %shift_left3A_271 = arith.shli %add3A_267, %shift_left3A_270 : vector<32x3200xi32>
    %shift_right_logical3A_272 = arith.constant 19 : i32
    %shift_right_logical3A_273 = vector.broadcast %shift_right_logical3A_272 : i32 to vector<32x3200xi32>
    %shift_right_logical3A_274 = arith.shrui %add3A_267, %shift_right_logical3A_273 : vector<32x3200xi32>
    %or3A_275 = arith.ori %shift_left3A_271, %shift_right_logical3A_274 : vector<32x3200xi32>
    %xor3A_276 = arith.xori %or3A_275, %add3A_268 : vector<32x3200xi32>
    %add3A_277 = arith.addi %add3A_268, %xor3A_276 : vector<32x3200xi32>
    %shift_left3A_278 = arith.constant 15 : i32
    %shift_left3A_279 = vector.broadcast %shift_left3A_278 : i32 to vector<32x3200xi32>
    %shift_left3A_280 = arith.shli %xor3A_276, %shift_left3A_279 : vector<32x3200xi32>
    %shift_right_logical3A_281 = arith.constant 17 : i32
    %shift_right_logical3A_282 = vector.broadcast %shift_right_logical3A_281 : i32 to vector<32x3200xi32>
    %shift_right_logical3A_283 = arith.shrui %xor3A_276, %shift_right_logical3A_282 : vector<32x3200xi32>
    %or3A_284 = arith.ori %shift_left3A_280, %shift_right_logical3A_283 : vector<32x3200xi32>
    %xor3A_285 = arith.xori %or3A_284, %add3A_277 : vector<32x3200xi32>
    %add3A_286 = arith.addi %add3A_277, %xor3A_285 : vector<32x3200xi32>
    %shift_left3A_287 = arith.constant 26 : i32
    %shift_left3A_288 = vector.broadcast %shift_left3A_287 : i32 to vector<32x3200xi32>
    %shift_left3A_289 = arith.shli %xor3A_285, %shift_left3A_288 : vector<32x3200xi32>
    %shift_right_logical3A_290 = arith.constant 6 : i32
    %shift_right_logical3A_291 = vector.broadcast %shift_right_logical3A_290 : i32 to vector<32x3200xi32>
    %shift_right_logical3A_292 = arith.shrui %xor3A_285, %shift_right_logical3A_291 : vector<32x3200xi32>
    %or3A_293 = arith.ori %shift_left3A_289, %shift_right_logical3A_292 : vector<32x3200xi32>
    %xor3A_294 = arith.xori %or3A_293, %add3A_286 : vector<32x3200xi32>
    %add3A_295 = arith.addi %add3A_286, %xor3A_294 : vector<32x3200xi32>
    %shift_left3A_296 = arith.constant 6 : i32
    %shift_left3A_297 = vector.broadcast %shift_left3A_296 : i32 to vector<32x3200xi32>
    %shift_left3A_298 = arith.shli %xor3A_294, %shift_left3A_297 : vector<32x3200xi32>
    %shift_right_logical3A_299 = arith.constant 26 : i32
    %shift_right_logical3A_300 = vector.broadcast %shift_right_logical3A_299 : i32 to vector<32x3200xi32>
    %shift_right_logical3A_301 = arith.shrui %xor3A_294, %shift_right_logical3A_300 : vector<32x3200xi32>
    %or3A_302 = arith.ori %shift_left3A_298, %shift_right_logical3A_301 : vector<32x3200xi32>
    %xor3A_303 = arith.xori %or3A_302, %add3A_295 : vector<32x3200xi32>
    %add3A_304 = arith.constant 270669613 : i32
    %add3A_305 = vector.broadcast %add3A_304 : i32 to vector<32x3200xi32>
    %add3A_306 = arith.addi %add3A_295, %add3A_305 : vector<32x3200xi32>
    %add3A_307 = arith.constant 1724713080 : i32
    %add3A_308 = vector.broadcast %add3A_307 : i32 to vector<32x3200xi32>
    %add3A_309 = arith.addi %xor3A_303, %add3A_308 : vector<32x3200xi32>
    %add3A_310 = arith.constant 1 : i32
    %add3A_311 = vector.broadcast %add3A_310 : i32 to vector<32x3200xi32>
    %add3A_312 = arith.addi %add3A_309, %add3A_311 : vector<32x3200xi32>
    %add3A_313 = arith.addi %add3A_306, %add3A_312 : vector<32x3200xi32>
    %shift_left3A_314 = arith.constant 17 : i32
    %shift_left3A_315 = vector.broadcast %shift_left3A_314 : i32 to vector<32x3200xi32>
    %shift_left3A_316 = arith.shli %add3A_312, %shift_left3A_315 : vector<32x3200xi32>
    %shift_right_logical3A_317 = arith.constant 15 : i32
    %shift_right_logical3A_318 = vector.broadcast %shift_right_logical3A_317 : i32 to vector<32x3200xi32>
    %shift_right_logical3A_319 = arith.shrui %add3A_312, %shift_right_logical3A_318 : vector<32x3200xi32>
    %or3A_320 = arith.ori %shift_left3A_316, %shift_right_logical3A_319 : vector<32x3200xi32>
    %xor3A_321 = arith.xori %or3A_320, %add3A_313 : vector<32x3200xi32>
    %add3A_322 = arith.addi %add3A_313, %xor3A_321 : vector<32x3200xi32>
    %shift_left3A_323 = arith.constant 29 : i32
    %shift_left3A_324 = vector.broadcast %shift_left3A_323 : i32 to vector<32x3200xi32>
    %shift_left3A_325 = arith.shli %xor3A_321, %shift_left3A_324 : vector<32x3200xi32>
    %shift_right_logical3A_326 = arith.constant 3 : i32
    %shift_right_logical3A_327 = vector.broadcast %shift_right_logical3A_326 : i32 to vector<32x3200xi32>
    %shift_right_logical3A_328 = arith.shrui %xor3A_321, %shift_right_logical3A_327 : vector<32x3200xi32>
    %or3A_329 = arith.ori %shift_left3A_325, %shift_right_logical3A_328 : vector<32x3200xi32>
    %xor3A_330 = arith.xori %or3A_329, %add3A_322 : vector<32x3200xi32>
    %add3A_331 = arith.addi %add3A_322, %xor3A_330 : vector<32x3200xi32>
    %shift_left3A_332 = arith.constant 16 : i32
    %shift_left3A_333 = vector.broadcast %shift_left3A_332 : i32 to vector<32x3200xi32>
    %shift_left3A_334 = arith.shli %xor3A_330, %shift_left3A_333 : vector<32x3200xi32>
    %shift_right_logical3A_335 = arith.constant 16 : i32
    %shift_right_logical3A_336 = vector.broadcast %shift_right_logical3A_335 : i32 to vector<32x3200xi32>
    %shift_right_logical3A_337 = arith.shrui %xor3A_330, %shift_right_logical3A_336 : vector<32x3200xi32>
    %or3A_338 = arith.ori %shift_left3A_334, %shift_right_logical3A_337 : vector<32x3200xi32>
    %xor3A_339 = arith.xori %or3A_338, %add3A_331 : vector<32x3200xi32>
    %add3A_340 = arith.addi %add3A_331, %xor3A_339 : vector<32x3200xi32>
    %shift_left3A_341 = arith.constant 24 : i32
    %shift_left3A_342 = vector.broadcast %shift_left3A_341 : i32 to vector<32x3200xi32>
    %shift_left3A_343 = arith.shli %xor3A_339, %shift_left3A_342 : vector<32x3200xi32>
    %shift_right_logical3A_344 = arith.constant 8 : i32
    %shift_right_logical3A_345 = vector.broadcast %shift_right_logical3A_344 : i32 to vector<32x3200xi32>
    %shift_right_logical3A_346 = arith.shrui %xor3A_339, %shift_right_logical3A_345 : vector<32x3200xi32>
    %or3A_347 = arith.ori %shift_left3A_343, %shift_right_logical3A_346 : vector<32x3200xi32>
    %xor3A_348 = arith.xori %or3A_347, %add3A_340 : vector<32x3200xi32>
    %add3A_349 = arith.constant 1724713080 : i32
    %add3A_350 = vector.broadcast %add3A_349 : i32 to vector<32x3200xi32>
    %add3A_351 = arith.addi %add3A_340, %add3A_350 : vector<32x3200xi32>
    %add3A_352 = arith.constant 1832780943 : i32
    %add3A_353 = vector.broadcast %add3A_352 : i32 to vector<32x3200xi32>
    %add3A_354 = arith.addi %xor3A_348, %add3A_353 : vector<32x3200xi32>
    %add3A_355 = arith.constant 2 : i32
    %add3A_356 = vector.broadcast %add3A_355 : i32 to vector<32x3200xi32>
    %add3A_357 = arith.addi %add3A_354, %add3A_356 : vector<32x3200xi32>
    %add3A_358 = arith.addi %add3A_351, %add3A_357 : vector<32x3200xi32>
    %shift_left3A_359 = arith.constant 13 : i32
    %shift_left3A_360 = vector.broadcast %shift_left3A_359 : i32 to vector<32x3200xi32>
    %shift_left3A_361 = arith.shli %add3A_357, %shift_left3A_360 : vector<32x3200xi32>
    %shift_right_logical3A_362 = arith.constant 19 : i32
    %shift_right_logical3A_363 = vector.broadcast %shift_right_logical3A_362 : i32 to vector<32x3200xi32>
    %shift_right_logical3A_364 = arith.shrui %add3A_357, %shift_right_logical3A_363 : vector<32x3200xi32>
    %or3A_365 = arith.ori %shift_left3A_361, %shift_right_logical3A_364 : vector<32x3200xi32>
    %xor3A_366 = arith.xori %or3A_365, %add3A_358 : vector<32x3200xi32>
    %add3A_367 = arith.addi %add3A_358, %xor3A_366 : vector<32x3200xi32>
    %shift_left3A_368 = arith.constant 15 : i32
    %shift_left3A_369 = vector.broadcast %shift_left3A_368 : i32 to vector<32x3200xi32>
    %shift_left3A_370 = arith.shli %xor3A_366, %shift_left3A_369 : vector<32x3200xi32>
    %shift_right_logical3A_371 = arith.constant 17 : i32
    %shift_right_logical3A_372 = vector.broadcast %shift_right_logical3A_371 : i32 to vector<32x3200xi32>
    %shift_right_logical3A_373 = arith.shrui %xor3A_366, %shift_right_logical3A_372 : vector<32x3200xi32>
    %or3A_374 = arith.ori %shift_left3A_370, %shift_right_logical3A_373 : vector<32x3200xi32>
    %xor3A_375 = arith.xori %or3A_374, %add3A_367 : vector<32x3200xi32>
    %add3A_376 = arith.addi %add3A_367, %xor3A_375 : vector<32x3200xi32>
    %shift_left3A_377 = arith.constant 26 : i32
    %shift_left3A_378 = vector.broadcast %shift_left3A_377 : i32 to vector<32x3200xi32>
    %shift_left3A_379 = arith.shli %xor3A_375, %shift_left3A_378 : vector<32x3200xi32>
    %shift_right_logical3A_380 = arith.constant 6 : i32
    %shift_right_logical3A_381 = vector.broadcast %shift_right_logical3A_380 : i32 to vector<32x3200xi32>
    %shift_right_logical3A_382 = arith.shrui %xor3A_375, %shift_right_logical3A_381 : vector<32x3200xi32>
    %or3A_383 = arith.ori %shift_left3A_379, %shift_right_logical3A_382 : vector<32x3200xi32>
    %xor3A_384 = arith.xori %or3A_383, %add3A_376 : vector<32x3200xi32>
    %add3A_385 = arith.addi %add3A_376, %xor3A_384 : vector<32x3200xi32>
    %shift_left3A_386 = arith.constant 6 : i32
    %shift_left3A_387 = vector.broadcast %shift_left3A_386 : i32 to vector<32x3200xi32>
    %shift_left3A_388 = arith.shli %xor3A_384, %shift_left3A_387 : vector<32x3200xi32>
    %shift_right_logical3A_389 = arith.constant 26 : i32
    %shift_right_logical3A_390 = vector.broadcast %shift_right_logical3A_389 : i32 to vector<32x3200xi32>
    %shift_right_logical3A_391 = arith.shrui %xor3A_384, %shift_right_logical3A_390 : vector<32x3200xi32>
    %or3A_392 = arith.ori %shift_left3A_388, %shift_right_logical3A_391 : vector<32x3200xi32>
    %xor3A_393 = arith.xori %or3A_392, %add3A_385 : vector<32x3200xi32>
    %add3A_394 = arith.constant 1832780943 : i32
    %add3A_395 = vector.broadcast %add3A_394 : i32 to vector<32x3200xi32>
    %add3A_396 = arith.addi %add3A_385, %add3A_395 : vector<32x3200xi32>
    %add3A_397 = arith.constant 270669613 : i32
    %add3A_398 = vector.broadcast %add3A_397 : i32 to vector<32x3200xi32>
    %add3A_399 = arith.addi %xor3A_393, %add3A_398 : vector<32x3200xi32>
    %add3A_400 = arith.constant 3 : i32
    %add3A_401 = vector.broadcast %add3A_400 : i32 to vector<32x3200xi32>
    %add3A_402 = arith.addi %add3A_399, %add3A_401 : vector<32x3200xi32>
    %add3A_403 = arith.addi %add3A_396, %add3A_402 : vector<32x3200xi32>
    %shift_left3A_404 = arith.constant 17 : i32
    %shift_left3A_405 = vector.broadcast %shift_left3A_404 : i32 to vector<32x3200xi32>
    %shift_left3A_406 = arith.shli %add3A_402, %shift_left3A_405 : vector<32x3200xi32>
    %shift_right_logical3A_407 = arith.constant 15 : i32
    %shift_right_logical3A_408 = vector.broadcast %shift_right_logical3A_407 : i32 to vector<32x3200xi32>
    %shift_right_logical3A_409 = arith.shrui %add3A_402, %shift_right_logical3A_408 : vector<32x3200xi32>
    %or3A_410 = arith.ori %shift_left3A_406, %shift_right_logical3A_409 : vector<32x3200xi32>
    %xor3A_411 = arith.xori %or3A_410, %add3A_403 : vector<32x3200xi32>
    %add3A_412 = arith.addi %add3A_403, %xor3A_411 : vector<32x3200xi32>
    %shift_left3A_413 = arith.constant 29 : i32
    %shift_left3A_414 = vector.broadcast %shift_left3A_413 : i32 to vector<32x3200xi32>
    %shift_left3A_415 = arith.shli %xor3A_411, %shift_left3A_414 : vector<32x3200xi32>
    %shift_right_logical3A_416 = arith.constant 3 : i32
    %shift_right_logical3A_417 = vector.broadcast %shift_right_logical3A_416 : i32 to vector<32x3200xi32>
    %shift_right_logical3A_418 = arith.shrui %xor3A_411, %shift_right_logical3A_417 : vector<32x3200xi32>
    %or3A_419 = arith.ori %shift_left3A_415, %shift_right_logical3A_418 : vector<32x3200xi32>
    %xor3A_420 = arith.xori %or3A_419, %add3A_412 : vector<32x3200xi32>
    %add3A_421 = arith.addi %add3A_412, %xor3A_420 : vector<32x3200xi32>
    %shift_left3A_422 = arith.constant 16 : i32
    %shift_left3A_423 = vector.broadcast %shift_left3A_422 : i32 to vector<32x3200xi32>
    %shift_left3A_424 = arith.shli %xor3A_420, %shift_left3A_423 : vector<32x3200xi32>
    %shift_right_logical3A_425 = arith.constant 16 : i32
    %shift_right_logical3A_426 = vector.broadcast %shift_right_logical3A_425 : i32 to vector<32x3200xi32>
    %shift_right_logical3A_427 = arith.shrui %xor3A_420, %shift_right_logical3A_426 : vector<32x3200xi32>
    %or3A_428 = arith.ori %shift_left3A_424, %shift_right_logical3A_427 : vector<32x3200xi32>
    %xor3A_429 = arith.xori %or3A_428, %add3A_421 : vector<32x3200xi32>
    %add3A_430 = arith.addi %add3A_421, %xor3A_429 : vector<32x3200xi32>
    %shift_left3A_431 = arith.constant 24 : i32
    %shift_left3A_432 = vector.broadcast %shift_left3A_431 : i32 to vector<32x3200xi32>
    %shift_left3A_433 = arith.shli %xor3A_429, %shift_left3A_432 : vector<32x3200xi32>
    %shift_right_logical3A_434 = arith.constant 8 : i32
    %shift_right_logical3A_435 = vector.broadcast %shift_right_logical3A_434 : i32 to vector<32x3200xi32>
    %shift_right_logical3A_436 = arith.shrui %xor3A_429, %shift_right_logical3A_435 : vector<32x3200xi32>
    %or3A_437 = arith.ori %shift_left3A_433, %shift_right_logical3A_436 : vector<32x3200xi32>
    %xor3A_438 = arith.xori %or3A_437, %add3A_430 : vector<32x3200xi32>
    %add3A_439 = arith.constant 270669613 : i32
    %add3A_440 = vector.broadcast %add3A_439 : i32 to vector<32x3200xi32>
    %add3A_441 = arith.addi %add3A_430, %add3A_440 : vector<32x3200xi32>
    %add3A_442 = arith.constant 1724713080 : i32
    %add3A_443 = vector.broadcast %add3A_442 : i32 to vector<32x3200xi32>
    %add3A_444 = arith.addi %xor3A_438, %add3A_443 : vector<32x3200xi32>
    %add3A_445 = arith.constant 4 : i32
    %add3A_446 = vector.broadcast %add3A_445 : i32 to vector<32x3200xi32>
    %add3A_447 = arith.addi %add3A_444, %add3A_446 : vector<32x3200xi32>
    %add3A_448 = arith.addi %add3A_441, %add3A_447 : vector<32x3200xi32>
    %shift_left3A_449 = arith.constant 13 : i32
    %shift_left3A_450 = vector.broadcast %shift_left3A_449 : i32 to vector<32x3200xi32>
    %shift_left3A_451 = arith.shli %add3A_447, %shift_left3A_450 : vector<32x3200xi32>
    %shift_right_logical3A_452 = arith.constant 19 : i32
    %shift_right_logical3A_453 = vector.broadcast %shift_right_logical3A_452 : i32 to vector<32x3200xi32>
    %shift_right_logical3A_454 = arith.shrui %add3A_447, %shift_right_logical3A_453 : vector<32x3200xi32>
    %or3A_455 = arith.ori %shift_left3A_451, %shift_right_logical3A_454 : vector<32x3200xi32>
    %xor3A_456 = arith.xori %or3A_455, %add3A_448 : vector<32x3200xi32>
    %add3A_457 = arith.addi %add3A_448, %xor3A_456 : vector<32x3200xi32>
    %shift_left3A_458 = arith.constant 15 : i32
    %shift_left3A_459 = vector.broadcast %shift_left3A_458 : i32 to vector<32x3200xi32>
    %shift_left3A_460 = arith.shli %xor3A_456, %shift_left3A_459 : vector<32x3200xi32>
    %shift_right_logical3A_461 = arith.constant 17 : i32
    %shift_right_logical3A_462 = vector.broadcast %shift_right_logical3A_461 : i32 to vector<32x3200xi32>
    %shift_right_logical3A_463 = arith.shrui %xor3A_456, %shift_right_logical3A_462 : vector<32x3200xi32>
    %or3A_464 = arith.ori %shift_left3A_460, %shift_right_logical3A_463 : vector<32x3200xi32>
    %xor3A_465 = arith.xori %or3A_464, %add3A_457 : vector<32x3200xi32>
    %add3A_466 = arith.addi %add3A_457, %xor3A_465 : vector<32x3200xi32>
    %shift_left3A_467 = arith.constant 26 : i32
    %shift_left3A_468 = vector.broadcast %shift_left3A_467 : i32 to vector<32x3200xi32>
    %shift_left3A_469 = arith.shli %xor3A_465, %shift_left3A_468 : vector<32x3200xi32>
    %shift_right_logical3A_470 = arith.constant 6 : i32
    %shift_right_logical3A_471 = vector.broadcast %shift_right_logical3A_470 : i32 to vector<32x3200xi32>
    %shift_right_logical3A_472 = arith.shrui %xor3A_465, %shift_right_logical3A_471 : vector<32x3200xi32>
    %or3A_473 = arith.ori %shift_left3A_469, %shift_right_logical3A_472 : vector<32x3200xi32>
    %xor3A_474 = arith.xori %or3A_473, %add3A_466 : vector<32x3200xi32>
    %add3A_475 = arith.addi %add3A_466, %xor3A_474 : vector<32x3200xi32>
    %shift_left3A_476 = arith.constant 6 : i32
    %shift_left3A_477 = vector.broadcast %shift_left3A_476 : i32 to vector<32x3200xi32>
    %shift_left3A_478 = arith.shli %xor3A_474, %shift_left3A_477 : vector<32x3200xi32>
    %shift_right_logical3A_479 = arith.constant 26 : i32
    %shift_right_logical3A_480 = vector.broadcast %shift_right_logical3A_479 : i32 to vector<32x3200xi32>
    %shift_right_logical3A_481 = arith.shrui %xor3A_474, %shift_right_logical3A_480 : vector<32x3200xi32>
    %or3A_482 = arith.ori %shift_left3A_478, %shift_right_logical3A_481 : vector<32x3200xi32>
    %xor3A_483 = arith.xori %or3A_482, %add3A_475 : vector<32x3200xi32>
    %add3A_484 = arith.constant 1724713080 : i32
    %add3A_485 = vector.broadcast %add3A_484 : i32 to vector<32x3200xi32>
    %add3A_486 = arith.addi %add3A_475, %add3A_485 : vector<32x3200xi32>
    %add3A_487 = arith.constant 1832780943 : i32
    %add3A_488 = vector.broadcast %add3A_487 : i32 to vector<32x3200xi32>
    %add3A_489 = arith.addi %xor3A_483, %add3A_488 : vector<32x3200xi32>
    %add3A_490 = arith.constant 5 : i32
    %add3A_491 = vector.broadcast %add3A_490 : i32 to vector<32x3200xi32>
    %add3A_492 = arith.addi %add3A_489, %add3A_491 : vector<32x3200xi32>
    %xor3A_493 = arith.xori %add3A_486, %add3A_492 : vector<32x3200xi32>
    %shift_right_logical3A_494 = arith.constant 9 : i32
    %shift_right_logical3A_495 = vector.broadcast %shift_right_logical3A_494 : i32 to vector<32x3200xi32>
    %shift_right_logical3A_496 = arith.shrui %xor3A_493, %shift_right_logical3A_495 : vector<32x3200xi32>
    %or3A_497 = arith.constant 1065353216 : i32
    %or3A_498 = vector.broadcast %or3A_497 : i32 to vector<32x3200xi32>
    %or3A_499 = arith.ori %shift_right_logical3A_496, %or3A_498 : vector<32x3200xi32>
    %bitcast_convert_type3A_500 = tpu.bitcast %or3A_499 : vector<32x3200xi32> -> vector<32x3200xf32>
    %sub3A_501 = arith.constant 1.000000e+00 : f32
    %sub3A_502 = vector.broadcast %sub3A_501 : f32 to vector<32x3200xf32>
    %sub3A_503 = arith.subf %bitcast_convert_type3A_500, %sub3A_502 : vector<32x3200xf32>
    %mul3A_504 = arith.mulf %sub3A_259, %sub3A_259 : vector<32x3200xf32>
    %mul3A_505 = arith.mulf %mul3A_504, %mul3A_504 : vector<32x3200xf32>
    %mul3A_506 = arith.mulf %mul3A_505, %mul3A_505 : vector<32x3200xf32>
    %mul3A_507 = arith.mulf %mul3A_506, %sub3A_259 : vector<32x3200xf32>
    %le3A = arith.cmpf ole, %sub3A_503, %mul3A_507 : vector<32x3200xf32>
    %mul3A_508 = arith.constant 200 : i32
    %mul3A_509 = vector.broadcast %mul3A_508 : i32 to vector<32x3200xi32>
    %mul3A_510 = arith.muli %add3A_14, %mul3A_509 : vector<32x3200xi32>
    %add3A_511 = arith.addi %mul3A_510, %sub3A : vector<32x3200xi32>
    %broadcast_in_dim3A_512 = arith.constant -1944951124 : i32
    %broadcast_in_dim3A_513 = vector.broadcast %broadcast_in_dim3A_512 : i32 to vector<32x3200xi32>
    %add3A_514 = arith.constant 1168365246 : i32
    %add3A_515 = vector.broadcast %add3A_514 : i32 to vector<32x3200xi32>
    %add3A_516 = arith.addi %add3A_511, %add3A_515 : vector<32x3200xi32>
    %add3A_517 = arith.addi %broadcast_in_dim3A_513, %add3A_516 : vector<32x3200xi32>
    %shift_left3A_518 = arith.constant 13 : i32
    %shift_left3A_519 = vector.broadcast %shift_left3A_518 : i32 to vector<32x3200xi32>
    %shift_left3A_520 = arith.shli %add3A_516, %shift_left3A_519 : vector<32x3200xi32>
    %shift_right_logical3A_521 = arith.constant 19 : i32
    %shift_right_logical3A_522 = vector.broadcast %shift_right_logical3A_521 : i32 to vector<32x3200xi32>
    %shift_right_logical3A_523 = arith.shrui %add3A_516, %shift_right_logical3A_522 : vector<32x3200xi32>
    %or3A_524 = arith.ori %shift_left3A_520, %shift_right_logical3A_523 : vector<32x3200xi32>
    %xor3A_525 = arith.xori %or3A_524, %add3A_517 : vector<32x3200xi32>
    %add3A_526 = arith.addi %add3A_517, %xor3A_525 : vector<32x3200xi32>
    %shift_left3A_527 = arith.constant 15 : i32
    %shift_left3A_528 = vector.broadcast %shift_left3A_527 : i32 to vector<32x3200xi32>
    %shift_left3A_529 = arith.shli %xor3A_525, %shift_left3A_528 : vector<32x3200xi32>
    %shift_right_logical3A_530 = arith.constant 17 : i32
    %shift_right_logical3A_531 = vector.broadcast %shift_right_logical3A_530 : i32 to vector<32x3200xi32>
    %shift_right_logical3A_532 = arith.shrui %xor3A_525, %shift_right_logical3A_531 : vector<32x3200xi32>
    %or3A_533 = arith.ori %shift_left3A_529, %shift_right_logical3A_532 : vector<32x3200xi32>
    %xor3A_534 = arith.xori %or3A_533, %add3A_526 : vector<32x3200xi32>
    %add3A_535 = arith.addi %add3A_526, %xor3A_534 : vector<32x3200xi32>
    %shift_left3A_536 = arith.constant 26 : i32
    %shift_left3A_537 = vector.broadcast %shift_left3A_536 : i32 to vector<32x3200xi32>
    %shift_left3A_538 = arith.shli %xor3A_534, %shift_left3A_537 : vector<32x3200xi32>
    %shift_right_logical3A_539 = arith.constant 6 : i32
    %shift_right_logical3A_540 = vector.broadcast %shift_right_logical3A_539 : i32 to vector<32x3200xi32>
    %shift_right_logical3A_541 = arith.shrui %xor3A_534, %shift_right_logical3A_540 : vector<32x3200xi32>
    %or3A_542 = arith.ori %shift_left3A_538, %shift_right_logical3A_541 : vector<32x3200xi32>
    %xor3A_543 = arith.xori %or3A_542, %add3A_535 : vector<32x3200xi32>
    %add3A_544 = arith.addi %add3A_535, %xor3A_543 : vector<32x3200xi32>
    %shift_left3A_545 = arith.constant 6 : i32
    %shift_left3A_546 = vector.broadcast %shift_left3A_545 : i32 to vector<32x3200xi32>
    %shift_left3A_547 = arith.shli %xor3A_543, %shift_left3A_546 : vector<32x3200xi32>
    %shift_right_logical3A_548 = arith.constant 26 : i32
    %shift_right_logical3A_549 = vector.broadcast %shift_right_logical3A_548 : i32 to vector<32x3200xi32>
    %shift_right_logical3A_550 = arith.shrui %xor3A_543, %shift_right_logical3A_549 : vector<32x3200xi32>
    %or3A_551 = arith.ori %shift_left3A_547, %shift_right_logical3A_550 : vector<32x3200xi32>
    %xor3A_552 = arith.xori %or3A_551, %add3A_544 : vector<32x3200xi32>
    %add3A_553 = arith.constant 1168365246 : i32
    %add3A_554 = vector.broadcast %add3A_553 : i32 to vector<32x3200xi32>
    %add3A_555 = arith.addi %add3A_544, %add3A_554 : vector<32x3200xi32>
    %add3A_556 = arith.constant -765416504 : i32
    %add3A_557 = vector.broadcast %add3A_556 : i32 to vector<32x3200xi32>
    %add3A_558 = arith.addi %xor3A_552, %add3A_557 : vector<32x3200xi32>
    %add3A_559 = arith.constant 1 : i32
    %add3A_560 = vector.broadcast %add3A_559 : i32 to vector<32x3200xi32>
    %add3A_561 = arith.addi %add3A_558, %add3A_560 : vector<32x3200xi32>
    %add3A_562 = arith.addi %add3A_555, %add3A_561 : vector<32x3200xi32>
    %shift_left3A_563 = arith.constant 17 : i32
    %shift_left3A_564 = vector.broadcast %shift_left3A_563 : i32 to vector<32x3200xi32>
    %shift_left3A_565 = arith.shli %add3A_561, %shift_left3A_564 : vector<32x3200xi32>
    %shift_right_logical3A_566 = arith.constant 15 : i32
    %shift_right_logical3A_567 = vector.broadcast %shift_right_logical3A_566 : i32 to vector<32x3200xi32>
    %shift_right_logical3A_568 = arith.shrui %add3A_561, %shift_right_logical3A_567 : vector<32x3200xi32>
    %or3A_569 = arith.ori %shift_left3A_565, %shift_right_logical3A_568 : vector<32x3200xi32>
    %xor3A_570 = arith.xori %or3A_569, %add3A_562 : vector<32x3200xi32>
    %add3A_571 = arith.addi %add3A_562, %xor3A_570 : vector<32x3200xi32>
    %shift_left3A_572 = arith.constant 29 : i32
    %shift_left3A_573 = vector.broadcast %shift_left3A_572 : i32 to vector<32x3200xi32>
    %shift_left3A_574 = arith.shli %xor3A_570, %shift_left3A_573 : vector<32x3200xi32>
    %shift_right_logical3A_575 = arith.constant 3 : i32
    %shift_right_logical3A_576 = vector.broadcast %shift_right_logical3A_575 : i32 to vector<32x3200xi32>
    %shift_right_logical3A_577 = arith.shrui %xor3A_570, %shift_right_logical3A_576 : vector<32x3200xi32>
    %or3A_578 = arith.ori %shift_left3A_574, %shift_right_logical3A_577 : vector<32x3200xi32>
    %xor3A_579 = arith.xori %or3A_578, %add3A_571 : vector<32x3200xi32>
    %add3A_580 = arith.addi %add3A_571, %xor3A_579 : vector<32x3200xi32>
    %shift_left3A_581 = arith.constant 16 : i32
    %shift_left3A_582 = vector.broadcast %shift_left3A_581 : i32 to vector<32x3200xi32>
    %shift_left3A_583 = arith.shli %xor3A_579, %shift_left3A_582 : vector<32x3200xi32>
    %shift_right_logical3A_584 = arith.constant 16 : i32
    %shift_right_logical3A_585 = vector.broadcast %shift_right_logical3A_584 : i32 to vector<32x3200xi32>
    %shift_right_logical3A_586 = arith.shrui %xor3A_579, %shift_right_logical3A_585 : vector<32x3200xi32>
    %or3A_587 = arith.ori %shift_left3A_583, %shift_right_logical3A_586 : vector<32x3200xi32>
    %xor3A_588 = arith.xori %or3A_587, %add3A_580 : vector<32x3200xi32>
    %add3A_589 = arith.addi %add3A_580, %xor3A_588 : vector<32x3200xi32>
    %shift_left3A_590 = arith.constant 24 : i32
    %shift_left3A_591 = vector.broadcast %shift_left3A_590 : i32 to vector<32x3200xi32>
    %shift_left3A_592 = arith.shli %xor3A_588, %shift_left3A_591 : vector<32x3200xi32>
    %shift_right_logical3A_593 = arith.constant 8 : i32
    %shift_right_logical3A_594 = vector.broadcast %shift_right_logical3A_593 : i32 to vector<32x3200xi32>
    %shift_right_logical3A_595 = arith.shrui %xor3A_588, %shift_right_logical3A_594 : vector<32x3200xi32>
    %or3A_596 = arith.ori %shift_left3A_592, %shift_right_logical3A_595 : vector<32x3200xi32>
    %xor3A_597 = arith.xori %or3A_596, %add3A_589 : vector<32x3200xi32>
    %add3A_598 = arith.constant -765416504 : i32
    %add3A_599 = vector.broadcast %add3A_598 : i32 to vector<32x3200xi32>
    %add3A_600 = arith.addi %add3A_589, %add3A_599 : vector<32x3200xi32>
    %add3A_601 = arith.constant -1944951124 : i32
    %add3A_602 = vector.broadcast %add3A_601 : i32 to vector<32x3200xi32>
    %add3A_603 = arith.addi %xor3A_597, %add3A_602 : vector<32x3200xi32>
    %add3A_604 = arith.constant 2 : i32
    %add3A_605 = vector.broadcast %add3A_604 : i32 to vector<32x3200xi32>
    %add3A_606 = arith.addi %add3A_603, %add3A_605 : vector<32x3200xi32>
    %add3A_607 = arith.addi %add3A_600, %add3A_606 : vector<32x3200xi32>
    %shift_left3A_608 = arith.constant 13 : i32
    %shift_left3A_609 = vector.broadcast %shift_left3A_608 : i32 to vector<32x3200xi32>
    %shift_left3A_610 = arith.shli %add3A_606, %shift_left3A_609 : vector<32x3200xi32>
    %shift_right_logical3A_611 = arith.constant 19 : i32
    %shift_right_logical3A_612 = vector.broadcast %shift_right_logical3A_611 : i32 to vector<32x3200xi32>
    %shift_right_logical3A_613 = arith.shrui %add3A_606, %shift_right_logical3A_612 : vector<32x3200xi32>
    %or3A_614 = arith.ori %shift_left3A_610, %shift_right_logical3A_613 : vector<32x3200xi32>
    %xor3A_615 = arith.xori %or3A_614, %add3A_607 : vector<32x3200xi32>
    %add3A_616 = arith.addi %add3A_607, %xor3A_615 : vector<32x3200xi32>
    %shift_left3A_617 = arith.constant 15 : i32
    %shift_left3A_618 = vector.broadcast %shift_left3A_617 : i32 to vector<32x3200xi32>
    %shift_left3A_619 = arith.shli %xor3A_615, %shift_left3A_618 : vector<32x3200xi32>
    %shift_right_logical3A_620 = arith.constant 17 : i32
    %shift_right_logical3A_621 = vector.broadcast %shift_right_logical3A_620 : i32 to vector<32x3200xi32>
    %shift_right_logical3A_622 = arith.shrui %xor3A_615, %shift_right_logical3A_621 : vector<32x3200xi32>
    %or3A_623 = arith.ori %shift_left3A_619, %shift_right_logical3A_622 : vector<32x3200xi32>
    %xor3A_624 = arith.xori %or3A_623, %add3A_616 : vector<32x3200xi32>
    %add3A_625 = arith.addi %add3A_616, %xor3A_624 : vector<32x3200xi32>
    %shift_left3A_626 = arith.constant 26 : i32
    %shift_left3A_627 = vector.broadcast %shift_left3A_626 : i32 to vector<32x3200xi32>
    %shift_left3A_628 = arith.shli %xor3A_624, %shift_left3A_627 : vector<32x3200xi32>
    %shift_right_logical3A_629 = arith.constant 6 : i32
    %shift_right_logical3A_630 = vector.broadcast %shift_right_logical3A_629 : i32 to vector<32x3200xi32>
    %shift_right_logical3A_631 = arith.shrui %xor3A_624, %shift_right_logical3A_630 : vector<32x3200xi32>
    %or3A_632 = arith.ori %shift_left3A_628, %shift_right_logical3A_631 : vector<32x3200xi32>
    %xor3A_633 = arith.xori %or3A_632, %add3A_625 : vector<32x3200xi32>
    %add3A_634 = arith.addi %add3A_625, %xor3A_633 : vector<32x3200xi32>
    %shift_left3A_635 = arith.constant 6 : i32
    %shift_left3A_636 = vector.broadcast %shift_left3A_635 : i32 to vector<32x3200xi32>
    %shift_left3A_637 = arith.shli %xor3A_633, %shift_left3A_636 : vector<32x3200xi32>
    %shift_right_logical3A_638 = arith.constant 26 : i32
    %shift_right_logical3A_639 = vector.broadcast %shift_right_logical3A_638 : i32 to vector<32x3200xi32>
    %shift_right_logical3A_640 = arith.shrui %xor3A_633, %shift_right_logical3A_639 : vector<32x3200xi32>
    %or3A_641 = arith.ori %shift_left3A_637, %shift_right_logical3A_640 : vector<32x3200xi32>
    %xor3A_642 = arith.xori %or3A_641, %add3A_634 : vector<32x3200xi32>
    %add3A_643 = arith.constant -1944951124 : i32
    %add3A_644 = vector.broadcast %add3A_643 : i32 to vector<32x3200xi32>
    %add3A_645 = arith.addi %add3A_634, %add3A_644 : vector<32x3200xi32>
    %add3A_646 = arith.constant 1168365246 : i32
    %add3A_647 = vector.broadcast %add3A_646 : i32 to vector<32x3200xi32>
    %add3A_648 = arith.addi %xor3A_642, %add3A_647 : vector<32x3200xi32>
    %add3A_649 = arith.constant 3 : i32
    %add3A_650 = vector.broadcast %add3A_649 : i32 to vector<32x3200xi32>
    %add3A_651 = arith.addi %add3A_648, %add3A_650 : vector<32x3200xi32>
    %add3A_652 = arith.addi %add3A_645, %add3A_651 : vector<32x3200xi32>
    %shift_left3A_653 = arith.constant 17 : i32
    %shift_left3A_654 = vector.broadcast %shift_left3A_653 : i32 to vector<32x3200xi32>
    %shift_left3A_655 = arith.shli %add3A_651, %shift_left3A_654 : vector<32x3200xi32>
    %shift_right_logical3A_656 = arith.constant 15 : i32
    %shift_right_logical3A_657 = vector.broadcast %shift_right_logical3A_656 : i32 to vector<32x3200xi32>
    %shift_right_logical3A_658 = arith.shrui %add3A_651, %shift_right_logical3A_657 : vector<32x3200xi32>
    %or3A_659 = arith.ori %shift_left3A_655, %shift_right_logical3A_658 : vector<32x3200xi32>
    %xor3A_660 = arith.xori %or3A_659, %add3A_652 : vector<32x3200xi32>
    %add3A_661 = arith.addi %add3A_652, %xor3A_660 : vector<32x3200xi32>
    %shift_left3A_662 = arith.constant 29 : i32
    %shift_left3A_663 = vector.broadcast %shift_left3A_662 : i32 to vector<32x3200xi32>
    %shift_left3A_664 = arith.shli %xor3A_660, %shift_left3A_663 : vector<32x3200xi32>
    %shift_right_logical3A_665 = arith.constant 3 : i32
    %shift_right_logical3A_666 = vector.broadcast %shift_right_logical3A_665 : i32 to vector<32x3200xi32>
    %shift_right_logical3A_667 = arith.shrui %xor3A_660, %shift_right_logical3A_666 : vector<32x3200xi32>
    %or3A_668 = arith.ori %shift_left3A_664, %shift_right_logical3A_667 : vector<32x3200xi32>
    %xor3A_669 = arith.xori %or3A_668, %add3A_661 : vector<32x3200xi32>
    %add3A_670 = arith.addi %add3A_661, %xor3A_669 : vector<32x3200xi32>
    %shift_left3A_671 = arith.constant 16 : i32
    %shift_left3A_672 = vector.broadcast %shift_left3A_671 : i32 to vector<32x3200xi32>
    %shift_left3A_673 = arith.shli %xor3A_669, %shift_left3A_672 : vector<32x3200xi32>
    %shift_right_logical3A_674 = arith.constant 16 : i32
    %shift_right_logical3A_675 = vector.broadcast %shift_right_logical3A_674 : i32 to vector<32x3200xi32>
    %shift_right_logical3A_676 = arith.shrui %xor3A_669, %shift_right_logical3A_675 : vector<32x3200xi32>
    %or3A_677 = arith.ori %shift_left3A_673, %shift_right_logical3A_676 : vector<32x3200xi32>
    %xor3A_678 = arith.xori %or3A_677, %add3A_670 : vector<32x3200xi32>
    %add3A_679 = arith.addi %add3A_670, %xor3A_678 : vector<32x3200xi32>
    %shift_left3A_680 = arith.constant 24 : i32
    %shift_left3A_681 = vector.broadcast %shift_left3A_680 : i32 to vector<32x3200xi32>
    %shift_left3A_682 = arith.shli %xor3A_678, %shift_left3A_681 : vector<32x3200xi32>
    %shift_right_logical3A_683 = arith.constant 8 : i32
    %shift_right_logical3A_684 = vector.broadcast %shift_right_logical3A_683 : i32 to vector<32x3200xi32>
    %shift_right_logical3A_685 = arith.shrui %xor3A_678, %shift_right_logical3A_684 : vector<32x3200xi32>
    %or3A_686 = arith.ori %shift_left3A_682, %shift_right_logical3A_685 : vector<32x3200xi32>
    %xor3A_687 = arith.xori %or3A_686, %add3A_679 : vector<32x3200xi32>
    %add3A_688 = arith.constant 1168365246 : i32
    %add3A_689 = vector.broadcast %add3A_688 : i32 to vector<32x3200xi32>
    %add3A_690 = arith.addi %add3A_679, %add3A_689 : vector<32x3200xi32>
    %add3A_691 = arith.constant -765416504 : i32
    %add3A_692 = vector.broadcast %add3A_691 : i32 to vector<32x3200xi32>
    %add3A_693 = arith.addi %xor3A_687, %add3A_692 : vector<32x3200xi32>
    %add3A_694 = arith.constant 4 : i32
    %add3A_695 = vector.broadcast %add3A_694 : i32 to vector<32x3200xi32>
    %add3A_696 = arith.addi %add3A_693, %add3A_695 : vector<32x3200xi32>
    %add3A_697 = arith.addi %add3A_690, %add3A_696 : vector<32x3200xi32>
    %shift_left3A_698 = arith.constant 13 : i32
    %shift_left3A_699 = vector.broadcast %shift_left3A_698 : i32 to vector<32x3200xi32>
    %shift_left3A_700 = arith.shli %add3A_696, %shift_left3A_699 : vector<32x3200xi32>
    %shift_right_logical3A_701 = arith.constant 19 : i32
    %shift_right_logical3A_702 = vector.broadcast %shift_right_logical3A_701 : i32 to vector<32x3200xi32>
    %shift_right_logical3A_703 = arith.shrui %add3A_696, %shift_right_logical3A_702 : vector<32x3200xi32>
    %or3A_704 = arith.ori %shift_left3A_700, %shift_right_logical3A_703 : vector<32x3200xi32>
    %xor3A_705 = arith.xori %or3A_704, %add3A_697 : vector<32x3200xi32>
    %add3A_706 = arith.addi %add3A_697, %xor3A_705 : vector<32x3200xi32>
    %shift_left3A_707 = arith.constant 15 : i32
    %shift_left3A_708 = vector.broadcast %shift_left3A_707 : i32 to vector<32x3200xi32>
    %shift_left3A_709 = arith.shli %xor3A_705, %shift_left3A_708 : vector<32x3200xi32>
    %shift_right_logical3A_710 = arith.constant 17 : i32
    %shift_right_logical3A_711 = vector.broadcast %shift_right_logical3A_710 : i32 to vector<32x3200xi32>
    %shift_right_logical3A_712 = arith.shrui %xor3A_705, %shift_right_logical3A_711 : vector<32x3200xi32>
    %or3A_713 = arith.ori %shift_left3A_709, %shift_right_logical3A_712 : vector<32x3200xi32>
    %xor3A_714 = arith.xori %or3A_713, %add3A_706 : vector<32x3200xi32>
    %add3A_715 = arith.addi %add3A_706, %xor3A_714 : vector<32x3200xi32>
    %shift_left3A_716 = arith.constant 26 : i32
    %shift_left3A_717 = vector.broadcast %shift_left3A_716 : i32 to vector<32x3200xi32>
    %shift_left3A_718 = arith.shli %xor3A_714, %shift_left3A_717 : vector<32x3200xi32>
    %shift_right_logical3A_719 = arith.constant 6 : i32
    %shift_right_logical3A_720 = vector.broadcast %shift_right_logical3A_719 : i32 to vector<32x3200xi32>
    %shift_right_logical3A_721 = arith.shrui %xor3A_714, %shift_right_logical3A_720 : vector<32x3200xi32>
    %or3A_722 = arith.ori %shift_left3A_718, %shift_right_logical3A_721 : vector<32x3200xi32>
    %xor3A_723 = arith.xori %or3A_722, %add3A_715 : vector<32x3200xi32>
    %add3A_724 = arith.addi %add3A_715, %xor3A_723 : vector<32x3200xi32>
    %shift_left3A_725 = arith.constant 6 : i32
    %shift_left3A_726 = vector.broadcast %shift_left3A_725 : i32 to vector<32x3200xi32>
    %shift_left3A_727 = arith.shli %xor3A_723, %shift_left3A_726 : vector<32x3200xi32>
    %shift_right_logical3A_728 = arith.constant 26 : i32
    %shift_right_logical3A_729 = vector.broadcast %shift_right_logical3A_728 : i32 to vector<32x3200xi32>
    %shift_right_logical3A_730 = arith.shrui %xor3A_723, %shift_right_logical3A_729 : vector<32x3200xi32>
    %or3A_731 = arith.ori %shift_left3A_727, %shift_right_logical3A_730 : vector<32x3200xi32>
    %xor3A_732 = arith.xori %or3A_731, %add3A_724 : vector<32x3200xi32>
    %add3A_733 = arith.constant -765416504 : i32
    %add3A_734 = vector.broadcast %add3A_733 : i32 to vector<32x3200xi32>
    %add3A_735 = arith.addi %add3A_724, %add3A_734 : vector<32x3200xi32>
    %add3A_736 = arith.constant -1944951124 : i32
    %add3A_737 = vector.broadcast %add3A_736 : i32 to vector<32x3200xi32>
    %add3A_738 = arith.addi %xor3A_732, %add3A_737 : vector<32x3200xi32>
    %add3A_739 = arith.constant 5 : i32
    %add3A_740 = vector.broadcast %add3A_739 : i32 to vector<32x3200xi32>
    %add3A_741 = arith.addi %add3A_738, %add3A_740 : vector<32x3200xi32>
    %xor3A_742 = arith.xori %add3A_735, %add3A_741 : vector<32x3200xi32>
    %bitcast_convert_type3A_743 = tpu.bitcast %xor3A_742 : vector<32x3200xi32> -> vector<32x3200xi32>
    %convert_element_type3A_744 = arith.uitofp %xor3A_742 : vector<32x3200xi32> to vector<32x3200xf32>
    %mul3A_745 = arith.constant 9.99999974E-6 : f32
    %mul3A_746 = vector.broadcast %mul3A_745 : f32 to vector<32x3200xf32>
    %mul3A_747 = arith.mulf %convert_element_type3A_744, %mul3A_746 : vector<32x3200xf32>
    %convert_element_type3A_748 = arith.fptosi %mul3A_747 : vector<32x3200xf32> to vector<32x3200xi32>
    %mul3A_749 = arith.constant 100000 : i32
    %mul3A_750 = vector.broadcast %mul3A_749 : i32 to vector<32x3200xi32>
    %mul3A_751 = arith.muli %convert_element_type3A_748, %mul3A_750 : vector<32x3200xi32>
    %sub3A_752 = arith.subi %bitcast_convert_type3A_743, %mul3A_751 : vector<32x3200xi32>
    %lt3A = arith.constant 0 : i32
    %lt3A_753 = vector.broadcast %lt3A : i32 to vector<32x3200xi32>
    %lt3A_754 = arith.cmpi slt, %sub3A_752, %lt3A_753 : vector<32x3200xi32>
    %add3A_755 = arith.constant 100000 : i32
    %add3A_756 = vector.broadcast %add3A_755 : i32 to vector<32x3200xi32>
    %add3A_757 = arith.addi %sub3A_752, %add3A_756 : vector<32x3200xi32>
    %select_n3A = arith.select %lt3A_754, %add3A_757, %sub3A_752 : vector<32x3200xi1>, vector<32x3200xi32>
    %ge3A = arith.constant 100000 : i32
    %ge3A_758 = vector.broadcast %ge3A : i32 to vector<32x3200xi32>
    %ge3A_759 = arith.cmpi sge, %select_n3A, %ge3A_758 : vector<32x3200xi32>
    %sub3A_760 = arith.constant 100000 : i32
    %sub3A_761 = vector.broadcast %sub3A_760 : i32 to vector<32x3200xi32>
    %sub3A_762 = arith.subi %select_n3A, %sub3A_761 : vector<32x3200xi32>
    %select_n3A_763 = arith.select %ge3A_759, %sub3A_762, %select_n3A : vector<32x3200xi1>, vector<32x3200xi32>
    %convert_element_type3A_764 = arith.sitofp %select_n3A_763 : vector<32x3200xi32> to vector<32x3200xf32>
    %get3A_765 = arith.constant 0 : index
    %get3A_766 = arith.constant 0 : index
    %get3A_767 = vector.load %arg2[%get3A_765, %get3A_766] : memref<32x3200xf32, #tpu.memory_space<vmem>>, vector<32x3200xf32>
    %select_n3A_768 = arith.select %le3A, %convert_element_type3A_764, %get3A_767 : vector<32x3200xi1>, vector<32x3200xf32>
    %swap3A = arith.constant 0 : index
    %swap3A_769 = arith.constant 0 : index
    %swap3A_770 = vector.load %arg3[%swap3A, %swap3A_769] : memref<32x3200xf32, #tpu.memory_space<vmem>>, vector<32x3200xf32>
    tpu.vector_store %arg3[%swap3A, %swap3A_769], %select_n3A_768 {strides = array<i32>} : memref<32x3200xf32, #tpu.memory_space<vmem>>, vector<32x3200xf32>,
    return
  }
  func.func @transform_0(%arg0: i32) -> (i32, i32) {
    %c0_i32 = arith.constant 0 : i32
    %c0_i32_0 = arith.constant 0 : i32
    %c0_i32_1 = arith.constant 0 : i32
    return %c0_i32, %c0_i32_0 : i32, i32
  }
  func.func @transform_1(%arg0: i32) -> (i32, i32) {
    %c0_i32 = arith.constant 0 : i32
    %c0_i32_0 = arith.constant 0 : i32
    return %arg0, %c0_i32 : i32, i32
  }
  func.func @transform_2(%arg0: i32) -> (i32, i32) {
    %c0_i32 = arith.constant 0 : i32
    %c0_i32_0 = arith.constant 0 : i32
    return %arg0, %c0_i32 : i32, i32
  }
}

module attributes {stable_mosaic.version = 14 : i64} {
  func.func @_body(%arg0: i32, %arg1: memref<1x1xi32, #tpu.memory_space<smem>>, %arg2: memref<32x3200xf32, #tpu.memory_space<vmem>>, %arg3: memref<32x3200xf32, #tpu.memory_space<vmem>>) attributes {dimension_semantics = [#tpu.dimension_semantics<arbitrary>], iteration_bounds = array<i64: 4>, scalar_prefetch = 0 : i64, scratch_operands = 0 : i64, tpu.core_type = #tpu.core_type<tc>, window_params = [{transform_indices = @transform_0, window_bounds = array<i64: 1, 1>}, {transform_indices = @transform_1, window_bounds = array<i64: 32, 3200>}, {transform_indices = @transform_2, window_bounds = array<i64: 32, 3200>}]} {
    %get3A = arith.constant 0 : index
    %get3A_0 = arith.constant 0 : index
    %get3A_1 = memref.load %arg1[%get3A, %get3A_0] : memref<1x1xi32, #tpu.memory_space<smem>>
    %iota3A = tpu.iota {dimensions = array<i32: 0>} : vector<32x3200xi32>
    %mul3A = arith.constant 32 : i32
    %mul3A_2 = arith.muli %mul3A, %arg0 : i32
    %add3A = vector.broadcast %mul3A_2 : i32 to vector<32x3200xi32>
    %add3A_3 = arith.addi %iota3A, %add3A : vector<32x3200xi32>
    %iota3A_4 = tpu.iota {dimensions = array<i32: 1>} : vector<32x3200xi32>
    %convert_element_type3A = arith.uitofp %iota3A_4 : vector<32x3200xi32> to vector<32x3200xf32>
    %mul3A_5 = arith.constant 5.000000e-03 : f32
    %mul3A_6 = vector.broadcast %mul3A_5 : f32 to vector<32x3200xf32>
    %mul3A_7 = arith.mulf %convert_element_type3A, %mul3A_6 : vector<32x3200xf32>
    %convert_element_type3A_8 = arith.fptosi %mul3A_7 : vector<32x3200xf32> to vector<32x3200xi32>
    %mul3A_9 = arith.constant 16 : i32
    %mul3A_10 = vector.broadcast %mul3A_9 : i32 to vector<32x3200xi32>
    %mul3A_11 = arith.muli %add3A_3, %mul3A_10 : vector<32x3200xi32>
    %add3A_12 = vector.broadcast %get3A_1 : i32 to vector<32x3200xi32>
    %add3A_13 = arith.addi %add3A_12, %mul3A_11 : vector<32x3200xi32>
    %add3A_14 = arith.addi %add3A_13, %convert_element_type3A_8 : vector<32x3200xi32>
    %mul3A_15 = arith.constant 200 : i32
    %mul3A_16 = vector.broadcast %mul3A_15 : i32 to vector<32x3200xi32>
    %mul3A_17 = arith.muli %convert_element_type3A_8, %mul3A_16 : vector<32x3200xi32>
    %sub3A = arith.subi %iota3A_4, %mul3A_17 : vector<32x3200xi32>
    %mul3A_18 = arith.constant 8192 : i32
    %mul3A_19 = vector.broadcast %mul3A_18 : i32 to vector<32x3200xi32>
    %mul3A_20 = arith.muli %sub3A, %mul3A_19 : vector<32x3200xi32>
    %mul3A_21 = arith.constant 2 : i32
    %mul3A_22 = vector.broadcast %mul3A_21 : i32 to vector<32x3200xi32>
    %mul3A_23 = arith.muli %add3A_14, %mul3A_22 : vector<32x3200xi32>
    %add3A_24 = arith.addi %mul3A_20, %mul3A_23 : vector<32x3200xi32>
    %broadcast_in_dim3A = arith.constant 1832780943 : i32
    %broadcast_in_dim3A_25 = vector.broadcast %broadcast_in_dim3A : i32 to vector<32x3200xi32>
    %add3A_26 = arith.constant 270669613 : i32
    %add3A_27 = vector.broadcast %add3A_26 : i32 to vector<32x3200xi32>
    %add3A_28 = arith.addi %add3A_24, %add3A_27 : vector<32x3200xi32>
    %add3A_29 = arith.addi %broadcast_in_dim3A_25, %add3A_28 : vector<32x3200xi32>
    %shift_left3A = arith.constant 13 : i32
    %shift_left3A_30 = vector.broadcast %shift_left3A : i32 to vector<32x3200xi32>
    %shift_left3A_31 = arith.shli %add3A_28, %shift_left3A_30 : vector<32x3200xi32>
    %shift_right_logical3A = arith.constant 19 : i32
    %shift_right_logical3A_32 = vector.broadcast %shift_right_logical3A : i32 to vector<32x3200xi32>
    %shift_right_logical3A_33 = arith.shrui %add3A_28, %shift_right_logical3A_32 : vector<32x3200xi32>
    %or3A = arith.ori %shift_left3A_31, %shift_right_logical3A_33 : vector<32x3200xi32>
    %xor3A = arith.xori %or3A, %add3A_29 : vector<32x3200xi32>
    %add3A_34 = arith.addi %add3A_29, %xor3A : vector<32x3200xi32>
    %shift_left3A_35 = arith.constant 15 : i32
    %shift_left3A_36 = vector.broadcast %shift_left3A_35 : i32 to vector<32x3200xi32>
    %shift_left3A_37 = arith.shli %xor3A, %shift_left3A_36 : vector<32x3200xi32>
    %shift_right_logical3A_38 = arith.constant 17 : i32
    %shift_right_logical3A_39 = vector.broadcast %shift_right_logical3A_38 : i32 to vector<32x3200xi32>
    %shift_right_logical3A_40 = arith.shrui %xor3A, %shift_right_logical3A_39 : vector<32x3200xi32>
    %or3A_41 = arith.ori %shift_left3A_37, %shift_right_logical3A_40 : vector<32x3200xi32>
    %xor3A_42 = arith.xori %or3A_41, %add3A_34 : vector<32x3200xi32>
    %add3A_43 = arith.addi %add3A_34, %xor3A_42 : vector<32x3200xi32>
    %shift_left3A_44 = arith.constant 26 : i32
    %shift_left3A_45 = vector.broadcast %shift_left3A_44 : i32 to vector<32x3200xi32>
    %shift_left3A_46 = arith.shli %xor3A_42, %shift_left3A_45 : vector<32x3200xi32>
    %shift_right_logical3A_47 = arith.constant 6 : i32
    %shift_right_logical3A_48 = vector.broadcast %shift_right_logical3A_47 : i32 to vector<32x3200xi32>
    %shift_right_logical3A_49 = arith.shrui %xor3A_42, %shift_right_logical3A_48 : vector<32x3200xi32>
    %or3A_50 = arith.ori %shift_left3A_46, %shift_right_logical3A_49 : vector<32x3200xi32>
    %xor3A_51 = arith.xori %or3A_50, %add3A_43 : vector<32x3200xi32>
    %add3A_52 = arith.addi %add3A_43, %xor3A_51 : vector<32x3200xi32>
    %shift_left3A_53 = arith.constant 6 : i32
    %shift_left3A_54 = vector.broadcast %shift_left3A_53 : i32 to vector<32x3200xi32>
    %shift_left3A_55 = arith.shli %xor3A_51, %shift_left3A_54 : vector<32x3200xi32>
    %shift_right_logical3A_56 = arith.constant 26 : i32
    %shift_right_logical3A_57 = vector.broadcast %shift_right_logical3A_56 : i32 to vector<32x3200xi32>
    %shift_right_logical3A_58 = arith.shrui %xor3A_51, %shift_right_logical3A_57 : vector<32x3200xi32>
    %or3A_59 = arith.ori %shift_left3A_55, %shift_right_logical3A_58 : vector<32x3200xi32>
    %xor3A_60 = arith.xori %or3A_59, %add3A_52 : vector<32x3200xi32>
    %add3A_61 = arith.constant 270669613 : i32
    %add3A_62 = vector.broadcast %add3A_61 : i32 to vector<32x3200xi32>
    %add3A_63 = arith.addi %add3A_52, %add3A_62 : vector<32x3200xi32>
    %add3A_64 = arith.constant 1724713080 : i32
    %add3A_65 = vector.broadcast %add3A_64 : i32 to vector<32x3200xi32>
    %add3A_66 = arith.addi %xor3A_60, %add3A_65 : vector<32x3200xi32>
    %add3A_67 = arith.constant 1 : i32
    %add3A_68 = vector.broadcast %add3A_67 : i32 to vector<32x3200xi32>
    %add3A_69 = arith.addi %add3A_66, %add3A_68 : vector<32x3200xi32>
    %add3A_70 = arith.addi %add3A_63, %add3A_69 : vector<32x3200xi32>
    %shift_left3A_71 = arith.constant 17 : i32
    %shift_left3A_72 = vector.broadcast %shift_left3A_71 : i32 to vector<32x3200xi32>
    %shift_left3A_73 = arith.shli %add3A_69, %shift_left3A_72 : vector<32x3200xi32>
    %shift_right_logical3A_74 = arith.constant 15 : i32
    %shift_right_logical3A_75 = vector.broadcast %shift_right_logical3A_74 : i32 to vector<32x3200xi32>
    %shift_right_logical3A_76 = arith.shrui %add3A_69, %shift_right_logical3A_75 : vector<32x3200xi32>
    %or3A_77 = arith.ori %shift_left3A_73, %shift_right_logical3A_76 : vector<32x3200xi32>
    %xor3A_78 = arith.xori %or3A_77, %add3A_70 : vector<32x3200xi32>
    %add3A_79 = arith.addi %add3A_70, %xor3A_78 : vector<32x3200xi32>
    %shift_left3A_80 = arith.constant 29 : i32
    %shift_left3A_81 = vector.broadcast %shift_left3A_80 : i32 to vector<32x3200xi32>
    %shift_left3A_82 = arith.shli %xor3A_78, %shift_left3A_81 : vector<32x3200xi32>
    %shift_right_logical3A_83 = arith.constant 3 : i32
    %shift_right_logical3A_84 = vector.broadcast %shift_right_logical3A_83 : i32 to vector<32x3200xi32>
    %shift_right_logical3A_85 = arith.shrui %xor3A_78, %shift_right_logical3A_84 : vector<32x3200xi32>
    %or3A_86 = arith.ori %shift_left3A_82, %shift_right_logical3A_85 : vector<32x3200xi32>
    %xor3A_87 = arith.xori %or3A_86, %add3A_79 : vector<32x3200xi32>
    %add3A_88 = arith.addi %add3A_79, %xor3A_87 : vector<32x3200xi32>
    %shift_left3A_89 = arith.constant 16 : i32
    %shift_left3A_90 = vector.broadcast %shift_left3A_89 : i32 to vector<32x3200xi32>
    %shift_left3A_91 = arith.shli %xor3A_87, %shift_left3A_90 : vector<32x3200xi32>
    %shift_right_logical3A_92 = arith.constant 16 : i32
    %shift_right_logical3A_93 = vector.broadcast %shift_right_logical3A_92 : i32 to vector<32x3200xi32>
    %shift_right_logical3A_94 = arith.shrui %xor3A_87, %shift_right_logical3A_93 : vector<32x3200xi32>
    %or3A_95 = arith.ori %shift_left3A_91, %shift_right_logical3A_94 : vector<32x3200xi32>
    %xor3A_96 = arith.xori %or3A_95, %add3A_88 : vector<32x3200xi32>
    %add3A_97 = arith.addi %add3A_88, %xor3A_96 : vector<32x3200xi32>
    %shift_left3A_98 = arith.constant 24 : i32
    %shift_left3A_99 = vector.broadcast %shift_left3A_98 : i32 to vector<32x3200xi32>
    %shift_left3A_100 = arith.shli %xor3A_96, %shift_left3A_99 : vector<32x3200xi32>
    %shift_right_logical3A_101 = arith.constant 8 : i32
    %shift_right_logical3A_102 = vector.broadcast %shift_right_logical3A_101 : i32 to vector<32x3200xi32>
    %shift_right_logical3A_103 = arith.shrui %xor3A_96, %shift_right_logical3A_102 : vector<32x3200xi32>
    %or3A_104 = arith.ori %shift_left3A_100, %shift_right_logical3A_103 : vector<32x3200xi32>
    %xor3A_105 = arith.xori %or3A_104, %add3A_97 : vector<32x3200xi32>
    %add3A_106 = arith.constant 1724713080 : i32
    %add3A_107 = vector.broadcast %add3A_106 : i32 to vector<32x3200xi32>
    %add3A_108 = arith.addi %add3A_97, %add3A_107 : vector<32x3200xi32>
    %add3A_109 = arith.constant 1832780943 : i32
    %add3A_110 = vector.broadcast %add3A_109 : i32 to vector<32x3200xi32>
    %add3A_111 = arith.addi %xor3A_105, %add3A_110 : vector<32x3200xi32>
    %add3A_112 = arith.constant 2 : i32
    %add3A_113 = vector.broadcast %add3A_112 : i32 to vector<32x3200xi32>
    %add3A_114 = arith.addi %add3A_111, %add3A_113 : vector<32x3200xi32>
    %add3A_115 = arith.addi %add3A_108, %add3A_114 : vector<32x3200xi32>
    %shift_left3A_116 = arith.constant 13 : i32
    %shift_left3A_117 = vector.broadcast %shift_left3A_116 : i32 to vector<32x3200xi32>
    %shift_left3A_118 = arith.shli %add3A_114, %shift_left3A_117 : vector<32x3200xi32>
    %shift_right_logical3A_119 = arith.constant 19 : i32
    %shift_right_logical3A_120 = vector.broadcast %shift_right_logical3A_119 : i32 to vector<32x3200xi32>
    %shift_right_logical3A_121 = arith.shrui %add3A_114, %shift_right_logical3A_120 : vector<32x3200xi32>
    %or3A_122 = arith.ori %shift_left3A_118, %shift_right_logical3A_121 : vector<32x3200xi32>
    %xor3A_123 = arith.xori %or3A_122, %add3A_115 : vector<32x3200xi32>
    %add3A_124 = arith.addi %add3A_115, %xor3A_123 : vector<32x3200xi32>
    %shift_left3A_125 = arith.constant 15 : i32
    %shift_left3A_126 = vector.broadcast %shift_left3A_125 : i32 to vector<32x3200xi32>
    %shift_left3A_127 = arith.shli %xor3A_123, %shift_left3A_126 : vector<32x3200xi32>
    %shift_right_logical3A_128 = arith.constant 17 : i32
    %shift_right_logical3A_129 = vector.broadcast %shift_right_logical3A_128 : i32 to vector<32x3200xi32>
    %shift_right_logical3A_130 = arith.shrui %xor3A_123, %shift_right_logical3A_129 : vector<32x3200xi32>
    %or3A_131 = arith.ori %shift_left3A_127, %shift_right_logical3A_130 : vector<32x3200xi32>
    %xor3A_132 = arith.xori %or3A_131, %add3A_124 : vector<32x3200xi32>
    %add3A_133 = arith.addi %add3A_124, %xor3A_132 : vector<32x3200xi32>
    %shift_left3A_134 = arith.constant 26 : i32
    %shift_left3A_135 = vector.broadcast %shift_left3A_134 : i32 to vector<32x3200xi32>
    %shift_left3A_136 = arith.shli %xor3A_132, %shift_left3A_135 : vector<32x3200xi32>
    %shift_right_logical3A_137 = arith.constant 6 : i32
    %shift_right_logical3A_138 = vector.broadcast %shift_right_logical3A_137 : i32 to vector<32x3200xi32>
    %shift_right_logical3A_139 = arith.shrui %xor3A_132, %shift_right_logical3A_138 : vector<32x3200xi32>
    %or3A_140 = arith.ori %shift_left3A_136, %shift_right_logical3A_139 : vector<32x3200xi32>
    %xor3A_141 = arith.xori %or3A_140, %add3A_133 : vector<32x3200xi32>
    %add3A_142 = arith.addi %add3A_133, %xor3A_141 : vector<32x3200xi32>
    %shift_left3A_143 = arith.constant 6 : i32
    %shift_left3A_144 = vector.broadcast %shift_left3A_143 : i32 to vector<32x3200xi32>
    %shift_left3A_145 = arith.shli %xor3A_141, %shift_left3A_144 : vector<32x3200xi32>
    %shift_right_logical3A_146 = arith.constant 26 : i32
    %shift_right_logical3A_147 = vector.broadcast %shift_right_logical3A_146 : i32 to vector<32x3200xi32>
    %shift_right_logical3A_148 = arith.shrui %xor3A_141, %shift_right_logical3A_147 : vector<32x3200xi32>
    %or3A_149 = arith.ori %shift_left3A_145, %shift_right_logical3A_148 : vector<32x3200xi32>
    %xor3A_150 = arith.xori %or3A_149, %add3A_142 : vector<32x3200xi32>
    %add3A_151 = arith.constant 1832780943 : i32
    %add3A_152 = vector.broadcast %add3A_151 : i32 to vector<32x3200xi32>
    %add3A_153 = arith.addi %add3A_142, %add3A_152 : vector<32x3200xi32>
    %add3A_154 = arith.constant 270669613 : i32
    %add3A_155 = vector.broadcast %add3A_154 : i32 to vector<32x3200xi32>
    %add3A_156 = arith.addi %xor3A_150, %add3A_155 : vector<32x3200xi32>
    %add3A_157 = arith.constant 3 : i32
    %add3A_158 = vector.broadcast %add3A_157 : i32 to vector<32x3200xi32>
    %add3A_159 = arith.addi %add3A_156, %add3A_158 : vector<32x3200xi32>
    %add3A_160 = arith.addi %add3A_153, %add3A_159 : vector<32x3200xi32>
    %shift_left3A_161 = arith.constant 17 : i32
    %shift_left3A_162 = vector.broadcast %shift_left3A_161 : i32 to vector<32x3200xi32>
    %shift_left3A_163 = arith.shli %add3A_159, %shift_left3A_162 : vector<32x3200xi32>
    %shift_right_logical3A_164 = arith.constant 15 : i32
    %shift_right_logical3A_165 = vector.broadcast %shift_right_logical3A_164 : i32 to vector<32x3200xi32>
    %shift_right_logical3A_166 = arith.shrui %add3A_159, %shift_right_logical3A_165 : vector<32x3200xi32>
    %or3A_167 = arith.ori %shift_left3A_163, %shift_right_logical3A_166 : vector<32x3200xi32>
    %xor3A_168 = arith.xori %or3A_167, %add3A_160 : vector<32x3200xi32>
    %add3A_169 = arith.addi %add3A_160, %xor3A_168 : vector<32x3200xi32>
    %shift_left3A_170 = arith.constant 29 : i32
    %shift_left3A_171 = vector.broadcast %shift_left3A_170 : i32 to vector<32x3200xi32>
    %shift_left3A_172 = arith.shli %xor3A_168, %shift_left3A_171 : vector<32x3200xi32>
    %shift_right_logical3A_173 = arith.constant 3 : i32
    %shift_right_logical3A_174 = vector.broadcast %shift_right_logical3A_173 : i32 to vector<32x3200xi32>
    %shift_right_logical3A_175 = arith.shrui %xor3A_168, %shift_right_logical3A_174 : vector<32x3200xi32>
    %or3A_176 = arith.ori %shift_left3A_172, %shift_right_logical3A_175 : vector<32x3200xi32>
    %xor3A_177 = arith.xori %or3A_176, %add3A_169 : vector<32x3200xi32>
    %add3A_178 = arith.addi %add3A_169, %xor3A_177 : vector<32x3200xi32>
    %shift_left3A_179 = arith.constant 16 : i32
    %shift_left3A_180 = vector.broadcast %shift_left3A_179 : i32 to vector<32x3200xi32>
    %shift_left3A_181 = arith.shli %xor3A_177, %shift_left3A_180 : vector<32x3200xi32>
    %shift_right_logical3A_182 = arith.constant 16 : i32
    %shift_right_logical3A_183 = vector.broadcast %shift_right_logical3A_182 : i32 to vector<32x3200xi32>
    %shift_right_logical3A_184 = arith.shrui %xor3A_177, %shift_right_logical3A_183 : vector<32x3200xi32>
    %or3A_185 = arith.ori %shift_left3A_181, %shift_right_logical3A_184 : vector<32x3200xi32>
    %xor3A_186 = arith.xori %or3A_185, %add3A_178 : vector<32x3200xi32>
    %add3A_187 = arith.addi %add3A_178, %xor3A_186 : vector<32x3200xi32>
    %shift_left3A_188 = arith.constant 24 : i32
    %shift_left3A_189 = vector.broadcast %shift_left3A_188 : i32 to vector<32x3200xi32>
    %shift_left3A_190 = arith.shli %xor3A_186, %shift_left3A_189 : vector<32x3200xi32>
    %shift_right_logical3A_191 = arith.constant 8 : i32
    %shift_right_logical3A_192 = vector.broadcast %shift_right_logical3A_191 : i32 to vector<32x3200xi32>
    %shift_right_logical3A_193 = arith.shrui %xor3A_186, %shift_right_logical3A_192 : vector<32x3200xi32>
    %or3A_194 = arith.ori %shift_left3A_190, %shift_right_logical3A_193 : vector<32x3200xi32>
    %xor3A_195 = arith.xori %or3A_194, %add3A_187 : vector<32x3200xi32>
    %add3A_196 = arith.constant 270669613 : i32
    %add3A_197 = vector.broadcast %add3A_196 : i32 to vector<32x3200xi32>
    %add3A_198 = arith.addi %add3A_187, %add3A_197 : vector<32x3200xi32>
    %add3A_199 = arith.constant 1724713080 : i32
    %add3A_200 = vector.broadcast %add3A_199 : i32 to vector<32x3200xi32>
    %add3A_201 = arith.addi %xor3A_195, %add3A_200 : vector<32x3200xi32>
    %add3A_202 = arith.constant 4 : i32
    %add3A_203 = vector.broadcast %add3A_202 : i32 to vector<32x3200xi32>
    %add3A_204 = arith.addi %add3A_201, %add3A_203 : vector<32x3200xi32>
    %add3A_205 = arith.addi %add3A_198, %add3A_204 : vector<32x3200xi32>
    %shift_left3A_206 = arith.constant 13 : i32
    %shift_left3A_207 = vector.broadcast %shift_left3A_206 : i32 to vector<32x3200xi32>
    %shift_left3A_208 = arith.shli %add3A_204, %shift_left3A_207 : vector<32x3200xi32>
    %shift_right_logical3A_209 = arith.constant 19 : i32
    %shift_right_logical3A_210 = vector.broadcast %shift_right_logical3A_209 : i32 to vector<32x3200xi32>
    %shift_right_logical3A_211 = arith.shrui %add3A_204, %shift_right_logical3A_210 : vector<32x3200xi32>
    %or3A_212 = arith.ori %shift_left3A_208, %shift_right_logical3A_211 : vector<32x3200xi32>
    %xor3A_213 = arith.xori %or3A_212, %add3A_205 : vector<32x3200xi32>
    %add3A_214 = arith.addi %add3A_205, %xor3A_213 : vector<32x3200xi32>
    %shift_left3A_215 = arith.constant 15 : i32
    %shift_left3A_216 = vector.broadcast %shift_left3A_215 : i32 to vector<32x3200xi32>
    %shift_left3A_217 = arith.shli %xor3A_213, %shift_left3A_216 : vector<32x3200xi32>
    %shift_right_logical3A_218 = arith.constant 17 : i32
    %shift_right_logical3A_219 = vector.broadcast %shift_right_logical3A_218 : i32 to vector<32x3200xi32>
    %shift_right_logical3A_220 = arith.shrui %xor3A_213, %shift_right_logical3A_219 : vector<32x3200xi32>
    %or3A_221 = arith.ori %shift_left3A_217, %shift_right_logical3A_220 : vector<32x3200xi32>
    %xor3A_222 = arith.xori %or3A_221, %add3A_214 : vector<32x3200xi32>
    %add3A_223 = arith.addi %add3A_214, %xor3A_222 : vector<32x3200xi32>
    %shift_left3A_224 = arith.constant 26 : i32
    %shift_left3A_225 = vector.broadcast %shift_left3A_224 : i32 to vector<32x3200xi32>
    %shift_left3A_226 = arith.shli %xor3A_222, %shift_left3A_225 : vector<32x3200xi32>
    %shift_right_logical3A_227 = arith.constant 6 : i32
    %shift_right_logical3A_228 = vector.broadcast %shift_right_logical3A_227 : i32 to vector<32x3200xi32>
    %shift_right_logical3A_229 = arith.shrui %xor3A_222, %shift_right_logical3A_228 : vector<32x3200xi32>
    %or3A_230 = arith.ori %shift_left3A_226, %shift_right_logical3A_229 : vector<32x3200xi32>
    %xor3A_231 = arith.xori %or3A_230, %add3A_223 : vector<32x3200xi32>
    %add3A_232 = arith.addi %add3A_223, %xor3A_231 : vector<32x3200xi32>
    %shift_left3A_233 = arith.constant 6 : i32
    %shift_left3A_234 = vector.broadcast %shift_left3A_233 : i32 to vector<32x3200xi32>
    %shift_left3A_235 = arith.shli %xor3A_231, %shift_left3A_234 : vector<32x3200xi32>
    %shift_right_logical3A_236 = arith.constant 26 : i32
    %shift_right_logical3A_237 = vector.broadcast %shift_right_logical3A_236 : i32 to vector<32x3200xi32>
    %shift_right_logical3A_238 = arith.shrui %xor3A_231, %shift_right_logical3A_237 : vector<32x3200xi32>
    %or3A_239 = arith.ori %shift_left3A_235, %shift_right_logical3A_238 : vector<32x3200xi32>
    %xor3A_240 = arith.xori %or3A_239, %add3A_232 : vector<32x3200xi32>
    %add3A_241 = arith.constant 1724713080 : i32
    %add3A_242 = vector.broadcast %add3A_241 : i32 to vector<32x3200xi32>
    %add3A_243 = arith.addi %add3A_232, %add3A_242 : vector<32x3200xi32>
    %add3A_244 = arith.constant 1832780943 : i32
    %add3A_245 = vector.broadcast %add3A_244 : i32 to vector<32x3200xi32>
    %add3A_246 = arith.addi %xor3A_240, %add3A_245 : vector<32x3200xi32>
    %add3A_247 = arith.constant 5 : i32
    %add3A_248 = vector.broadcast %add3A_247 : i32 to vector<32x3200xi32>
    %add3A_249 = arith.addi %add3A_246, %add3A_248 : vector<32x3200xi32>
    %xor3A_250 = arith.xori %add3A_243, %add3A_249 : vector<32x3200xi32>
    %shift_right_logical3A_251 = arith.constant 9 : i32
    %shift_right_logical3A_252 = vector.broadcast %shift_right_logical3A_251 : i32 to vector<32x3200xi32>
    %shift_right_logical3A_253 = arith.shrui %xor3A_250, %shift_right_logical3A_252 : vector<32x3200xi32>
    %or3A_254 = arith.constant 1065353216 : i32
    %or3A_255 = vector.broadcast %or3A_254 : i32 to vector<32x3200xi32>
    %or3A_256 = arith.ori %shift_right_logical3A_253, %or3A_255 : vector<32x3200xi32>
    %bitcast_convert_type3A = tpu.bitcast %or3A_256 : vector<32x3200xi32> -> vector<32x3200xf32>
    %sub3A_257 = arith.constant 1.000000e+00 : f32
    %sub3A_258 = vector.broadcast %sub3A_257 : f32 to vector<32x3200xf32>
    %sub3A_259 = arith.subf %bitcast_convert_type3A, %sub3A_258 : vector<32x3200xf32>
    %add3A_260 = arith.constant 1 : i32
    %add3A_261 = vector.broadcast %add3A_260 : i32 to vector<32x3200xi32>
    %add3A_262 = arith.addi %add3A_24, %add3A_261 : vector<32x3200xi32>
    %broadcast_in_dim3A_263 = arith.constant 1832780943 : i32
    %broadcast_in_dim3A_264 = vector.broadcast %broadcast_in_dim3A_263 : i32 to vector<32x3200xi32>
    %add3A_265 = arith.constant 270669613 : i32
    %add3A_266 = vector.broadcast %add3A_265 : i32 to vector<32x3200xi32>
    %add3A_267 = arith.addi %add3A_262, %add3A_266 : vector<32x3200xi32>
    %add3A_268 = arith.addi %broadcast_in_dim3A_264, %add3A_267 : vector<32x3200xi32>
    %shift_left3A_269 = arith.constant 13 : i32
    %shift_left3A_270 = vector.broadcast %shift_left3A_269 : i32 to vector<32x3200xi32>
    %shift_left3A_271 = arith.shli %add3A_267, %shift_left3A_270 : vector<32x3200xi32>
    %shift_right_logical3A_272 = arith.constant 19 : i32
    %shift_right_logical3A_273 = vector.broadcast %shift_right_logical3A_272 : i32 to vector<32x3200xi32>
    %shift_right_logical3A_274 = arith.shrui %add3A_267, %shift_right_logical3A_273 : vector<32x3200xi32>
    %or3A_275 = arith.ori %shift_left3A_271, %shift_right_logical3A_274 : vector<32x3200xi32>
    %xor3A_276 = arith.xori %or3A_275, %add3A_268 : vector<32x3200xi32>
    %add3A_277 = arith.addi %add3A_268, %xor3A_276 : vector<32x3200xi32>
    %shift_left3A_278 = arith.constant 15 : i32
    %shift_left3A_279 = vector.broadcast %shift_left3A_278 : i32 to vector<32x3200xi32>
    %shift_left3A_280 = arith.shli %xor3A_276, %shift_left3A_279 : vector<32x3200xi32>
    %shift_right_logical3A_281 = arith.constant 17 : i32
    %shift_right_logical3A_282 = vector.broadcast %shift_right_logical3A_281 : i32 to vector<32x3200xi32>
    %shift_right_logical3A_283 = arith.shrui %xor3A_276, %shift_right_logical3A_282 : vector<32x3200xi32>
    %or3A_284 = arith.ori %shift_left3A_280, %shift_right_logical3A_283 : vector<32x3200xi32>
    %xor3A_285 = arith.xori %or3A_284, %add3A_277 : vector<32x3200xi32>
    %add3A_286 = arith.addi %add3A_277, %xor3A_285 : vector<32x3200xi32>
    %shift_left3A_287 = arith.constant 26 : i32
    %shift_left3A_288 = vector.broadcast %shift_left3A_287 : i32 to vector<32x3200xi32>
    %shift_left3A_289 = arith.shli %xor3A_285, %shift_left3A_288 : vector<32x3200xi32>
    %shift_right_logical3A_290 = arith.constant 6 : i32
    %shift_right_logical3A_291 = vector.broadcast %shift_right_logical3A_290 : i32 to vector<32x3200xi32>
    %shift_right_logical3A_292 = arith.shrui %xor3A_285, %shift_right_logical3A_291 : vector<32x3200xi32>
    %or3A_293 = arith.ori %shift_left3A_289, %shift_right_logical3A_292 : vector<32x3200xi32>
    %xor3A_294 = arith.xori %or3A_293, %add3A_286 : vector<32x3200xi32>
    %add3A_295 = arith.addi %add3A_286, %xor3A_294 : vector<32x3200xi32>
    %shift_left3A_296 = arith.constant 6 : i32
    %shift_left3A_297 = vector.broadcast %shift_left3A_296 : i32 to vector<32x3200xi32>
    %shift_left3A_298 = arith.shli %xor3A_294, %shift_left3A_297 : vector<32x3200xi32>
    %shift_right_logical3A_299 = arith.constant 26 : i32
    %shift_right_logical3A_300 = vector.broadcast %shift_right_logical3A_299 : i32 to vector<32x3200xi32>
    %shift_right_logical3A_301 = arith.shrui %xor3A_294, %shift_right_logical3A_300 : vector<32x3200xi32>
    %or3A_302 = arith.ori %shift_left3A_298, %shift_right_logical3A_301 : vector<32x3200xi32>
    %xor3A_303 = arith.xori %or3A_302, %add3A_295 : vector<32x3200xi32>
    %add3A_304 = arith.constant 270669613 : i32
    %add3A_305 = vector.broadcast %add3A_304 : i32 to vector<32x3200xi32>
    %add3A_306 = arith.addi %add3A_295, %add3A_305 : vector<32x3200xi32>
    %add3A_307 = arith.constant 1724713080 : i32
    %add3A_308 = vector.broadcast %add3A_307 : i32 to vector<32x3200xi32>
    %add3A_309 = arith.addi %xor3A_303, %add3A_308 : vector<32x3200xi32>
    %add3A_310 = arith.constant 1 : i32
    %add3A_311 = vector.broadcast %add3A_310 : i32 to vector<32x3200xi32>
    %add3A_312 = arith.addi %add3A_309, %add3A_311 : vector<32x3200xi32>
    %add3A_313 = arith.addi %add3A_306, %add3A_312 : vector<32x3200xi32>
    %shift_left3A_314 = arith.constant 17 : i32
    %shift_left3A_315 = vector.broadcast %shift_left3A_314 : i32 to vector<32x3200xi32>
    %shift_left3A_316 = arith.shli %add3A_312, %shift_left3A_315 : vector<32x3200xi32>
    %shift_right_logical3A_317 = arith.constant 15 : i32
    %shift_right_logical3A_318 = vector.broadcast %shift_right_logical3A_317 : i32 to vector<32x3200xi32>
    %shift_right_logical3A_319 = arith.shrui %add3A_312, %shift_right_logical3A_318 : vector<32x3200xi32>
    %or3A_320 = arith.ori %shift_left3A_316, %shift_right_logical3A_319 : vector<32x3200xi32>
    %xor3A_321 = arith.xori %or3A_320, %add3A_313 : vector<32x3200xi32>
    %add3A_322 = arith.addi %add3A_313, %xor3A_321 : vector<32x3200xi32>
    %shift_left3A_323 = arith.constant 29 : i32
    %shift_left3A_324 = vector.broadcast %shift_left3A_323 : i32 to vector<32x3200xi32>
    %shift_left3A_325 = arith.shli %xor3A_321, %shift_left3A_324 : vector<32x3200xi32>
    %shift_right_logical3A_326 = arith.constant 3 : i32
    %shift_right_logical3A_327 = vector.broadcast %shift_right_logical3A_326 : i32 to vector<32x3200xi32>
    %shift_right_logical3A_328 = arith.shrui %xor3A_321, %shift_right_logical3A_327 : vector<32x3200xi32>
    %or3A_329 = arith.ori %shift_left3A_325, %shift_right_logical3A_328 : vector<32x3200xi32>
    %xor3A_330 = arith.xori %or3A_329, %add3A_322 : vector<32x3200xi32>
    %add3A_331 = arith.addi %add3A_322, %xor3A_330 : vector<32x3200xi32>
    %shift_left3A_332 = arith.constant 16 : i32
    %shift_left3A_333 = vector.broadcast %shift_left3A_332 : i32 to vector<32x3200xi32>
    %shift_left3A_334 = arith.shli %xor3A_330, %shift_left3A_333 : vector<32x3200xi32>
    %shift_right_logical3A_335 = arith.constant 16 : i32
    %shift_right_logical3A_336 = vector.broadcast %shift_right_logical3A_335 : i32 to vector<32x3200xi32>
    %shift_right_logical3A_337 = arith.shrui %xor3A_330, %shift_right_logical3A_336 : vector<32x3200xi32>
    %or3A_338 = arith.ori %shift_left3A_334, %shift_right_logical3A_337 : vector<32x3200xi32>
    %xor3A_339 = arith.xori %or3A_338, %add3A_331 : vector<32x3200xi32>
    %add3A_340 = arith.addi %add3A_331, %xor3A_339 : vector<32x3200xi32>
    %shift_left3A_341 = arith.constant 24 : i32
    %shift_left3A_342 = vector.broadcast %shift_left3A_341 : i32 to vector<32x3200xi32>
    %shift_left3A_343 = arith.shli %xor3A_339, %shift_left3A_342 : vector<32x3200xi32>
    %shift_right_logical3A_344 = arith.constant 8 : i32
    %shift_right_logical3A_345 = vector.broadcast %shift_right_logical3A_344 : i32 to vector<32x3200xi32>
    %shift_right_logical3A_346 = arith.shrui %xor3A_339, %shift_right_logical3A_345 : vector<32x3200xi32>
    %or3A_347 = arith.ori %shift_left3A_343, %shift_right_logical3A_346 : vector<32x3200xi32>
    %xor3A_348 = arith.xori %or3A_347, %add3A_340 : vector<32x3200xi32>
    %add3A_349 = arith.constant 1724713080 : i32
    %add3A_350 = vector.broadcast %add3A_349 : i32 to vector<32x3200xi32>
    %add3A_351 = arith.addi %add3A_340, %add3A_350 : vector<32x3200xi32>
    %add3A_352 = arith.constant 1832780943 : i32
    %add3A_353 = vector.broadcast %add3A_352 : i32 to vector<32x3200xi32>
    %add3A_354 = arith.addi %xor3A_348, %add3A_353 : vector<32x3200xi32>
    %add3A_355 = arith.constant 2 : i32
    %add3A_356 = vector.broadcast %add3A_355 : i32 to vector<32x3200xi32>
    %add3A_357 = arith.addi %add3A_354, %add3A_356 : vector<32x3200xi32>
    %add3A_358 = arith.addi %add3A_351, %add3A_357 : vector<32x3200xi32>
    %shift_left3A_359 = arith.constant 13 : i32
    %shift_left3A_360 = vector.broadcast %shift_left3A_359 : i32 to vector<32x3200xi32>
    %shift_left3A_361 = arith.shli %add3A_357, %shift_left3A_360 : vector<32x3200xi32>
    %shift_right_logical3A_362 = arith.constant 19 : i32
    %shift_right_logical3A_363 = vector.broadcast %shift_right_logical3A_362 : i32 to vector<32x3200xi32>
    %shift_right_logical3A_364 = arith.shrui %add3A_357, %shift_right_logical3A_363 : vector<32x3200xi32>
    %or3A_365 = arith.ori %shift_left3A_361, %shift_right_logical3A_364 : vector<32x3200xi32>
    %xor3A_366 = arith.xori %or3A_365, %add3A_358 : vector<32x3200xi32>
    %add3A_367 = arith.addi %add3A_358, %xor3A_366 : vector<32x3200xi32>
    %shift_left3A_368 = arith.constant 15 : i32
    %shift_left3A_369 = vector.broadcast %shift_left3A_368 : i32 to vector<32x3200xi32>
    %shift_left3A_370 = arith.shli %xor3A_366, %shift_left3A_369 : vector<32x3200xi32>
    %shift_right_logical3A_371 = arith.constant 17 : i32
    %shift_right_logical3A_372 = vector.broadcast %shift_right_logical3A_371 : i32 to vector<32x3200xi32>
    %shift_right_logical3A_373 = arith.shrui %xor3A_366, %shift_right_logical3A_372 : vector<32x3200xi32>
    %or3A_374 = arith.ori %shift_left3A_370, %shift_right_logical3A_373 : vector<32x3200xi32>
    %xor3A_375 = arith.xori %or3A_374, %add3A_367 : vector<32x3200xi32>
    %add3A_376 = arith.addi %add3A_367, %xor3A_375 : vector<32x3200xi32>
    %shift_left3A_377 = arith.constant 26 : i32
    %shift_left3A_378 = vector.broadcast %shift_left3A_377 : i32 to vector<32x3200xi32>
    %shift_left3A_379 = arith.shli %xor3A_375, %shift_left3A_378 : vector<32x3200xi32>
    %shift_right_logical3A_380 = arith.constant 6 : i32
    %shift_right_logical3A_381 = vector.broadcast %shift_right_logical3A_380 : i32 to vector<32x3200xi32>
    %shift_right_logical3A_382 = arith.shrui %xor3A_375, %shift_right_logical3A_381 : vector<32x3200xi32>
    %or3A_383 = arith.ori %shift_left3A_379, %shift_right_logical3A_382 : vector<32x3200xi32>
    %xor3A_384 = arith.xori %or3A_383, %add3A_376 : vector<32x3200xi32>
    %add3A_385 = arith.addi %add3A_376, %xor3A_384 : vector<32x3200xi32>
    %shift_left3A_386 = arith.constant 6 : i32
    %shift_left3A_387 = vector.broadcast %shift_left3A_386 : i32 to vector<32x3200xi32>
    %shift_left3A_388 = arith.shli %xor3A_384, %shift_left3A_387 : vector<32x3200xi32>
    %shift_right_logical3A_389 = arith.constant 26 : i32
    %shift_right_logical3A_390 = vector.broadcast %shift_right_logical3A_389 : i32 to vector<32x3200xi32>
    %shift_right_logical3A_391 = arith.shrui %xor3A_384, %shift_right_logical3A_390 : vector<32x3200xi32>
    %or3A_392 = arith.ori %shift_left3A_388, %shift_right_logical3A_391 : vector<32x3200xi32>
    %xor3A_393 = arith.xori %or3A_392, %add3A_385 : vector<32x3200xi32>
    %add3A_394 = arith.constant 1832780943 : i32
    %add3A_395 = vector.broadcast %add3A_394 : i32 to vector<32x3200xi32>
    %add3A_396 = arith.addi %add3A_385, %add3A_395 : vector<32x3200xi32>
    %add3A_397 = arith.constant 270669613 : i32
    %add3A_398 = vector.broadcast %add3A_397 : i32 to vector<32x3200xi32>
    %add3A_399 = arith.addi %xor3A_393, %add3A_398 : vector<32x3200xi32>
    %add3A_400 = arith.constant 3 : i32
    %add3A_401 = vector.broadcast %add3A_400 : i32 to vector<32x3200xi32>
    %add3A_402 = arith.addi %add3A_399, %add3A_401 : vector<32x3200xi32>
    %add3A_403 = arith.addi %add3A_396, %add3A_402 : vector<32x3200xi32>
    %shift_left3A_404 = arith.constant 17 : i32
    %shift_left3A_405 = vector.broadcast %shift_left3A_404 : i32 to vector<32x3200xi32>
    %shift_left3A_406 = arith.shli %add3A_402, %shift_left3A_405 : vector<32x3200xi32>
    %shift_right_logical3A_407 = arith.constant 15 : i32
    %shift_right_logical3A_408 = vector.broadcast %shift_right_logical3A_407 : i32 to vector<32x3200xi32>
    %shift_right_logical3A_409 = arith.shrui %add3A_402, %shift_right_logical3A_408 : vector<32x3200xi32>
    %or3A_410 = arith.ori %shift_left3A_406, %shift_right_logical3A_409 : vector<32x3200xi32>
    %xor3A_411 = arith.xori %or3A_410, %add3A_403 : vector<32x3200xi32>
    %add3A_412 = arith.addi %add3A_403, %xor3A_411 : vector<32x3200xi32>
    %shift_left3A_413 = arith.constant 29 : i32
    %shift_left3A_414 = vector.broadcast %shift_left3A_413 : i32 to vector<32x3200xi32>
    %shift_left3A_415 = arith.shli %xor3A_411, %shift_left3A_414 : vector<32x3200xi32>
    %shift_right_logical3A_416 = arith.constant 3 : i32
    %shift_right_logical3A_417 = vector.broadcast %shift_right_logical3A_416 : i32 to vector<32x3200xi32>
    %shift_right_logical3A_418 = arith.shrui %xor3A_411, %shift_right_logical3A_417 : vector<32x3200xi32>
    %or3A_419 = arith.ori %shift_left3A_415, %shift_right_logical3A_418 : vector<32x3200xi32>
    %xor3A_420 = arith.xori %or3A_419, %add3A_412 : vector<32x3200xi32>
    %add3A_421 = arith.addi %add3A_412, %xor3A_420 : vector<32x3200xi32>
    %shift_left3A_422 = arith.constant 16 : i32
    %shift_left3A_423 = vector.broadcast %shift_left3A_422 : i32 to vector<32x3200xi32>
    %shift_left3A_424 = arith.shli %xor3A_420, %shift_left3A_423 : vector<32x3200xi32>
    %shift_right_logical3A_425 = arith.constant 16 : i32
    %shift_right_logical3A_426 = vector.broadcast %shift_right_logical3A_425 : i32 to vector<32x3200xi32>
    %shift_right_logical3A_427 = arith.shrui %xor3A_420, %shift_right_logical3A_426 : vector<32x3200xi32>
    %or3A_428 = arith.ori %shift_left3A_424, %shift_right_logical3A_427 : vector<32x3200xi32>
    %xor3A_429 = arith.xori %or3A_428, %add3A_421 : vector<32x3200xi32>
    %add3A_430 = arith.addi %add3A_421, %xor3A_429 : vector<32x3200xi32>
    %shift_left3A_431 = arith.constant 24 : i32
    %shift_left3A_432 = vector.broadcast %shift_left3A_431 : i32 to vector<32x3200xi32>
    %shift_left3A_433 = arith.shli %xor3A_429, %shift_left3A_432 : vector<32x3200xi32>
    %shift_right_logical3A_434 = arith.constant 8 : i32
    %shift_right_logical3A_435 = vector.broadcast %shift_right_logical3A_434 : i32 to vector<32x3200xi32>
    %shift_right_logical3A_436 = arith.shrui %xor3A_429, %shift_right_logical3A_435 : vector<32x3200xi32>
    %or3A_437 = arith.ori %shift_left3A_433, %shift_right_logical3A_436 : vector<32x3200xi32>
    %xor3A_438 = arith.xori %or3A_437, %add3A_430 : vector<32x3200xi32>
    %add3A_439 = arith.constant 270669613 : i32
    %add3A_440 = vector.broadcast %add3A_439 : i32 to vector<32x3200xi32>
    %add3A_441 = arith.addi %add3A_430, %add3A_440 : vector<32x3200xi32>
    %add3A_442 = arith.constant 1724713080 : i32
    %add3A_443 = vector.broadcast %add3A_442 : i32 to vector<32x3200xi32>
    %add3A_444 = arith.addi %xor3A_438, %add3A_443 : vector<32x3200xi32>
    %add3A_445 = arith.constant 4 : i32
    %add3A_446 = vector.broadcast %add3A_445 : i32 to vector<32x3200xi32>
    %add3A_447 = arith.addi %add3A_444, %add3A_446 : vector<32x3200xi32>
    %add3A_448 = arith.addi %add3A_441, %add3A_447 : vector<32x3200xi32>
    %shift_left3A_449 = arith.constant 13 : i32
    %shift_left3A_450 = vector.broadcast %shift_left3A_449 : i32 to vector<32x3200xi32>
    %shift_left3A_451 = arith.shli %add3A_447, %shift_left3A_450 : vector<32x3200xi32>
    %shift_right_logical3A_452 = arith.constant 19 : i32
    %shift_right_logical3A_453 = vector.broadcast %shift_right_logical3A_452 : i32 to vector<32x3200xi32>
    %shift_right_logical3A_454 = arith.shrui %add3A_447, %shift_right_logical3A_453 : vector<32x3200xi32>
    %or3A_455 = arith.ori %shift_left3A_451, %shift_right_logical3A_454 : vector<32x3200xi32>
    %xor3A_456 = arith.xori %or3A_455, %add3A_448 : vector<32x3200xi32>
    %add3A_457 = arith.addi %add3A_448, %xor3A_456 : vector<32x3200xi32>
    %shift_left3A_458 = arith.constant 15 : i32
    %shift_left3A_459 = vector.broadcast %shift_left3A_458 : i32 to vector<32x3200xi32>
    %shift_left3A_460 = arith.shli %xor3A_456, %shift_left3A_459 : vector<32x3200xi32>
    %shift_right_logical3A_461 = arith.constant 17 : i32
    %shift_right_logical3A_462 = vector.broadcast %shift_right_logical3A_461 : i32 to vector<32x3200xi32>
    %shift_right_logical3A_463 = arith.shrui %xor3A_456, %shift_right_logical3A_462 : vector<32x3200xi32>
    %or3A_464 = arith.ori %shift_left3A_460, %shift_right_logical3A_463 : vector<32x3200xi32>
    %xor3A_465 = arith.xori %or3A_464, %add3A_457 : vector<32x3200xi32>
    %add3A_466 = arith.addi %add3A_457, %xor3A_465 : vector<32x3200xi32>
    %shift_left3A_467 = arith.constant 26 : i32
    %shift_left3A_468 = vector.broadcast %shift_left3A_467 : i32 to vector<32x3200xi32>
    %shift_left3A_469 = arith.shli %xor3A_465, %shift_left3A_468 : vector<32x3200xi32>
    %shift_right_logical3A_470 = arith.constant 6 : i32
    %shift_right_logical3A_471 = vector.broadcast %shift_right_logical3A_470 : i32 to vector<32x3200xi32>
    %shift_right_logical3A_472 = arith.shrui %xor3A_465, %shift_right_logical3A_471 : vector<32x3200xi32>
    %or3A_473 = arith.ori %shift_left3A_469, %shift_right_logical3A_472 : vector<32x3200xi32>
    %xor3A_474 = arith.xori %or3A_473, %add3A_466 : vector<32x3200xi32>
    %add3A_475 = arith.addi %add3A_466, %xor3A_474 : vector<32x3200xi32>
    %shift_left3A_476 = arith.constant 6 : i32
    %shift_left3A_477 = vector.broadcast %shift_left3A_476 : i32 to vector<32x3200xi32>
    %shift_left3A_478 = arith.shli %xor3A_474, %shift_left3A_477 : vector<32x3200xi32>
    %shift_right_logical3A_479 = arith.constant 26 : i32
    %shift_right_logical3A_480 = vector.broadcast %shift_right_logical3A_479 : i32 to vector<32x3200xi32>
    %shift_right_logical3A_481 = arith.shrui %xor3A_474, %shift_right_logical3A_480 : vector<32x3200xi32>
    %or3A_482 = arith.ori %shift_left3A_478, %shift_right_logical3A_481 : vector<32x3200xi32>
    %xor3A_483 = arith.xori %or3A_482, %add3A_475 : vector<32x3200xi32>
    %add3A_484 = arith.constant 1724713080 : i32
    %add3A_485 = vector.broadcast %add3A_484 : i32 to vector<32x3200xi32>
    %add3A_486 = arith.addi %add3A_475, %add3A_485 : vector<32x3200xi32>
    %add3A_487 = arith.constant 1832780943 : i32
    %add3A_488 = vector.broadcast %add3A_487 : i32 to vector<32x3200xi32>
    %add3A_489 = arith.addi %xor3A_483, %add3A_488 : vector<32x3200xi32>
    %add3A_490 = arith.constant 5 : i32
    %add3A_491 = vector.broadcast %add3A_490 : i32 to vector<32x3200xi32>
    %add3A_492 = arith.addi %add3A_489, %add3A_491 : vector<32x3200xi32>
    %xor3A_493 = arith.xori %add3A_486, %add3A_492 : vector<32x3200xi32>
    %shift_right_logical3A_494 = arith.constant 9 : i32
    %shift_right_logical3A_495 = vector.broadcast %shift_right_logical3A_494 : i32 to vector<32x3200xi32>
    %shift_right_logical3A_496 = arith.shrui %xor3A_493, %shift_right_logical3A_495 : vector<32x3200xi32>
    %or3A_497 = arith.constant 1065353216 : i32
    %or3A_498 = vector.broadcast %or3A_497 : i32 to vector<32x3200xi32>
    %or3A_499 = arith.ori %shift_right_logical3A_496, %or3A_498 : vector<32x3200xi32>
    %bitcast_convert_type3A_500 = tpu.bitcast %or3A_499 : vector<32x3200xi32> -> vector<32x3200xf32>
    %sub3A_501 = arith.constant 1.000000e+00 : f32
    %sub3A_502 = vector.broadcast %sub3A_501 : f32 to vector<32x3200xf32>
    %sub3A_503 = arith.subf %bitcast_convert_type3A_500, %sub3A_502 : vector<32x3200xf32>
    %mul3A_504 = arith.mulf %sub3A_259, %sub3A_259 : vector<32x3200xf32>
    %mul3A_505 = arith.mulf %mul3A_504, %mul3A_504 : vector<32x3200xf32>
    %mul3A_506 = arith.mulf %mul3A_505, %mul3A_505 : vector<32x3200xf32>
    %mul3A_507 = arith.mulf %mul3A_506, %sub3A_259 : vector<32x3200xf32>
    %le3A = arith.cmpf ole, %sub3A_503, %mul3A_507 : vector<32x3200xf32>
    %mul3A_508 = arith.constant 200 : i32
    %mul3A_509 = vector.broadcast %mul3A_508 : i32 to vector<32x3200xi32>
    %mul3A_510 = arith.muli %add3A_14, %mul3A_509 : vector<32x3200xi32>
    %add3A_511 = arith.addi %mul3A_510, %sub3A : vector<32x3200xi32>
    %broadcast_in_dim3A_512 = arith.constant -1944951124 : i32
    %broadcast_in_dim3A_513 = vector.broadcast %broadcast_in_dim3A_512 : i32 to vector<32x3200xi32>
    %add3A_514 = arith.constant 1168365246 : i32
    %add3A_515 = vector.broadcast %add3A_514 : i32 to vector<32x3200xi32>
    %add3A_516 = arith.addi %add3A_511, %add3A_515 : vector<32x3200xi32>
    %add3A_517 = arith.addi %broadcast_in_dim3A_513, %add3A_516 : vector<32x3200xi32>
    %shift_left3A_518 = arith.constant 13 : i32
    %shift_left3A_519 = vector.broadcast %shift_left3A_518 : i32 to vector<32x3200xi32>
    %shift_left3A_520 = arith.shli %add3A_516, %shift_left3A_519 : vector<32x3200xi32>
    %shift_right_logical3A_521 = arith.constant 19 : i32
    %shift_right_logical3A_522 = vector.broadcast %shift_right_logical3A_521 : i32 to vector<32x3200xi32>
    %shift_right_logical3A_523 = arith.shrui %add3A_516, %shift_right_logical3A_522 : vector<32x3200xi32>
    %or3A_524 = arith.ori %shift_left3A_520, %shift_right_logical3A_523 : vector<32x3200xi32>
    %xor3A_525 = arith.xori %or3A_524, %add3A_517 : vector<32x3200xi32>
    %add3A_526 = arith.addi %add3A_517, %xor3A_525 : vector<32x3200xi32>
    %shift_left3A_527 = arith.constant 15 : i32
    %shift_left3A_528 = vector.broadcast %shift_left3A_527 : i32 to vector<32x3200xi32>
    %shift_left3A_529 = arith.shli %xor3A_525, %shift_left3A_528 : vector<32x3200xi32>
    %shift_right_logical3A_530 = arith.constant 17 : i32
    %shift_right_logical3A_531 = vector.broadcast %shift_right_logical3A_530 : i32 to vector<32x3200xi32>
    %shift_right_logical3A_532 = arith.shrui %xor3A_525, %shift_right_logical3A_531 : vector<32x3200xi32>
    %or3A_533 = arith.ori %shift_left3A_529, %shift_right_logical3A_532 : vector<32x3200xi32>
    %xor3A_534 = arith.xori %or3A_533, %add3A_526 : vector<32x3200xi32>
    %add3A_535 = arith.addi %add3A_526, %xor3A_534 : vector<32x3200xi32>
    %shift_left3A_536 = arith.constant 26 : i32
    %shift_left3A_537 = vector.broadcast %shift_left3A_536 : i32 to vector<32x3200xi32>
    %shift_left3A_538 = arith.shli %xor3A_534, %shift_left3A_537 : vector<32x3200xi32>
    %shift_right_logical3A_539 = arith.constant 6 : i32
    %shift_right_logical3A_540 = vector.broadcast %shift_right_logical3A_539 : i32 to vector<32x3200xi32>
    %shift_right_logical3A_541 = arith.shrui %xor3A_534, %shift_right_logical3A_540 : vector<32x3200xi32>
    %or3A_542 = arith.ori %shift_left3A_538, %shift_right_logical3A_541 : vector<32x3200xi32>
    %xor3A_543 = arith.xori %or3A_542, %add3A_535 : vector<32x3200xi32>
    %add3A_544 = arith.addi %add3A_535, %xor3A_543 : vector<32x3200xi32>
    %shift_left3A_545 = arith.constant 6 : i32
    %shift_left3A_546 = vector.broadcast %shift_left3A_545 : i32 to vector<32x3200xi32>
    %shift_left3A_547 = arith.shli %xor3A_543, %shift_left3A_546 : vector<32x3200xi32>
    %shift_right_logical3A_548 = arith.constant 26 : i32
    %shift_right_logical3A_549 = vector.broadcast %shift_right_logical3A_548 : i32 to vector<32x3200xi32>
    %shift_right_logical3A_550 = arith.shrui %xor3A_543, %shift_right_logical3A_549 : vector<32x3200xi32>
    %or3A_551 = arith.ori %shift_left3A_547, %shift_right_logical3A_550 : vector<32x3200xi32>
    %xor3A_552 = arith.xori %or3A_551, %add3A_544 : vector<32x3200xi32>
    %add3A_553 = arith.constant 1168365246 : i32
    %add3A_554 = vector.broadcast %add3A_553 : i32 to vector<32x3200xi32>
    %add3A_555 = arith.addi %add3A_544, %add3A_554 : vector<32x3200xi32>
    %add3A_556 = arith.constant -765416504 : i32
    %add3A_557 = vector.broadcast %add3A_556 : i32 to vector<32x3200xi32>
    %add3A_558 = arith.addi %xor3A_552, %add3A_557 : vector<32x3200xi32>
    %add3A_559 = arith.constant 1 : i32
    %add3A_560 = vector.broadcast %add3A_559 : i32 to vector<32x3200xi32>
    %add3A_561 = arith.addi %add3A_558, %add3A_560 : vector<32x3200xi32>
    %add3A_562 = arith.addi %add3A_555, %add3A_561 : vector<32x3200xi32>
    %shift_left3A_563 = arith.constant 17 : i32
    %shift_left3A_564 = vector.broadcast %shift_left3A_563 : i32 to vector<32x3200xi32>
    %shift_left3A_565 = arith.shli %add3A_561, %shift_left3A_564 : vector<32x3200xi32>
    %shift_right_logical3A_566 = arith.constant 15 : i32
    %shift_right_logical3A_567 = vector.broadcast %shift_right_logical3A_566 : i32 to vector<32x3200xi32>
    %shift_right_logical3A_568 = arith.shrui %add3A_561, %shift_right_logical3A_567 : vector<32x3200xi32>
    %or3A_569 = arith.ori %shift_left3A_565, %shift_right_logical3A_568 : vector<32x3200xi32>
    %xor3A_570 = arith.xori %or3A_569, %add3A_562 : vector<32x3200xi32>
    %add3A_571 = arith.addi %add3A_562, %xor3A_570 : vector<32x3200xi32>
    %shift_left3A_572 = arith.constant 29 : i32
    %shift_left3A_573 = vector.broadcast %shift_left3A_572 : i32 to vector<32x3200xi32>
    %shift_left3A_574 = arith.shli %xor3A_570, %shift_left3A_573 : vector<32x3200xi32>
    %shift_right_logical3A_575 = arith.constant 3 : i32
    %shift_right_logical3A_576 = vector.broadcast %shift_right_logical3A_575 : i32 to vector<32x3200xi32>
    %shift_right_logical3A_577 = arith.shrui %xor3A_570, %shift_right_logical3A_576 : vector<32x3200xi32>
    %or3A_578 = arith.ori %shift_left3A_574, %shift_right_logical3A_577 : vector<32x3200xi32>
    %xor3A_579 = arith.xori %or3A_578, %add3A_571 : vector<32x3200xi32>
    %add3A_580 = arith.addi %add3A_571, %xor3A_579 : vector<32x3200xi32>
    %shift_left3A_581 = arith.constant 16 : i32
    %shift_left3A_582 = vector.broadcast %shift_left3A_581 : i32 to vector<32x3200xi32>
    %shift_left3A_583 = arith.shli %xor3A_579, %shift_left3A_582 : vector<32x3200xi32>
    %shift_right_logical3A_584 = arith.constant 16 : i32
    %shift_right_logical3A_585 = vector.broadcast %shift_right_logical3A_584 : i32 to vector<32x3200xi32>
    %shift_right_logical3A_586 = arith.shrui %xor3A_579, %shift_right_logical3A_585 : vector<32x3200xi32>
    %or3A_587 = arith.ori %shift_left3A_583, %shift_right_logical3A_586 : vector<32x3200xi32>
    %xor3A_588 = arith.xori %or3A_587, %add3A_580 : vector<32x3200xi32>
    %add3A_589 = arith.addi %add3A_580, %xor3A_588 : vector<32x3200xi32>
    %shift_left3A_590 = arith.constant 24 : i32
    %shift_left3A_591 = vector.broadcast %shift_left3A_590 : i32 to vector<32x3200xi32>
    %shift_left3A_592 = arith.shli %xor3A_588, %shift_left3A_591 : vector<32x3200xi32>
    %shift_right_logical3A_593 = arith.constant 8 : i32
    %shift_right_logical3A_594 = vector.broadcast %shift_right_logical3A_593 : i32 to vector<32x3200xi32>
    %shift_right_logical3A_595 = arith.shrui %xor3A_588, %shift_right_logical3A_594 : vector<32x3200xi32>
    %or3A_596 = arith.ori %shift_left3A_592, %shift_right_logical3A_595 : vector<32x3200xi32>
    %xor3A_597 = arith.xori %or3A_596, %add3A_589 : vector<32x3200xi32>
    %add3A_598 = arith.constant -765416504 : i32
    %add3A_599 = vector.broadcast %add3A_598 : i32 to vector<32x3200xi32>
    %add3A_600 = arith.addi %add3A_589, %add3A_599 : vector<32x3200xi32>
    %add3A_601 = arith.constant -1944951124 : i32
    %add3A_602 = vector.broadcast %add3A_601 : i32 to vector<32x3200xi32>
    %add3A_603 = arith.addi %xor3A_597, %add3A_602 : vector<32x3200xi32>
    %add3A_604 = arith.constant 2 : i32
    %add3A_605 = vector.broadcast %add3A_604 : i32 to vector<32x3200xi32>
    %add3A_606 = arith.addi %add3A_603, %add3A_605 : vector<32x3200xi32>
    %add3A_607 = arith.addi %add3A_600, %add3A_606 : vector<32x3200xi32>
    %shift_left3A_608 = arith.constant 13 : i32
    %shift_left3A_609 = vector.broadcast %shift_left3A_608 : i32 to vector<32x3200xi32>
    %shift_left3A_610 = arith.shli %add3A_606, %shift_left3A_609 : vector<32x3200xi32>
    %shift_right_logical3A_611 = arith.constant 19 : i32
    %shift_right_logical3A_612 = vector.broadcast %shift_right_logical3A_611 : i32 to vector<32x3200xi32>
    %shift_right_logical3A_613 = arith.shrui %add3A_606, %shift_right_logical3A_612 : vector<32x3200xi32>
    %or3A_614 = arith.ori %shift_left3A_610, %shift_right_logical3A_613 : vector<32x3200xi32>
    %xor3A_615 = arith.xori %or3A_614, %add3A_607 : vector<32x3200xi32>
    %add3A_616 = arith.addi %add3A_607, %xor3A_615 : vector<32x3200xi32>
    %shift_left3A_617 = arith.constant 15 : i32
    %shift_left3A_618 = vector.broadcast %shift_left3A_617 : i32 to vector<32x3200xi32>
    %shift_left3A_619 = arith.shli %xor3A_615, %shift_left3A_618 : vector<32x3200xi32>
    %shift_right_logical3A_620 = arith.constant 17 : i32
    %shift_right_logical3A_621 = vector.broadcast %shift_right_logical3A_620 : i32 to vector<32x3200xi32>
    %shift_right_logical3A_622 = arith.shrui %xor3A_615, %shift_right_logical3A_621 : vector<32x3200xi32>
    %or3A_623 = arith.ori %shift_left3A_619, %shift_right_logical3A_622 : vector<32x3200xi32>
    %xor3A_624 = arith.xori %or3A_623, %add3A_616 : vector<32x3200xi32>
    %add3A_625 = arith.addi %add3A_616, %xor3A_624 : vector<32x3200xi32>
    %shift_left3A_626 = arith.constant 26 : i32
    %shift_left3A_627 = vector.broadcast %shift_left3A_626 : i32 to vector<32x3200xi32>
    %shift_left3A_628 = arith.shli %xor3A_624, %shift_left3A_627 : vector<32x3200xi32>
    %shift_right_logical3A_629 = arith.constant 6 : i32
    %shift_right_logical3A_630 = vector.broadcast %shift_right_logical3A_629 : i32 to vector<32x3200xi32>
    %shift_right_logical3A_631 = arith.shrui %xor3A_624, %shift_right_logical3A_630 : vector<32x3200xi32>
    %or3A_632 = arith.ori %shift_left3A_628, %shift_right_logical3A_631 : vector<32x3200xi32>
    %xor3A_633 = arith.xori %or3A_632, %add3A_625 : vector<32x3200xi32>
    %add3A_634 = arith.addi %add3A_625, %xor3A_633 : vector<32x3200xi32>
    %shift_left3A_635 = arith.constant 6 : i32
    %shift_left3A_636 = vector.broadcast %shift_left3A_635 : i32 to vector<32x3200xi32>
    %shift_left3A_637 = arith.shli %xor3A_633, %shift_left3A_636 : vector<32x3200xi32>
    %shift_right_logical3A_638 = arith.constant 26 : i32
    %shift_right_logical3A_639 = vector.broadcast %shift_right_logical3A_638 : i32 to vector<32x3200xi32>
    %shift_right_logical3A_640 = arith.shrui %xor3A_633, %shift_right_logical3A_639 : vector<32x3200xi32>
    %or3A_641 = arith.ori %shift_left3A_637, %shift_right_logical3A_640 : vector<32x3200xi32>
    %xor3A_642 = arith.xori %or3A_641, %add3A_634 : vector<32x3200xi32>
    %add3A_643 = arith.constant -1944951124 : i32
    %add3A_644 = vector.broadcast %add3A_643 : i32 to vector<32x3200xi32>
    %add3A_645 = arith.addi %add3A_634, %add3A_644 : vector<32x3200xi32>
    %add3A_646 = arith.constant 1168365246 : i32
    %add3A_647 = vector.broadcast %add3A_646 : i32 to vector<32x3200xi32>
    %add3A_648 = arith.addi %xor3A_642, %add3A_647 : vector<32x3200xi32>
    %add3A_649 = arith.constant 3 : i32
    %add3A_650 = vector.broadcast %add3A_649 : i32 to vector<32x3200xi32>
    %add3A_651 = arith.addi %add3A_648, %add3A_650 : vector<32x3200xi32>
    %add3A_652 = arith.addi %add3A_645, %add3A_651 : vector<32x3200xi32>
    %shift_left3A_653 = arith.constant 17 : i32
    %shift_left3A_654 = vector.broadcast %shift_left3A_653 : i32 to vector<32x3200xi32>
    %shift_left3A_655 = arith.shli %add3A_651, %shift_left3A_654 : vector<32x3200xi32>
    %shift_right_logical3A_656 = arith.constant 15 : i32
    %shift_right_logical3A_657 = vector.broadcast %shift_right_logical3A_656 : i32 to vector<32x3200xi32>
    %shift_right_logical3A_658 = arith.shrui %add3A_651, %shift_right_logical3A_657 : vector<32x3200xi32>
    %or3A_659 = arith.ori %shift_left3A_655, %shift_right_logical3A_658 : vector<32x3200xi32>
    %xor3A_660 = arith.xori %or3A_659, %add3A_652 : vector<32x3200xi32>
    %add3A_661 = arith.addi %add3A_652, %xor3A_660 : vector<32x3200xi32>
    %shift_left3A_662 = arith.constant 29 : i32
    %shift_left3A_663 = vector.broadcast %shift_left3A_662 : i32 to vector<32x3200xi32>
    %shift_left3A_664 = arith.shli %xor3A_660, %shift_left3A_663 : vector<32x3200xi32>
    %shift_right_logical3A_665 = arith.constant 3 : i32
    %shift_right_logical3A_666 = vector.broadcast %shift_right_logical3A_665 : i32 to vector<32x3200xi32>
    %shift_right_logical3A_667 = arith.shrui %xor3A_660, %shift_right_logical3A_666 : vector<32x3200xi32>
    %or3A_668 = arith.ori %shift_left3A_664, %shift_right_logical3A_667 : vector<32x3200xi32>
    %xor3A_669 = arith.xori %or3A_668, %add3A_661 : vector<32x3200xi32>
    %add3A_670 = arith.addi %add3A_661, %xor3A_669 : vector<32x3200xi32>
    %shift_left3A_671 = arith.constant 16 : i32
    %shift_left3A_672 = vector.broadcast %shift_left3A_671 : i32 to vector<32x3200xi32>
    %shift_left3A_673 = arith.shli %xor3A_669, %shift_left3A_672 : vector<32x3200xi32>
    %shift_right_logical3A_674 = arith.constant 16 : i32
    %shift_right_logical3A_675 = vector.broadcast %shift_right_logical3A_674 : i32 to vector<32x3200xi32>
    %shift_right_logical3A_676 = arith.shrui %xor3A_669, %shift_right_logical3A_675 : vector<32x3200xi32>
    %or3A_677 = arith.ori %shift_left3A_673, %shift_right_logical3A_676 : vector<32x3200xi32>
    %xor3A_678 = arith.xori %or3A_677, %add3A_670 : vector<32x3200xi32>
    %add3A_679 = arith.addi %add3A_670, %xor3A_678 : vector<32x3200xi32>
    %shift_left3A_680 = arith.constant 24 : i32
    %shift_left3A_681 = vector.broadcast %shift_left3A_680 : i32 to vector<32x3200xi32>
    %shift_left3A_682 = arith.shli %xor3A_678, %shift_left3A_681 : vector<32x3200xi32>
    %shift_right_logical3A_683 = arith.constant 8 : i32
    %shift_right_logical3A_684 = vector.broadcast %shift_right_logical3A_683 : i32 to vector<32x3200xi32>
    %shift_right_logical3A_685 = arith.shrui %xor3A_678, %shift_right_logical3A_684 : vector<32x3200xi32>
    %or3A_686 = arith.ori %shift_left3A_682, %shift_right_logical3A_685 : vector<32x3200xi32>
    %xor3A_687 = arith.xori %or3A_686, %add3A_679 : vector<32x3200xi32>
    %add3A_688 = arith.constant 1168365246 : i32
    %add3A_689 = vector.broadcast %add3A_688 : i32 to vector<32x3200xi32>
    %add3A_690 = arith.addi %add3A_679, %add3A_689 : vector<32x3200xi32>
    %add3A_691 = arith.constant -765416504 : i32
    %add3A_692 = vector.broadcast %add3A_691 : i32 to vector<32x3200xi32>
    %add3A_693 = arith.addi %xor3A_687, %add3A_692 : vector<32x3200xi32>
    %add3A_694 = arith.constant 4 : i32
    %add3A_695 = vector.broadcast %add3A_694 : i32 to vector<32x3200xi32>
    %add3A_696 = arith.addi %add3A_693, %add3A_695 : vector<32x3200xi32>
    %add3A_697 = arith.addi %add3A_690, %add3A_696 : vector<32x3200xi32>
    %shift_left3A_698 = arith.constant 13 : i32
    %shift_left3A_699 = vector.broadcast %shift_left3A_698 : i32 to vector<32x3200xi32>
    %shift_left3A_700 = arith.shli %add3A_696, %shift_left3A_699 : vector<32x3200xi32>
    %shift_right_logical3A_701 = arith.constant 19 : i32
    %shift_right_logical3A_702 = vector.broadcast %shift_right_logical3A_701 : i32 to vector<32x3200xi32>
    %shift_right_logical3A_703 = arith.shrui %add3A_696, %shift_right_logical3A_702 : vector<32x3200xi32>
    %or3A_704 = arith.ori %shift_left3A_700, %shift_right_logical3A_703 : vector<32x3200xi32>
    %xor3A_705 = arith.xori %or3A_704, %add3A_697 : vector<32x3200xi32>
    %add3A_706 = arith.addi %add3A_697, %xor3A_705 : vector<32x3200xi32>
    %shift_left3A_707 = arith.constant 15 : i32
    %shift_left3A_708 = vector.broadcast %shift_left3A_707 : i32 to vector<32x3200xi32>
    %shift_left3A_709 = arith.shli %xor3A_705, %shift_left3A_708 : vector<32x3200xi32>
    %shift_right_logical3A_710 = arith.constant 17 : i32
    %shift_right_logical3A_711 = vector.broadcast %shift_right_logical3A_710 : i32 to vector<32x3200xi32>
    %shift_right_logical3A_712 = arith.shrui %xor3A_705, %shift_right_logical3A_711 : vector<32x3200xi32>
    %or3A_713 = arith.ori %shift_left3A_709, %shift_right_logical3A_712 : vector<32x3200xi32>
    %xor3A_714 = arith.xori %or3A_713, %add3A_706 : vector<32x3200xi32>
    %add3A_715 = arith.addi %add3A_706, %xor3A_714 : vector<32x3200xi32>
    %shift_left3A_716 = arith.constant 26 : i32
    %shift_left3A_717 = vector.broadcast %shift_left3A_716 : i32 to vector<32x3200xi32>
    %shift_left3A_718 = arith.shli %xor3A_714, %shift_left3A_717 : vector<32x3200xi32>
    %shift_right_logical3A_719 = arith.constant 6 : i32
    %shift_right_logical3A_720 = vector.broadcast %shift_right_logical3A_719 : i32 to vector<32x3200xi32>
    %shift_right_logical3A_721 = arith.shrui %xor3A_714, %shift_right_logical3A_720 : vector<32x3200xi32>
    %or3A_722 = arith.ori %shift_left3A_718, %shift_right_logical3A_721 : vector<32x3200xi32>
    %xor3A_723 = arith.xori %or3A_722, %add3A_715 : vector<32x3200xi32>
    %add3A_724 = arith.addi %add3A_715, %xor3A_723 : vector<32x3200xi32>
    %shift_left3A_725 = arith.constant 6 : i32
    %shift_left3A_726 = vector.broadcast %shift_left3A_725 : i32 to vector<32x3200xi32>
    %shift_left3A_727 = arith.shli %xor3A_723, %shift_left3A_726 : vector<32x3200xi32>
    %shift_right_logical3A_728 = arith.constant 26 : i32
    %shift_right_logical3A_729 = vector.broadcast %shift_right_logical3A_728 : i32 to vector<32x3200xi32>
    %shift_right_logical3A_730 = arith.shrui %xor3A_723, %shift_right_logical3A_729 : vector<32x3200xi32>
    %or3A_731 = arith.ori %shift_left3A_727, %shift_right_logical3A_730 : vector<32x3200xi32>
    %xor3A_732 = arith.xori %or3A_731, %add3A_724 : vector<32x3200xi32>
    %add3A_733 = arith.constant -765416504 : i32
    %add3A_734 = vector.broadcast %add3A_733 : i32 to vector<32x3200xi32>
    %add3A_735 = arith.addi %add3A_724, %add3A_734 : vector<32x3200xi32>
    %add3A_736 = arith.constant -1944951124 : i32
    %add3A_737 = vector.broadcast %add3A_736 : i32 to vector<32x3200xi32>
    %add3A_738 = arith.addi %xor3A_732, %add3A_737 : vector<32x3200xi32>
    %add3A_739 = arith.constant 5 : i32
    %add3A_740 = vector.broadcast %add3A_739 : i32 to vector<32x3200xi32>
    %add3A_741 = arith.addi %add3A_738, %add3A_740 : vector<32x3200xi32>
    %xor3A_742 = arith.xori %add3A_735, %add3A_741 : vector<32x3200xi32>
    %bitcast_convert_type3A_743 = tpu.bitcast %xor3A_742 : vector<32x3200xi32> -> vector<32x3200xi32>
    %convert_element_type3A_744 = arith.uitofp %xor3A_742 : vector<32x3200xi32> to vector<32x3200xf32>
    %mul3A_745 = arith.constant 9.99999974E-6 : f32
    %mul3A_746 = vector.broadcast %mul3A_745 : f32 to vector<32x3200xf32>
    %mul3A_747 = arith.mulf %convert_element_type3A_744, %mul3A_746 : vector<32x3200xf32>
    %convert_element_type3A_748 = arith.fptosi %mul3A_747 : vector<32x3200xf32> to vector<32x3200xi32>
    %mul3A_749 = arith.constant 100000 : i32
    %mul3A_750 = vector.broadcast %mul3A_749 : i32 to vector<32x3200xi32>
    %mul3A_751 = arith.muli %convert_element_type3A_748, %mul3A_750 : vector<32x3200xi32>
    %sub3A_752 = arith.subi %bitcast_convert_type3A_743, %mul3A_751 : vector<32x3200xi32>
    %lt3A = arith.constant 0 : i32
    %lt3A_753 = vector.broadcast %lt3A : i32 to vector<32x3200xi32>
    %lt3A_754 = arith.cmpi slt, %sub3A_752, %lt3A_753 : vector<32x3200xi32>
    %add3A_755 = arith.constant 100000 : i32
    %add3A_756 = vector.broadcast %add3A_755 : i32 to vector<32x3200xi32>
    %add3A_757 = arith.addi %sub3A_752, %add3A_756 : vector<32x3200xi32>
    %select_n3A = arith.select %lt3A_754, %add3A_757, %sub3A_752 : vector<32x3200xi1>, vector<32x3200xi32>
    %ge3A = arith.constant 100000 : i32
    %ge3A_758 = vector.broadcast %ge3A : i32 to vector<32x3200xi32>
    %ge3A_759 = arith.cmpi sge, %select_n3A, %ge3A_758 : vector<32x3200xi32>
    %sub3A_760 = arith.constant 100000 : i32
    %sub3A_761 = vector.broadcast %sub3A_760 : i32 to vector<32x3200xi32>
    %sub3A_762 = arith.subi %select_n3A, %sub3A_761 : vector<32x3200xi32>
    %select_n3A_763 = arith.select %ge3A_759, %sub3A_762, %select_n3A : vector<32x3200xi1>, vector<32x3200xi32>
    %convert_element_type3A_764 = arith.sitofp %select_n3A_763 : vector<32x3200xi32> to vector<32x3200xf32>
    %get3A_765 = arith.constant 0 : index
    %get3A_766 = arith.constant 0 : index
    %get3A_767 = vector.load %arg2[%get3A_765, %get3A_766] : memref<32x3200xf32, #tpu.memory_space<vmem>>, vector<32x3200xf32>
    %select_n3A_768 = arith.select %le3A, %convert_element_type3A_764, %get3A_767 : vector<32x3200xi1>, vector<32x3200xf32>
    %swap3A = arith.constant 0 : index
    %swap3A_769 = arith.constant 0 : index
    %swap3A_770 = vector.load %arg3[%swap3A, %swap3A_769] : memref<32x3200xf32, #tpu.memory_space<vmem>>, vector<32x3200xf32>
    tpu.vector_store %arg3[%swap3A, %swap3A_769], %select_n3A_768 {strides = array<i32>} : memref<32x3200xf32, #tpu.memory_space<vmem>>, vector<32x3200xf32>,
    return
  }
  func.func @transform_0(%arg0: i32) -> (i32, i32) {
    %c0_i32 = arith.constant 0 : i32
    %c0_i32_0 = arith.constant 0 : i32
    %c0_i32_1 = arith.constant 0 : i32
    return %c0_i32, %c0_i32_0 : i32, i32
  }
  func.func @transform_1(%arg0: i32) -> (i32, i32) {
    %c0_i32 = arith.constant 0 : i32
    %c0_i32_0 = arith.constant 0 : i32
    return %arg0, %c0_i32 : i32, i32
  }
  func.func @transform_2(%arg0: i32) -> (i32, i32) {
    %c0_i32 = arith.constant 0 : i32
    %c0_i32_0 = arith.constant 0 : i32
    return %arg0, %c0_i32 : i32, i32
  }
}

</mosaic_0001>

<sc_bundles>
// kernel: kernel.5.cloned.1.call-start
scs
__scs_entry_jumppad:
0x0: {  	(pc) =	sbr.rel $0x88, $3  }
0x1: {  	(tag) =	ssettag $0x0;
	lr =	simm.s32 $0x1  }
0x2: {  	[smem:$0x3FA0] =	sst lr;
	_ =	strace $0xD0000000  }
0x3: {  	_ = 	snop  }
0x4: {  	_ = 	snop  }
0x5: {  	_ = 	snop  }
0x6: {  	_ = 	snop  }
0x7: {  	_ = 	snop  }
__scs_overlays_trampoline_lowered:
0x8: {  	[smem:$0x3FAF] =	sst s0  }
0x9: {  	[smem:$0x3FB0] =	sst s1  }
0xa: {  	[smem:$0x3FB1] =	sst s2  }
0xb: {  	[smem:$0x3FB2] =	sst s3  }
0xc: {  	[smem:$0x3FB3] =	sst s4  }
0xd: {  	[smem:$0x3FB4] =	sst s5  }
0xe: {  	[smem:$0x3FB5] =	sst s6  }
0xf: {  	[smem:$0x3FB6] =	sst s7  }
0x10: {  	[smem:$0x3FB7] =	sst s8  }
0x11: {  	[smem:$0x3FB8] =	sst s9;
	s0 =	simm.s32 @!p0 $0x0  }
0x12: {  	s1 =	sld [smem:$0x3F9E];
	s0 =	simm.s32 @p0 $0x1  }
0x13: {  	[smem:$0x3FB9] =	sst s0;
	s0 =	simm.s32 @!p1 $0x0  }
0x14: {  	s2 =	sld [smem:$0x3F9D];
	s0 =	simm.s32 @p1 $0x1  }
0x15: {  	[smem:$0x3FBA] =	sst s0;
	s0 =	simm.s32 @!p2 $0x0  }
0x16: {  	s3 =	sld [smem:$0x3FDB];
	s0 =	simm.s32 @p2 $0x1  }
0x17: {  	s4 =	simm.s32 $0x1BF5;
	[smem:$0x3FBC] =	sst s0  }
0x18: {  	s0 =	sld [smem:$0x3F9F];
	_ =	swait.ge [sflag:s4], $0x0  }
0x19: {  	s7 =	sld [smem:$0x3FA0]  }
0x1a: {  	s8 =	sadd.s32 $0xFFFFE003, lr  }
0x1b: {  	s9 =	sadd.s32 $0xFFFFFEF7, lr;
	s5 =	simm.s32 $0xFFFFFFFF;
	p2 =	slt.u32 s8, $0xFFFFF086  }
0x1c: {  	p1 =	slt.u32 s9, $0xF7A;
	s5 =	simm.s32 @!p2 $0x0  }
0x1d: {  	s5 =	simm.s32 @p1 $0x1;
	p0 =	seq.s32 s7, s2  }
0x1e: {  	s7 =	smul.u32 @!p0 $0xF7A, s2;
	p2 =	seq.s32 @!p0 s5, $0x0  }
0x1f: {  	s9 =	smul.u32 $0xF7A, s1;
	s8 =	simm.s32 @!p0 $0x1BF5;
	p2 =	por !p2, p0  }
0x20: {  	[sflag:s8] =	ssyncset.s32 @!p0 $0xFFFFF086;
	s6 =	sadd.s32 @!p0 s3, s7;
	s7 =	simm.s32 @!p0 $0x108  }
0x21: {  	s3 =	sadd.s32 s3, s9;
	s6 =	sadd.s32 @!p0 $0x88, s6;
	s7 =	simm.s32 @p2 $0x1082  }
0x22: {  	[simem:s7], [sflag:s8] =	dma.local @!p0 [hbm:s6], $0xF7A  }
0x23: {  	s9 =	sor.u32 $0xD0000000, s2;
	s6 =	simm.s32 $0x108;
	_ =	swait.ge @!p0 [sflag:s8], $0x0  }
0x24: {  	s3 =	sadd.s32 $0x88, s3;
	s6 =	simm.s32 @!p1 $0x1082;
	[sflag:s4] =	ssyncset.s32 $0xFFFFF086  }
0x25: {  	[simem:s6], [sflag:s4] =	dma.local [hbm:s3], $0xF7A  }
0x26: {  	[smem:$0x3FA0] =	sst s1;
	(tag) =	ssettag s2;
	_ =	strace s9  }
0x27: {  	s1 =	sld [smem:$0x3FB0]  }
0x28: {  	s2 =	sld [smem:$0x3FB1]  }
0x29: {  	s4 =	sld [smem:$0x3FB3]  }
0x2a: {  	p0 =	seq.s32 s5, $0x0;
	s5 =	sld [smem:$0x3FB4]  }
0x2b: {  	s6 =	sld [smem:$0x3FB5]  }
0x2c: {  	s7 =	sld [smem:$0x3FB6]  }
0x2d: {  	s3 =	simm.s32 $0x108;
	s8 =	sld [smem:$0x3FB7]  }
0x2e: {  	s3 =	simm.s32 @!p0 $0x1082;
	s9 =	sld [smem:$0x3FB8]  }
0x2f: {  	lr =	sadd.s32 s0, s3;
	s0 =	sld [smem:$0x3FAF]  }
0x30: {  	s3 =	sld [smem:$0x3FB2]  }
0x31: {  	[smem:$0x3FBB] =	sst s10  }
0x32: {  	s10 =	sld [smem:$0x3FB9];
	_ =	sdelay $0x3  }
0x33: {  	p0 =	seq.s32 s10, $0x1;
	s10 =	sld [smem:$0x3FBB];
	_ =	sdelay $0x3  }
0x34: {  	[smem:$0x3FBB] =	sst s10  }
0x35: {  	s10 =	sld [smem:$0x3FBA];
	_ =	sdelay $0x3  }
0x36: {  	p1 =	seq.s32 s10, $0x1;
	s10 =	sld [smem:$0x3FBB];
	_ =	sdelay $0x3  }
0x37: {  	[smem:$0x3FBB] =	sst s10  }
0x38: {  	s10 =	sld [smem:$0x3FBC]  }
0x39: {  	_ = 	snop;
	(pc) =	sbr.ind lr, $3  }
0x3a: {  	_ = 	snop  }
0x3b: {  	_ = 	snop  }
0x3c: {  	p2 =	seq.s32 s10, $0x1;
	s10 =	sld [smem:$0x3FBB]  }
0x3d: {  	_ =	shalt  }
0x3e: {  	_ =	shalt  }
0x3f: {  	_ =	shalt  }
0x40: {  	_ =	shalt  }
0x41: {  	_ =	shalt  }
0x42: {  	_ =	shalt  }
0x43: {  	_ =	shalt  }
0x44: {  	_ =	shalt  }
0x45: {  	_ =	shalt  }
0x46: {  	_ =	shalt  }
0x47: {  	_ =	shalt  }
0x48: {  	_ =	shalt  }
0x49: {  	_ =	shalt  }
0x4a: {  	_ =	shalt  }
0x4b: {  	_ =	shalt  }
0x4c: {  	_ =	shalt  }
0x4d: {  	_ =	shalt  }
0x4e: {  	_ =	shalt  }
0x4f: {  	_ =	shalt  }
0x50: {  	_ =	shalt  }
0x51: {  	_ =	shalt  }
0x52: {  	_ =	shalt  }
0x53: {  	_ =	shalt  }
0x54: {  	_ =	shalt  }
0x55: {  	_ =	shalt  }
0x56: {  	_ =	shalt  }
0x57: {  	_ =	shalt  }
0x58: {  	_ =	shalt  }
0x59: {  	_ =	shalt  }
0x5a: {  	_ =	shalt  }
0x5b: {  	_ =	shalt  }
0x5c: {  	_ =	shalt  }
0x5d: {  	_ =	shalt  }
0x5e: {  	_ =	shalt  }
0x5f: {  	_ =	shalt  }
0x60: {  	_ =	shalt  }
0x61: {  	_ =	shalt  }
0x62: {  	_ =	shalt  }
0x63: {  	_ =	shalt  }
0x64: {  	_ =	shalt  }
0x65: {  	_ =	shalt  }
0x66: {  	_ =	shalt  }
0x67: {  	_ =	shalt  }
0x68: {  	_ =	shalt  }
0x69: {  	_ =	shalt  }
0x6a: {  	_ =	shalt  }
0x6b: {  	_ =	shalt  }
0x6c: {  	_ =	shalt  }
0x6d: {  	_ =	shalt  }
0x6e: {  	_ =	shalt  }
0x6f: {  	_ =	shalt  }
0x70: {  	_ =	shalt  }
0x71: {  	_ =	shalt  }
0x72: {  	_ =	shalt  }
0x73: {  	_ =	shalt  }
0x74: {  	_ =	shalt  }
0x75: {  	_ =	shalt  }
0x76: {  	_ =	shalt  }
0x77: {  	_ =	shalt  }
0x78: {  	_ =	shalt  }
0x79: {  	_ =	shalt  }
0x7a: {  	_ =	shalt  }
0x7b: {  	_ =	shalt  }
0x7c: {  	_ =	shalt  }
0x7d: {  	_ =	shalt  }
0x7e: {  	_ =	shalt  }
0x7f: {  	_ =	shalt  }
0x80: {  	_ =	shalt  }
0x81: {  	_ =	shalt  }
0x82: {  	_ =	shalt  }
0x83: {  	_ =	shalt  }
0x84: {  	_ =	shalt  }
0x85: {  	_ =	shalt  }
0x86: {  	_ =	shalt  }
0x87: {  	_ =	shalt  }
.Lfunc_end0:
.L_simem_size_0:
called_computation_lowered:
.L_overlay_start_0:
0x88: {  	s2 =	sld [smem:$0x3FD9]  }
0x89: {  	s3 =	sld [smem:$0x3FFE];
	_ =	sdelay $0x1  }
0x8a: {  	s1 =	srdreg.scid  }
0x8b: {  	s0 =	sand.u32 $0x1, s1  }
0x8c: {  	s17 =	sshll.u32 s0, $0xA;
	s2 =	sadd.s32 s3, s2  }
0x8d: {  	s2 =	sadd.s32 s2, s17  }
0x8e: {  	[smem:$0x3FC7] =	sst s2  }
0x8f: {  	_ = 	snop  }
0x90: {  	s2 =	sld [smem:$0x3FD0];
	(tm) =	ssettm $0x1  }
0x91: {  	s18 =	sld [smem:$0x3FFB];
	_ =	sdelay $0x3  }
0x92: {  	_ =	strace s18  }
0x93: {  	s3 =	sld [smem:$0x3FFC];
	_ =	sdelay $0x3  }
0x94: {  	_ =	strace s3  }
0x95: {  	s3 =	sld [smem:$0x3FFD];
	_ =	sdelay $0x3  }
0x96: {  	_ =	strace s3  }
0x97: {  	_ =	strace $0x8FFFFFFF  }
0x98: {  	s19 =	sld [smem:$0x3FDB];
	_ =	sdelay $0x1  }
0x99: {  	s4 =	simm.s32 $_scs_section_size  }
0x9a: {  	s5 =	simm.s32 $_size__tile_overlayer_lowered;
	s6 =	simm.s32 $_tile_overlayer_lowered  }
0x9b: {  	s22 =	simm.s32 $0x1BFF;
	s21 =	sshll.u32 s6, $0x1;
	s3 =	sadd.s32 s4, s19  }
0x9c: {  	s7 =	simm.s32 $0x0;
	s20 =	sshll.u32 s5, $0x1;
	s5 =	sadd.s32 s21, s3  }
0x9d: {  	[timem:s7], [sflag:s22] =	dma.local [hbm:s5], s20  }
0x9e: {  	_ =	swait.ge [sflag:s22], s20  }
0x9f: {  	s4 =	ssub.s32 $0x0, s20;
	[sflag:s22] =	ssyncset.done $0x0  }
0xa0: {  	[sflag:s22] =	ssyncadd.s32 s4;
	_ =	sdelay $0x1  }
0xa1: {  	s23 =	simm.s32 $0x1B8B  }
0xa2: {  	_ =	swait.ge [sflag:s23], $0x1  }
0xa3: {  	[sflag:s23] =	ssyncset.done $0x0  }
0xa4: {  	s25 =	simm.s32 $0x1B8E;
	s24 =	sld [smem:$0x3FFE];
	[sflag:s23] =	ssyncadd.s32 $0xFFFFFFFF  }
0xa5: {  	s26 =	simm.s32 $execute0_lowered;
	[smem:$0x3FD2] =	sst s25  }
0xa6: {  	s5 =	sshll.u32 s26, $0x1;
	_ =	strace $0x80000046;
	[dreg:$0x1] =	wrdreg $0xFFFFFFFF  }
0xa7: {  	s28 =	simm.s32 $_size_execute0_lowered;
	s3 =	sadd.s32 s3, s5;
	[dreg:$0x0] =	wrdreg $0x0  }
0xa8: {  	s5 =	sshll.u32 s28, $0x1;
	[dreg:$0x2] =	wrdreg s3  }
0xa9: {  	[dreg:$0x3] =	wrdreg s5  }
0xaa: {  	[dreg:$0x4] =	wrdreg $0xC0  }
0xab: {  	_ =	task [dreg:s7], $0x5FFFF  }
0xac: {  	[dreg:$0x1] =	wrdreg $0xFFFFFFFF  }
0xad: {  	[dreg:$0x0] =	wrdreg $0x60  }
0xae: {  	[dreg:$0x2] =	wrdreg s2  }
0xaf: {  	[dreg:$0x3] =	wrdreg s24  }
0xb0: {  	[dreg:$0x4] =	wrdreg $0x9  }
0xb1: {  	_ =	task.clear_ibuf [dreg:s7], $0x5FFFF;
	_ =	strace $0x90000046  }
0xb2: {  	s29 =	simm.s32 $0x9;
	_ =	strace $0x80000048  }
0xb3: {  	_ =	swait.ge [sflag:s29], $0x1  }
0xb4: {  	[sflag:s29] =	ssyncadd.s32 $0xFFFFFFFF  }
0xb5: {  	_ =	strace $0x90000048  }
0xb6: {  	_ =	sfence  }
0xb7: {  	s30 =	sld [smem:$0x0];
	_ =	sdelay $0x2  }
0xb8: {  	s31 =	sshll.u32 s1, $0xD;
	s1 =	sshrl.u32 s1, $0x2  }
0xb9: {  	s3 =	sand.u32 $0x4000, s31;
	s1 =	sadd.s32 s1, s30  }
0xba: {  	s0 =	sor.u32 s3, s0;
	s1 =	sshll.u32 s1, $0x11  }
0xbb: {  	s0 =	sor.u32 s1, s0  }
0xbc: {  	s0 =	sadd.s32 $0x8F2B, s0  }
0xbd: {  	[sflag:s0] =	ssyncadd.remote.s32 $0x1  }
0xbe: {  	_ =	sfence.sel $0xFFFF  }
0xbf: {  	[dreg:$0x0] =	wrdreg $0xFFFFFFFF;
	(pc) =	sbr.abs _section_cstart, $3  }
0xc0: {  	[dreg:$0x1] =	wrdreg $0xFFFFFFFF  }
0xc1: {  	_ =	task.clear_ibuf [dreg:s7], $0x2FFFF;
	_ =	strace $0x9FFFFFFF  }
0xc2: {  	(tm) =	ssettm $0x7FFFFFFF  }
0xc3: {  	_ =	shalt  }
tec
execute0_lowered:
.L_overlay_start_1:
0x0: {  	(tag) =	ssettag $0x1  }
0x1: {  	s1 =	srdreg.scid  }
0x2: {  	s0 =	stileid.u32;
	s3 =	rddreg [dreg:$0x0]  }
0x3: {  	s5 =	rddreg [dreg:$0x1];
	s2 =	simm.s32 $0x0;
	s4 =	sand.u32 $0x1, s1  }
0x4: {  	s30 =	sshll.u32 s0, $0x1;
	s1 =	rddreg [dreg:$0x2];
	s7 =	smul.u32 $0x1900, s0  }
0x5: {  	s6 =	sor.u32 s4, s30;
	s8 =	ssub.s32 $0x2, s4;
	s4 =	smul.u32 $0xC80, s4  }
0x6: {  	[smem:$0x7FF] =	sst s2;
	s6 =	smul.u32 $0xC80, s6;
	s9 =	sshrl.u32 s8, $0x1  }
0x7: {  	_ =	strace $0x80000047;
	s8 =	ssub.s32 s8, s9;
	s31 =	sadd.s32 s4, s7  }
0x8: {  	s7 =	simm.s32 $0x1;
	s9 =	simm.s32 $0x0;
	s6 =	sshrl.u32 s6, $0x3  }
0x9: {  	v0 =	vlaneseq.u32;
	s5 =	sadd.s32 s6, s5;
	s3 =	sadd.s32 s3, s6;
	s6 =	sadd.s32 $0xAF000, s31  }
0xa: {  	v1 =	vadd.s32 $0x45A3D6BE, v0;
	v2 =	vadd.s32 $0xD1B63D6A, v0;
	s4 =	sadd.s32 $0xC00, s5;
	s5 =	smax.u32 s8, $0x1;
	s8 =	simm.s32 $0xC80  }
.LBB2_1:
0xb: {  	v3 =	vor.u32 s6, v0  }
0xc: {  	v5 =	vadd.s32 s6, v1;
	v4 =	vcvt.s32.f32 v3  }
0xd: {  	v6 =	vshrl.u32 v5, $0x13;
	v5 =	vshll.u32 v5, $0xD  }
0xe: {  	v7 =	vadd.s32 s6, v2;
	v5 =	vor.u32 v6, v5;
	v4 =	vmul.f32 $4.999999890e-03, v4  }
0xf: {  	v5 =	vxor.u32 v7, v5  }
0x10: {  	v6 =	vshrl.u32 v5, $0x11;
	v8 =	vshll.u32 v5, $0xF;
	v4 =	vtrunc.f32 v4  }
0x11: {  	v5 =	vadd.s32 v7, v5;
	v6 =	vor.u32 v6, v8;
	v4 =	vcvt.f32.s32 v4  }
0x12: {  	v6 =	vxor.u32 v5, v6  }
0x13: {  	v8 =	vshrl.u32 v6, $0x6;
	v9 =	vshll.u32 v6, $0x1A;
	v7 =	vmul.u32 $0x7FF38, v4  }
0x14: {  	v5 =	vadd.s32 v5, v6;
	v6 =	vor.u32 v8, v9  }
0x15: {  	v4 =	vshll.u32 v4, $0x1;
	v6 =	vxor.u32 v5, v6;
	v3 =	vadd.s32 v3, v7  }
0x16: {  	v7 =	vshrl.u32 v6, $0x1A;
	v8 =	vshll.u32 v6, $0x6;
	v3 =	vshll.u32 v3, $0xD  }
0x17: {  	v3 =	vadd.s32 v4, v3;
	v4 =	vadd.s32 v5, v6;
	v5 =	vor.u32 v7, v8  }
0x18: {  	v6 =	vadd.s32 $0x7D601BBD, v3;
	v5 =	vxor.u32 v4, v5  }
0x19: {  	v7 =	vadd.s32 $0x7D601BBC, v3;
	v8 =	vadd.s32 $0x1022172E, v3;
	v3 =	vadd.s32 $0x1022172D, v3  }
0x1a: {  	v5 =	vadd.s32 $0xD260ABC9, v5;
	v9 =	vshrl.u32 v8, $0x13;
	v8 =	vshll.u32 v8, $0xD  }
0x1b: {  	v11 =	vshrl.u32 v3, $0x13;
	v3 =	vshll.u32 v3, $0xD;
	v4 =	vadd.s32 v5, v4  }
0x1c: {  	v10 =	vshrl.u32 v5, $0xF;
	v5 =	vshll.u32 v5, $0x11;
	v8 =	vor.u32 v9, v8  }
0x1d: {  	v3 =	vor.u32 v11, v3;
	v4 =	vadd.s32 $0x45A3D6BE, v4;
	v5 =	vor.u32 v10, v5  }
0x1e: {  	v3 =	vxor.u32 v7, v3;
	v8 =	vxor.u32 v6, v8;
	v5 =	vxor.u32 v4, v5  }
0x1f: {  	v6 =	vadd.s32 v6, v8;
	v9 =	vshrl.u32 v8, $0x11;
	v8 =	vshll.u32 v8, $0xF  }
0x20: {  	v7 =	vadd.s32 v7, v3;
	v11 =	vshrl.u32 v3, $0x11;
	v3 =	vshll.u32 v3, $0xF  }
0x21: {  	v4 =	vadd.s32 v4, v5;
	v10 =	vshrl.u32 v5, $0x3;
	v5 =	vshll.u32 v5, $0x1D  }
0x22: {  	v3 =	vor.u32 v11, v3;
	v8 =	vor.u32 v9, v8;
	v5 =	vor.u32 v10, v5  }
0x23: {  	v3 =	vxor.u32 v7, v3;
	v8 =	vxor.u32 v6, v8;
	v5 =	vxor.u32 v4, v5  }
0x24: {  	v6 =	vadd.s32 v6, v8;
	v9 =	vshrl.u32 v8, $0x6;
	v8 =	vshll.u32 v8, $0x1A  }
0x25: {  	v7 =	vadd.s32 v7, v3;
	v11 =	vshrl.u32 v3, $0x6;
	v3 =	vshll.u32 v3, $0x1A  }
0x26: {  	v4 =	vadd.s32 v4, v5;
	v10 =	vshrl.u32 v5, $0x10;
	v5 =	vshll.u32 v5, $0x10  }
0x27: {  	v3 =	vor.u32 v11, v3;
	v8 =	vor.u32 v9, v8;
	v5 =	vor.u32 v10, v5  }
0x28: {  	v9 =	vxor.u32 v7, v3;
	v3 =	vxor.u32 v6, v8;
	v5 =	vxor.u32 v4, v5  }
0x29: {  	v6 =	vadd.s32 v6, v3;
	v8 =	vshrl.u32 v3, $0x1A;
	v10 =	vshll.u32 v3, $0x6  }
0x2a: {  	v3 =	vadd.s32 v7, v9;
	v7 =	vshrl.u32 v9, $0x1A;
	v9 =	vshll.u32 v9, $0x6  }
0x2b: {  	v11 =	vadd.s32 v4, v5;
	v4 =	vshrl.u32 v5, $0x8;
	v5 =	vshll.u32 v5, $0x18  }
0x2c: {  	v7 =	vor.u32 v7, v9;
	v8 =	vor.u32 v8, v10;
	v4 =	vor.u32 v4, v5  }
0x2d: {  	[tilespmem:s2], [sflag:$0x1] =	stream.linear.gather [hbm4b:s3+s2], $0xC80, $0x38;
	v5 =	vxor.u32 v3, v7;
	v7 =	vxor.u32 v6, v8;
	v8 =	vxor.u32 v11, v4;
	[tilespmem:$0x1900] =	vst v63  }
0x2e: {  	_ =	swait.ge [sflag:s7], $0xC80;
	v4 =	vadd.s32 $0x66CD0879, v5;
	v5 =	vadd.s32 $0x66CD0879, v7;
	v8 =	vadd.s32 $0x8C1266AE, v8  }
0x2f: {  	s11 =	simm.s32 $0x40;
	[sflag:s7] =	ssyncset.done $0x0;
	v6 =	vadd.s32 v5, v6;
	v7 =	vshrl.u32 v5, $0xF;
	v9 =	vshll.u32 v5, $0x11  }
0x30: {  	s10 =	simm.s32 $0x0;
	s12 =	smov.u32 s6;
	[sflag:s7] =	ssyncadd.s32 $0xFFFFF380;
	v10 =	vadd.s32 v8, v11;
	v5 =	vshrl.u32 v8, $0x13;
	v8 =	vshll.u32 v8, $0xD  }
.LBB2_2:
0x31: {  	p0 =	sne.s32 s11, $0x31C0;
	v3 =	vadd.s32 v4, v3;
	v11 =	vshrl.u32 v4, $0xF;
	v4 =	vshll.u32 v4, $0x11  }
0x32: {  	v6 =	vadd.s32 $0x1022172D, v6;
	v7 =	vor.u32 v7, v9;
	v9 =	vadd.s32 $0xD260ABC8, v10  }
0x33: {  	v5 =	vor.u32 v5, v8;
	v3 =	vadd.s32 $0x1022172D, v3;
	v4 =	vor.u32 v11, v4  }
0x34: {  	v7 =	vxor.u32 v6, v7;
	v5 =	vxor.u32 v9, v5;
	v4 =	vxor.u32 v3, v4  }
0x35: {  	v6 =	vadd.s32 v6, v7;
	v8 =	vshrl.u32 v7, $0x3;
	v7 =	vshll.u32 v7, $0x1D  }
0x36: {  	v9 =	vadd.s32 v9, v5;
	v10 =	vshrl.u32 v5, $0x11;
	v5 =	vshll.u32 v5, $0xF  }
0x37: {  	v3 =	vadd.s32 v3, v4;
	v11 =	vshrl.u32 v4, $0x3;
	v4 =	vshll.u32 v4, $0x1D  }
0x38: {  	v7 =	vor.u32 v8, v7;
	v5 =	vor.u32 v10, v5;
	v4 =	vor.u32 v11, v4  }
0x39: {  	v7 =	vxor.u32 v6, v7;
	v5 =	vxor.u32 v9, v5;
	v4 =	vxor.u32 v3, v4  }
0x3a: {  	v6 =	vadd.s32 v6, v7;
	v8 =	vshrl.u32 v7, $0x10;
	v7 =	vshll.u32 v7, $0x10  }
0x3b: {  	v9 =	vadd.s32 v9, v5;
	v10 =	vshrl.u32 v5, $0x6;
	v5 =	vshll.u32 v5, $0x1A  }
0x3c: {  	v3 =	vadd.s32 v3, v4;
	v11 =	vshrl.u32 v4, $0x10;
	v4 =	vshll.u32 v4, $0x10  }
0x3d: {  	v7 =	vor.u32 v8, v7;
	v5 =	vor.u32 v10, v5;
	v4 =	vor.u32 v11, v4  }
0x3e: {  	v7 =	vxor.u32 v6, v7;
	v5 =	vxor.u32 v9, v5;
	v4 =	vxor.u32 v3, v4  }
0x3f: {  	v6 =	vadd.s32 v6, v7;
	v8 =	vshrl.u32 v7, $0x8;
	v7 =	vshll.u32 v7, $0x18  }
0x40: {  	v9 =	vadd.s32 v9, v5;
	v10 =	vshrl.u32 v5, $0x1A;
	v5 =	vshll.u32 v5, $0x6  }
0x41: {  	v3 =	vadd.s32 v3, v4;
	v11 =	vshrl.u32 v4, $0x8;
	v4 =	vshll.u32 v4, $0x18  }
0x42: {  	v7 =	vor.u32 v8, v7;
	v5 =	vor.u32 v10, v5;
	v4 =	vor.u32 v11, v4  }
0x43: {  	v7 =	vxor.u32 v6, v7;
	v5 =	vxor.u32 v9, v5;
	v4 =	vxor.u32 v3, v4  }
0x44: {  	v7 =	vadd.s32 $0x6D3E0491, v7;
	v5 =	vadd.s32 $0x45A3D6C1, v5;
	v4 =	vadd.s32 $0x6D3E0491, v4  }
0x45: {  	v6 =	vadd.s32 v7, v6;
	v8 =	vshrl.u32 v7, $0x13;
	v7 =	vshll.u32 v7, $0xD  }
0x46: {  	v9 =	vadd.s32 v5, v9;
	v10 =	vshrl.u32 v5, $0xF;
	v5 =	vshll.u32 v5, $0x11  }
0x47: {  	v3 =	vadd.s32 v4, v3;
	v11 =	vshrl.u32 v4, $0x13;
	v4 =	vshll.u32 v4, $0xD  }
0x48: {  	v6 =	vadd.s32 $0x66CD0878, v6;
	v7 =	vor.u32 v8, v7;
	v8 =	vadd.s32 $0x8C1266AC, v9  }
0x49: {  	v5 =	vor.u32 v10, v5;
	v3 =	vadd.s32 $0x66CD0878, v3;
	v4 =	vor.u32 v11, v4  }
0x4a: {  	v7 =	vxor.u32 v6, v7;
	v5 =	vxor.u32 v8, v5;
	v4 =	vxor.u32 v3, v4  }
0x4b: {  	v6 =	vadd.s32 v6, v7;
	v9 =	vshrl.u32 v7, $0x11;
	v7 =	vshll.u32 v7, $0xF  }
0x4c: {  	v8 =	vadd.s32 v8, v5;
	v10 =	vshrl.u32 v5, $0x3;
	v5 =	vshll.u32 v5, $0x1D  }
0x4d: {  	v3 =	vadd.s32 v3, v4;
	v11 =	vshrl.u32 v4, $0x11;
	v4 =	vshll.u32 v4, $0xF  }
0x4e: {  	v7 =	vor.u32 v9, v7;
	v5 =	vor.u32 v10, v5;
	v4 =	vor.u32 v11, v4  }
0x4f: {  	v7 =	vxor.u32 v6, v7;
	v5 =	vxor.u32 v8, v5;
	v4 =	vxor.u32 v3, v4  }
0x50: {  	v6 =	vadd.s32 v6, v7;
	v9 =	vshrl.u32 v7, $0x6;
	v7 =	vshll.u32 v7, $0x1A  }
0x51: {  	v8 =	vadd.s32 v8, v5;
	v10 =	vshrl.u32 v5, $0x10;
	v5 =	vshll.u32 v5, $0x10  }
0x52: {  	v3 =	vadd.s32 v3, v4;
	v11 =	vshrl.u32 v4, $0x6;
	v4 =	vshll.u32 v4, $0x1A  }
0x53: {  	v7 =	vor.u32 v9, v7;
	v5 =	vor.u32 v10, v5;
	v4 =	vor.u32 v11, v4  }
0x54: {  	v7 =	vxor.u32 v6, v7;
	v5 =	vxor.u32 v8, v5;
	v4 =	vxor.u32 v3, v4  }
0x55: {  	v6 =	vadd.s32 v6, v7;
	v9 =	vshrl.u32 v7, $0x1A;
	v7 =	vshll.u32 v7, $0x6  }
0x56: {  	v8 =	vadd.s32 v8, v5;
	v10 =	vshrl.u32 v5, $0x8;
	v5 =	vshll.u32 v5, $0x18  }
0x57: {  	v3 =	vadd.s32 v3, v4;
	v11 =	vshrl.u32 v4, $0x1A;
	v4 =	vshll.u32 v4, $0x6  }
0x58: {  	v7 =	vor.u32 v9, v7;
	v5 =	vor.u32 v10, v5;
	v4 =	vor.u32 v11, v4  }
0x59: {  	v7 =	vxor.u32 v6, v7;
	v5 =	vxor.u32 v8, v5;
	v4 =	vxor.u32 v3, v4  }
0x5a: {  	v7 =	vadd.s32 $0x10221730, v7;
	v5 =	vadd.s32 $0xD260ABCC, v5;
	v4 =	vadd.s32 $0x10221730, v4  }
0x5b: {  	v6 =	vadd.s32 v7, v6;
	v9 =	vshrl.u32 v7, $0xF;
	v7 =	vshll.u32 v7, $0x11  }
0x5c: {  	v8 =	vadd.s32 v5, v8;
	v10 =	vshrl.u32 v5, $0x13;
	v5 =	vshll.u32 v5, $0xD  }
0x5d: {  	v3 =	vadd.s32 v4, v3;
	v11 =	vshrl.u32 v4, $0xF;
	v4 =	vshll.u32 v4, $0x11  }
0x5e: {  	v6 =	vadd.s32 $0x6D3E048F, v6;
	v7 =	vor.u32 v9, v7;
	v8 =	vadd.s32 $0x45A3D6BE, v8  }
0x5f: {  	v5 =	vor.u32 v10, v5;
	v3 =	vadd.s32 $0x6D3E048F, v3;
	v4 =	vor.u32 v11, v4  }
0x60: {  	v7 =	vxor.u32 v6, v7;
	v5 =	vxor.u32 v8, v5;
	v4 =	vxor.u32 v3, v4  }
0x61: {  	v6 =	vadd.s32 v6, v7;
	v9 =	vshrl.u32 v7, $0x3;
	v7 =	vshll.u32 v7, $0x1D  }
0x62: {  	v8 =	vadd.s32 v8, v5;
	v10 =	vshrl.u32 v5, $0x11;
	v5 =	vshll.u32 v5, $0xF  }
0x63: {  	v3 =	vadd.s32 v3, v4;
	v11 =	vshrl.u32 v4, $0x3;
	v4 =	vshll.u32 v4, $0x1D  }
0x64: {  	v7 =	vor.u32 v9, v7;
	v5 =	vor.u32 v10, v5;
	v4 =	vor.u32 v11, v4  }
0x65: {  	v7 =	vxor.u32 v6, v7;
	v5 =	vxor.u32 v8, v5;
	v4 =	vxor.u32 v3, v4  }
0x66: {  	v6 =	vadd.s32 v6, v7;
	v9 =	vshrl.u32 v7, $0x10;
	v7 =	vshll.u32 v7, $0x10  }
0x67: {  	v8 =	vadd.s32 v8, v5;
	v10 =	vshrl.u32 v5, $0x6;
	v5 =	vshll.u32 v5, $0x1A  }
0x68: {  	v3 =	vadd.s32 v3, v4;
	v11 =	vshrl.u32 v4, $0x10;
	v4 =	vshll.u32 v4, $0x10  }
0x69: {  	v7 =	vor.u32 v9, v7;
	v5 =	vor.u32 v10, v5;
	v4 =	vor.u32 v11, v4  }
0x6a: {  	v7 =	vxor.u32 v6, v7;
	v5 =	vxor.u32 v8, v5;
	v4 =	vxor.u32 v3, v4  }
0x6b: {  	v6 =	vadd.s32 v6, v7;
	v9 =	vshrl.u32 v7, $0x8;
	v7 =	vshll.u32 v7, $0x18  }
0x6c: {  	v8 =	vadd.s32 v8, v5;
	v10 =	vshrl.u32 v5, $0x1A;
	v5 =	vshll.u32 v5, $0x6  }
0x6d: {  	v3 =	vadd.s32 v3, v4;
	v11 =	vshrl.u32 v4, $0x8;
	v4 =	vshll.u32 v4, $0x18  }
0x6e: {  	v7 =	vor.u32 v9, v7;
	v5 =	vor.u32 v10, v5;
	v9 =	vadd.s32 $0xD260ABC8, v8  }
0x6f: {  	v4 =	vor.u32 v11, v4;
	v7 =	vxor.u32 v6, v7;
	v5 =	vxor.u32 v8, v5  }
0x70: {  	v4 =	vxor.u32 v3, v4;
	v7 =	vadd.s32 $0x66CD087C, v7;
	v5 =	vadd.s32 $0x8C1266B1, v5  }
0x71: {  	v4 =	vadd.s32 $0x66CD087C, v4;
	v6 =	vadd.s32 v7, v6;
	v8 =	vshrl.u32 v7, $0x13  }
0x72: {  	v3 =	vadd.s32 v4, v3;
	v10 =	vshrl.u32 v4, $0x13;
	v4 =	vshll.u32 v4, $0xD  }
0x73: {  	v7 =	vshll.u32 v7, $0xD;
	v3 =	vadd.s32 $0x1022172D, v3;
	v4 =	vor.u32 v10, v4  }
0x74: {  	v5 =	vxor.u32 v9, v5;
	v6 =	vadd.s32 $0x1022172D, v6;
	v4 =	vxor.u32 v3, v4  }
0x75: {  	v7 =	vor.u32 v8, v7;
	v9 =	vshrl.u32 v4, $0x11;
	v10 =	vshll.u32 v4, $0xF  }
0x76: {  	v8 =	vand.u32 $0xFFFF, v5;
	v3 =	vadd.s32 v3, v4;
	v4 =	vor.u32 v9, v10  }
0x77: {  	v7 =	vxor.u32 v6, v7;
	v9 =	vshrl.u32 v5, $0x10;
	v4 =	vxor.u32 v3, v4  }
0x78: {  	v8 =	vcvt.s32.f32 v8;
	v10 =	vshrl.u32 v4, $0x6;
	v11 =	vshll.u32 v4, $0x1A  }
0x79: {  	v9 =	vcvt.s32.f32 v9;
	v3 =	vadd.s32 v3, v4;
	v4 =	vor.u32 v10, v11  }
0x7a: {  	v6 =	vadd.s32 v6, v7;
	v10 =	vshrl.u32 v7, $0x11;
	v4 =	vxor.u32 v3, v4  }
0x7b: {  	v9 =	vmul.f32 $6.553600000e+04, v9;
	v11 =	vshrl.u32 v4, $0x1A;
	v12 =	vshll.u32 v4, $0x6  }
0x7c: {  	v7 =	vshll.u32 v7, $0xF;
	v3 =	vadd.s32 v3, v4;
	v4 =	vor.u32 v11, v12  }
0x7d: {  	v7 =	vor.u32 v10, v7;
	v8 =	vadd.f32 v8, v9;
	v4 =	vxor.u32 v3, v4  }
0x7e: {  	v7 =	vxor.u32 v6, v7;
	v3 =	vadd.s32 $0x66CD0878, v3;
	v4 =	vadd.s32 $0x6D3E0494, v4  }
0x7f: {  	v3 =	vxor.u32 v3, v4;
	v4 =	vadd.s32 v6, v7;
	v6 =	vmul.f32 $9.999999740e-06, v8  }
0x80: {  	v8 =	vshrl.u32 v7, $0x6;
	v7 =	vshll.u32 v7, $0x1A;
	v3 =	vshrl.u32 v3, $0x9  }
0x81: {  	v7 =	vor.u32 v8, v7;
	v3 =	vor.u32 $0x3F800000, v3;
	v6 =	vtrunc.f32 v6  }
0x82: {  	v7 =	vxor.u32 v4, v7;
	v3 =	vadd.f32 $-1.000000000e+00, v3;
	v6 =	vcvt.f32.s32 v6  }
0x83: {  	v4 =	vadd.s32 v4, v7;
	v8 =	vshrl.u32 v7, $0x1A;
	v7 =	vshll.u32 v7, $0x6  }
0x84: {  	v7 =	vor.u32 v8, v7;
	v8 =	vmul.f32 v3, v3;
	v6 =	vmul.u32 $0xFFFE7960, v6  }
0x85: {  	v7 =	vxor.u32 v4, v7;
	v4 =	vadd.s32 $0x66CD0878, v4  }
0x86: {  	v7 =	vadd.s32 $0x6D3E0494, v7;
	v8 =	vmul.f32 v8, v8;
	v5 =	vadd.s32 v5, v6  }
0x87: {  	s13 =	sshra.s32 s10, $0x2;
	s10 =	smov.u32 s11;
	v4 =	vxor.u32 v4, v7;
	vm0 =	vlt.s32 v5, $0x0;
	v6 =	vadd.s32 $0x186A0, v5  }
0x88: {  	v4 =	vshrl.u32 v4, $0x9;
	v7 =	vmul.f32 v8, v8;
	v5 =	vsel vm0, v6, v5;
	v6 =	vld [tilespmem:s13+$0x0]  }
0x89: {  	v4 =	vor.u32 $0x3F800000, v4;
	vm0 =	vgt.s32 v5, $0x1869F;
	v8 =	vadd.s32 $0xFFFE7960, v5  }
0x8a: {  	s12 =	sadd.s32 $0x10, s12;
	v4 =	vadd.f32 $-1.000000000e+00, v4;
	v3 =	vmul.f32 v7, v3;
	v5 =	vsel vm0, v8, v5  }
0x8b: {  	v7 =	vor.u32 s12, v0;
	v5 =	vcvt.s32.f32 v5  }
0x8c: {  	v9 =	vadd.s32 s12, v1;
	v8 =	vcvt.s32.f32 v7;
	vm0 =	vle.f32 v4, v3  }
0x8d: {  	v3 =	vshrl.u32 v9, $0x13;
	v4 =	vshll.u32 v9, $0xD;
	v5 =	vsel vm0, v5, v6  }
0x8e: {  	v3 =	vor.u32 v3, v4;
	v6 =	vmul.f32 $4.999999890e-03, v8;
	v8 =	vadd.s32 s12, v2;
	[tilespmem:s13+$0xC80] =	vst v5  }
0x8f: {  	v3 =	vxor.u32 v8, v3  }
0x90: {  	v4 =	vtrunc.f32 v6;
	v5 =	vshrl.u32 v3, $0x11;
	v6 =	vshll.u32 v3, $0xF  }
0x91: {  	v3 =	vadd.s32 v8, v3;
	v4 =	vcvt.f32.s32 v4;
	v5 =	vor.u32 v5, v6  }
0x92: {  	v5 =	vxor.u32 v3, v5  }
0x93: {  	v6 =	vmul.u32 $0x7FF38, v4;
	v8 =	vshrl.u32 v5, $0x6;
	v9 =	vshll.u32 v5, $0x1A  }
0x94: {  	v3 =	vadd.s32 v3, v5;
	v5 =	vor.u32 v8, v9  }
0x95: {  	v4 =	vshll.u32 v4, $0x1;
	v6 =	vadd.s32 v7, v6;
	v5 =	vxor.u32 v3, v5  }
0x96: {  	v6 =	vshll.u32 v6, $0xD;
	v7 =	vshrl.u32 v5, $0x1A;
	v8 =	vshll.u32 v5, $0x6  }
0x97: {  	v3 =	vadd.s32 v3, v5;
	v4 =	vadd.s32 v4, v6;
	v5 =	vor.u32 v7, v8  }
0x98: {  	v6 =	vadd.s32 $0x7D601BBD, v4;
	v5 =	vxor.u32 v3, v5  }
0x99: {  	v7 =	vadd.s32 $0x7D601BBC, v4;
	v8 =	vadd.s32 $0x1022172E, v4;
	v5 =	vadd.s32 $0xD260ABC9, v5  }
0x9a: {  	v4 =	vadd.s32 $0x1022172D, v4;
	v9 =	vshrl.u32 v8, $0x13;
	v8 =	vshll.u32 v8, $0xD  }
0x9b: {  	v3 =	vadd.s32 v5, v3;
	v10 =	vshrl.u32 v5, $0xF;
	v5 =	vshll.u32 v5, $0x11  }
0x9c: {  	v11 =	vshrl.u32 v4, $0x13;
	v4 =	vshll.u32 v4, $0xD;
	v8 =	vor.u32 v9, v8  }
0x9d: {  	v4 =	vor.u32 v11, v4;
	v3 =	vadd.s32 $0x45A3D6BE, v3;
	v5 =	vor.u32 v10, v5  }
0x9e: {  	v4 =	vxor.u32 v7, v4;
	v8 =	vxor.u32 v6, v8;
	v5 =	vxor.u32 v3, v5  }
0x9f: {  	v6 =	vadd.s32 v6, v8;
	v9 =	vshrl.u32 v8, $0x11;
	v8 =	vshll.u32 v8, $0xF  }
0xa0: {  	v3 =	vadd.s32 v3, v5;
	v10 =	vshrl.u32 v5, $0x3;
	v5 =	vshll.u32 v5, $0x1D  }
0xa1: {  	v7 =	vadd.s32 v7, v4;
	v11 =	vshrl.u32 v4, $0x11;
	v4 =	vshll.u32 v4, $0xF  }
0xa2: {  	v4 =	vor.u32 v11, v4;
	v8 =	vor.u32 v9, v8;
	v5 =	vor.u32 v10, v5  }
0xa3: {  	v4 =	vxor.u32 v7, v4;
	v8 =	vxor.u32 v6, v8;
	v5 =	vxor.u32 v3, v5  }
0xa4: {  	v6 =	vadd.s32 v6, v8;
	v9 =	vshrl.u32 v8, $0x6;
	v8 =	vshll.u32 v8, $0x1A  }
0xa5: {  	v3 =	vadd.s32 v3, v5;
	v10 =	vshrl.u32 v5, $0x10;
	v5 =	vshll.u32 v5, $0x10  }
0xa6: {  	v7 =	vadd.s32 v7, v4;
	v11 =	vshrl.u32 v4, $0x6;
	v4 =	vshll.u32 v4, $0x1A  }
0xa7: {  	v4 =	vor.u32 v11, v4;
	v8 =	vor.u32 v9, v8;
	v5 =	vor.u32 v10, v5  }
0xa8: {  	v4 =	vxor.u32 v7, v4;
	v8 =	vxor.u32 v6, v8;
	v5 =	vxor.u32 v3, v5  }
0xa9: {  	v6 =	vadd.s32 v6, v8;
	v9 =	vshrl.u32 v8, $0x1A;
	v8 =	vshll.u32 v8, $0x6  }
0xaa: {  	v10 =	vadd.s32 v3, v5;
	v11 =	vshrl.u32 v5, $0x8;
	v5 =	vshll.u32 v5, $0x18  }
0xab: {  	v3 =	vadd.s32 v7, v4;
	v7 =	vshrl.u32 v4, $0x1A;
	v4 =	vshll.u32 v4, $0x6  }
.Ltmp0:
0xac: {  	v4 =	vor.u32 v7, v4;
	v7 =	vor.u32 v9, v8;
	v5 =	vor.u32 v11, v5;
	(pc) =	sbr.rel @p0 .LBB2_2-.Ltmp0, $4  }
0xad: {  	v4 =	vxor.u32 v3, v4;
	v7 =	vxor.u32 v6, v7;
	v5 =	vxor.u32 v10, v5  }
0xae: {  	v4 =	vadd.s32 $0x66CD0879, v4;
	v8 =	vadd.s32 $0x66CD0879, v7;
	v11 =	vadd.s32 $0x8C1266AE, v5  }
0xaf: {  	v6 =	vadd.s32 v8, v6;
	v7 =	vshrl.u32 v8, $0xF;
	v9 =	vshll.u32 v8, $0x11  }
0xb0: {  	s11 =	sadd.s32 $0x40, s11;
	v10 =	vadd.s32 v11, v10;
	v5 =	vshrl.u32 v11, $0x13;
	v8 =	vshll.u32 v11, $0xD  }
0xb1: {  	v3 =	vadd.s32 v4, v3;
	v11 =	vshrl.u32 v4, $0xF;
	v58 =	vshll.u32 v4, $0x11  }
0xb2: {  	v6 =	vadd.s32 $0x1022172D, v6;
	v7 =	vor.u32 v7, v9;
	v59 =	vadd.s32 $0xD260ABC8, v10  }
0xb3: {  	v5 =	vor.u32 v5, v8;
	v3 =	vadd.s32 $0x1022172D, v3;
	v4 =	vor.u32 v11, v58  }
0xb4: {  	v7 =	vxor.u32 v6, v7;
	v5 =	vxor.u32 v59, v5;
	v4 =	vxor.u32 v3, v4  }
0xb5: {  	v6 =	vadd.s32 v6, v7;
	v60 =	vshrl.u32 v7, $0x3;
	v7 =	vshll.u32 v7, $0x1D  }
0xb6: {  	v9 =	vadd.s32 v59, v5;
	v61 =	vshrl.u32 v5, $0x11;
	v5 =	vshll.u32 v5, $0xF  }
0xb7: {  	v3 =	vadd.s32 v3, v4;
	v62 =	vshrl.u32 v4, $0x3;
	v4 =	vshll.u32 v4, $0x1D  }
0xb8: {  	v7 =	vor.u32 v60, v7;
	v5 =	vor.u32 v61, v5;
	v4 =	vor.u32 v62, v4  }
0xb9: {  	v7 =	vxor.u32 v6, v7;
	v5 =	vxor.u32 v9, v5;
	v4 =	vxor.u32 v3, v4  }
0xba: {  	v6 =	vadd.s32 v6, v7;
	v63 =	vshrl.u32 v7, $0x10;
	v7 =	vshll.u32 v7, $0x10  }
0xbb: {  	v9 =	vadd.s32 v9, v5;
	v12 =	vshrl.u32 v5, $0x6;
	v5 =	vshll.u32 v5, $0x1A  }
0xbc: {  	v3 =	vadd.s32 v3, v4;
	v13 =	vshrl.u32 v4, $0x10;
	v4 =	vshll.u32 v4, $0x10  }
0xbd: {  	v7 =	vor.u32 v63, v7;
	v5 =	vor.u32 v12, v5;
	v4 =	vor.u32 v13, v4  }
0xbe: {  	v7 =	vxor.u32 v6, v7;
	v5 =	vxor.u32 v9, v5;
	v4 =	vxor.u32 v3, v4  }
0xbf: {  	v6 =	vadd.s32 v6, v7;
	v14 =	vshrl.u32 v7, $0x8;
	v7 =	vshll.u32 v7, $0x18  }
0xc0: {  	v9 =	vadd.s32 v9, v5;
	v15 =	vshrl.u32 v5, $0x1A;
	v5 =	vshll.u32 v5, $0x6  }
0xc1: {  	v3 =	vadd.s32 v3, v4;
	v16 =	vshrl.u32 v4, $0x8;
	v4 =	vshll.u32 v4, $0x18  }
0xc2: {  	v7 =	vor.u32 v14, v7;
	v5 =	vor.u32 v15, v5;
	v4 =	vor.u32 v16, v4  }
0xc3: {  	v7 =	vxor.u32 v6, v7;
	v5 =	vxor.u32 v9, v5;
	v4 =	vxor.u32 v3, v4  }
0xc4: {  	v7 =	vadd.s32 $0x6D3E0491, v7;
	v5 =	vadd.s32 $0x45A3D6C1, v5;
	v4 =	vadd.s32 $0x6D3E0491, v4  }
0xc5: {  	v6 =	vadd.s32 v7, v6;
	v17 =	vshrl.u32 v7, $0x13;
	v7 =	vshll.u32 v7, $0xD  }
0xc6: {  	v9 =	vadd.s32 v5, v9;
	v18 =	vshrl.u32 v5, $0xF;
	v5 =	vshll.u32 v5, $0x11  }
0xc7: {  	v3 =	vadd.s32 v4, v3;
	v19 =	vshrl.u32 v4, $0x13;
	v4 =	vshll.u32 v4, $0xD  }
0xc8: {  	v6 =	vadd.s32 $0x66CD0878, v6;
	v7 =	vor.u32 v17, v7;
	v20 =	vadd.s32 $0x8C1266AC, v9  }
0xc9: {  	v5 =	vor.u32 v18, v5;
	v3 =	vadd.s32 $0x66CD0878, v3;
	v4 =	vor.u32 v19, v4  }
0xca: {  	v7 =	vxor.u32 v6, v7;
	v5 =	vxor.u32 v20, v5;
	v4 =	vxor.u32 v3, v4  }
0xcb: {  	v6 =	vadd.s32 v6, v7;
	v21 =	vshrl.u32 v7, $0x11;
	v7 =	vshll.u32 v7, $0xF  }
0xcc: {  	v8 =	vadd.s32 v20, v5;
	v22 =	vshrl.u32 v5, $0x3;
	v5 =	vshll.u32 v5, $0x1D  }
0xcd: {  	v3 =	vadd.s32 v3, v4;
	v23 =	vshrl.u32 v4, $0x11;
	v4 =	vshll.u32 v4, $0xF  }
0xce: {  	v7 =	vor.u32 v21, v7;
	v5 =	vor.u32 v22, v5;
	v4 =	vor.u32 v23, v4  }
0xcf: {  	v7 =	vxor.u32 v6, v7;
	v5 =	vxor.u32 v8, v5;
	v4 =	vxor.u32 v3, v4  }
0xd0: {  	v6 =	vadd.s32 v6, v7;
	v24 =	vshrl.u32 v7, $0x6;
	v7 =	vshll.u32 v7, $0x1A  }
0xd1: {  	v8 =	vadd.s32 v8, v5;
	v25 =	vshrl.u32 v5, $0x10;
	v5 =	vshll.u32 v5, $0x10  }
0xd2: {  	v3 =	vadd.s32 v3, v4;
	v26 =	vshrl.u32 v4, $0x6;
	v4 =	vshll.u32 v4, $0x1A  }
0xd3: {  	v7 =	vor.u32 v24, v7;
	v5 =	vor.u32 v25, v5;
	v4 =	vor.u32 v26, v4  }
0xd4: {  	v7 =	vxor.u32 v6, v7;
	v5 =	vxor.u32 v8, v5;
	v4 =	vxor.u32 v3, v4  }
0xd5: {  	v6 =	vadd.s32 v6, v7;
	v27 =	vshrl.u32 v7, $0x1A;
	v7 =	vshll.u32 v7, $0x6  }
0xd6: {  	v8 =	vadd.s32 v8, v5;
	v28 =	vshrl.u32 v5, $0x8;
	v5 =	vshll.u32 v5, $0x18  }
0xd7: {  	v3 =	vadd.s32 v3, v4;
	v29 =	vshrl.u32 v4, $0x1A;
	v4 =	vshll.u32 v4, $0x6  }
0xd8: {  	v7 =	vor.u32 v27, v7;
	v5 =	vor.u32 v28, v5;
	v4 =	vor.u32 v29, v4  }
0xd9: {  	v7 =	vxor.u32 v6, v7;
	v5 =	vxor.u32 v8, v5;
	v4 =	vxor.u32 v3, v4  }
0xda: {  	v7 =	vadd.s32 $0x10221730, v7;
	v5 =	vadd.s32 $0xD260ABCC, v5;
	v4 =	vadd.s32 $0x10221730, v4  }
0xdb: {  	v6 =	vadd.s32 v7, v6;
	v30 =	vshrl.u32 v7, $0xF;
	v7 =	vshll.u32 v7, $0x11  }
0xdc: {  	v8 =	vadd.s32 v5, v8;
	v31 =	vshrl.u32 v5, $0x13;
	v5 =	vshll.u32 v5, $0xD  }
0xdd: {  	v3 =	vadd.s32 v4, v3;
	v32 =	vshrl.u32 v4, $0xF;
	v4 =	vshll.u32 v4, $0x11  }
0xde: {  	v6 =	vadd.s32 $0x6D3E048F, v6;
	v7 =	vor.u32 v30, v7;
	v8 =	vadd.s32 $0x45A3D6BE, v8  }
0xdf: {  	v5 =	vor.u32 v31, v5;
	v3 =	vadd.s32 $0x6D3E048F, v3;
	v4 =	vor.u32 v32, v4  }
0xe0: {  	v7 =	vxor.u32 v6, v7;
	v5 =	vxor.u32 v8, v5;
	v4 =	vxor.u32 v3, v4  }
0xe1: {  	v6 =	vadd.s32 v6, v7;
	v33 =	vshrl.u32 v7, $0x3;
	v7 =	vshll.u32 v7, $0x1D  }
0xe2: {  	v8 =	vadd.s32 v8, v5;
	v34 =	vshrl.u32 v5, $0x11;
	v5 =	vshll.u32 v5, $0xF  }
0xe3: {  	v3 =	vadd.s32 v3, v4;
	v35 =	vshrl.u32 v4, $0x3;
	v4 =	vshll.u32 v4, $0x1D  }
0xe4: {  	v7 =	vor.u32 v33, v7;
	v5 =	vor.u32 v34, v5;
	v4 =	vor.u32 v35, v4  }
0xe5: {  	v7 =	vxor.u32 v6, v7;
	v5 =	vxor.u32 v8, v5;
	v4 =	vxor.u32 v3, v4  }
0xe6: {  	v6 =	vadd.s32 v6, v7;
	v36 =	vshrl.u32 v7, $0x10;
	v7 =	vshll.u32 v7, $0x10  }
0xe7: {  	v8 =	vadd.s32 v8, v5;
	v37 =	vshrl.u32 v5, $0x6;
	v5 =	vshll.u32 v5, $0x1A  }
0xe8: {  	v3 =	vadd.s32 v3, v4;
	v38 =	vshrl.u32 v4, $0x10;
	v4 =	vshll.u32 v4, $0x10  }
0xe9: {  	v7 =	vor.u32 v36, v7;
	v5 =	vor.u32 v37, v5;
	v4 =	vor.u32 v38, v4  }
0xea: {  	v7 =	vxor.u32 v6, v7;
	v5 =	vxor.u32 v8, v5;
	v4 =	vxor.u32 v3, v4  }
0xeb: {  	v6 =	vadd.s32 v6, v7;
	v39 =	vshrl.u32 v7, $0x8;
	v7 =	vshll.u32 v7, $0x18  }
0xec: {  	v8 =	vadd.s32 v8, v5;
	v40 =	vshrl.u32 v5, $0x1A;
	v5 =	vshll.u32 v5, $0x6  }
0xed: {  	v3 =	vadd.s32 v3, v4;
	v41 =	vshrl.u32 v4, $0x8;
	v4 =	vshll.u32 v4, $0x18  }
0xee: {  	v7 =	vor.u32 v39, v7;
	v5 =	vor.u32 v40, v5;
	v42 =	vadd.s32 $0xD260ABC8, v8  }
0xef: {  	v4 =	vor.u32 v41, v4;
	v7 =	vxor.u32 v6, v7;
	v5 =	vxor.u32 v8, v5  }
0xf0: {  	v4 =	vxor.u32 v3, v4;
	v7 =	vadd.s32 $0x66CD087C, v7;
	v5 =	vadd.s32 $0x8C1266B1, v5  }
0xf1: {  	v4 =	vadd.s32 $0x66CD087C, v4;
	v6 =	vadd.s32 v7, v6;
	v43 =	vshrl.u32 v7, $0x13  }
0xf2: {  	v7 =	vshll.u32 v7, $0xD;
	v5 =	vxor.u32 v42, v5;
	v3 =	vadd.s32 v4, v3  }
0xf3: {  	v44 =	vshrl.u32 v4, $0x13;
	v4 =	vshll.u32 v4, $0xD;
	v6 =	vadd.s32 $0x1022172D, v6  }
0xf4: {  	v7 =	vor.u32 v43, v7;
	v3 =	vadd.s32 $0x1022172D, v3;
	v4 =	vor.u32 v44, v4  }
0xf5: {  	v48 =	vand.u32 $0xFFFF, v5;
	v49 =	vshrl.u32 v5, $0x10;
	v4 =	vxor.u32 v3, v4  }
0xf6: {  	v7 =	vxor.u32 v6, v7;
	v45 =	vshrl.u32 v4, $0x11;
	v46 =	vshll.u32 v4, $0xF  }
0xf7: {  	v8 =	vcvt.s32.f32 v48;
	v3 =	vadd.s32 v3, v4;
	v47 =	vor.u32 v45, v46  }
0xf8: {  	v9 =	vcvt.s32.f32 v49;
	v6 =	vadd.s32 v6, v7;
	v4 =	vxor.u32 v3, v47  }
0xf9: {  	v53 =	vshrl.u32 v7, $0x11;
	v50 =	vshrl.u32 v4, $0x6;
	v51 =	vshll.u32 v4, $0x1A  }
0xfa: {  	v7 =	vshll.u32 v7, $0xF;
	v3 =	vadd.s32 v3, v4;
	v52 =	vor.u32 v50, v51  }
0xfb: {  	v9 =	vmul.f32 $6.553600000e+04, v9;
	v7 =	vor.u32 v53, v7;
	v4 =	vxor.u32 v3, v52  }
0xfc: {  	v7 =	vxor.u32 v6, v7;
	v54 =	vshrl.u32 v4, $0x1A;
	v12 =	vshll.u32 v4, $0x6  }
0xfd: {  	v8 =	vadd.f32 v8, v9;
	v3 =	vadd.s32 v3, v4;
	v55 =	vor.u32 v54, v12  }
0xfe: {  	v56 =	vadd.s32 v6, v7;
	v4 =	vxor.u32 v3, v55  }
0xff: {  	v57 =	vmul.f32 $9.999999740e-06, v8;
	v3 =	vadd.s32 $0x66CD0878, v3;
	v4 =	vadd.s32 $0x6D3E0494, v4  }
0x100: {  	v58 =	vshrl.u32 v7, $0x6;
	v7 =	vshll.u32 v7, $0x1A;
	v3 =	vxor.u32 v3, v4  }
0x101: {  	v7 =	vor.u32 v58, v7;
	v6 =	vtrunc.f32 v57;
	v3 =	vshrl.u32 v3, $0x9  }
0x102: {  	v7 =	vxor.u32 v56, v7;
	v6 =	vcvt.f32.s32 v6;
	v3 =	vor.u32 $0x3F800000, v3  }
0x103: {  	v59 =	vshrl.u32 v7, $0x1A;
	v3 =	vadd.f32 $-1.000000000e+00, v3  }
0x104: {  	v6 =	vmul.u32 $0xFFFE7960, v6;
	v4 =	vadd.s32 v56, v7;
	v7 =	vshll.u32 v7, $0x6  }
0x105: {  	v7 =	vor.u32 v59, v7;
	v60 =	vmul.f32 v3, v3  }
0x106: {  	v5 =	vadd.s32 v5, v6;
	v7 =	vxor.u32 v4, v7  }
0x107: {  	v4 =	vadd.s32 $0x66CD0878, v4;
	v7 =	vadd.s32 $0x6D3E0494, v7;
	v8 =	vmul.f32 v60, v60  }
0x108: {  	s10 =	sshra.s32 s10, $0x2;
	vm0 =	vlt.s32 v5, $0x0;
	v6 =	vadd.s32 $0x186A0, v5;
	v4 =	vxor.u32 v4, v7  }
0x109: {  	v62 =	vld [tilespmem:s10+$0x0];
	v5 =	vsel vm0, v6, v5;
	v4 =	vshrl.u32 v4, $0x9;
	v61 =	vmul.f32 v8, v8  }
0x10a: {  	vm0 =	vgt.s32 v5, $0x1869F;
	v63 =	vadd.s32 $0xFFFE7960, v5;
	v4 =	vor.u32 $0x3F800000, v4  }
0x10b: {  	v5 =	vsel vm0, v63, v5;
	v4 =	vadd.f32 $-1.000000000e+00, v4;
	v3 =	vmul.f32 v61, v3  }
0x10c: {  	v5 =	vcvt.s32.f32 v5  }
0x10d: {  	s9 =	sadd.s32 $0x1, s9;
	vm15 =	vle.f32 v4, v3  }
0x10e: {  	p0 =	sne.s32 s9, s5;
	v3 =	vsel vm15, v5, v62  }
.Ltmp1:
0x10f: {  	[tilespmem:s10+$0xC80] =	vst v3;
	(pc) =	sbr.rel @p0 .LBB2_1-.Ltmp1, $4  }
0x110: {  	[hbm4b:s4+s2] =	stream.linear.scatter [tilespmem:s8], [sflag:$0x1], $0xC80, $0x38;
	[tilespmem:$0x1900] =	vst v63  }
0x111: {  	_ =	swait.ge [sflag:s7], $0xC80  }
0x112: {  	[sflag:s7] =	ssyncset.done $0x0  }
0x113: {  	[sflag:s7] =	ssyncadd.s32 $0xFFFFF380  }
0x114: {  	_ =	sfence.sel $0x180000  }
0x115: {  	[bflag:$0x0] =	sbarrier.arrive $0xFFFF  }
0x116: {  	p0 =	sne.s32 s0, $0x0;
	_ =	strace $0x90000047  }
0x117: {  	s0 =	sadd.s32 @!p0 $0x100000, s1;
	[bflag:$0x2] =	sbarrier.arrive $0xFFFF  }
0x118: {  	[sflag:s0] =	ssyncadd.tile.s32 @!p0 $0x1;
	_ =	shalt  }
.Lfunc_end2:
_tile_overlayer_lowered:
.L_overlay_start_2:
0x119: {  	(tag) =	ssettag $0x2  }
0x11a: {  	s0 =	rddreg [dreg:$0x0];
	s2 =	stileid.u32  }
0x11b: {  	s1 =	rddreg [dreg:$0x1];
	p0 =	sne.s32 s2, $0x0  }
0x11c: {  	s3 =	rddreg [dreg:$0x2];
	[bflag:$0x3] =	sbarrier.arrive $0xFFFF;
	s2 =	simm.s32 @!p0 $0x1C01  }
0x11d: {  	[timem:s3], [sflag:s2] =	dma.local @!p0 [hbm:s0], s1  }
0x11e: {  	s0 =	simm.s32 @!p0 $0x1  }
0x11f: {  	_ =	swait.ge @!p0 [sflag:s0], s1  }
0x120: {  	s1 =	ssub.s32 @!p0 $0x0, s1;
	[sflag:s0] =	ssyncset.done @!p0 $0x0  }
0x121: {  	[sflag:s0] =	ssyncadd.s32 @!p0 s1  }
0x122: {  	[bflag:$0x3] =	sbarrier.arrive $0xFFFF  }
0x123: {  	_ =	shalt  }

</sc_bundles>
